<compile_context>
chip_gen: v7x
topology: tpu7x:2x2x1
jax: 0.10.2.dev20260603
libtpu: 0.0.44.dev20260713+nightly
codegen_flags: <defaults>
</compile_context>

<pallas_src>
import functools

import jax
import jax.numpy as jnp
from jax import lax
from jax.experimental import pallas as pl
from jax.experimental.pallas import tpu as pltpu
from jax.experimental.pallas import tpu_sc as plsc

N = 10000
E = 320000
D = 128
NC = 2
NS = 16
NW = NC * NS
CH = 128
N1 = 10240
NCHUNK = 80
NPAIR = NCHUNK // 2
EPT = NCHUNK * CH
EP = EPT * NW
TOTCH = EP // CH
RPS = N1 // NS

_mesh = plsc.VectorSubcoreMesh(
    core_axis_name="c", subcore_axis_name="s", num_cores=NC, num_subcores=NS
)



@functools.partial(
    pl.kernel,
    out_type=jax.ShapeDtypeStruct((NC, N1), jnp.float32),
    mesh=_mesh,
    scratch_types=[
        pltpu.VMEM((2, CH), jnp.int32),
        pltpu.VMEM((2, CH), jnp.int32),
        pltpu.VMEM((CH,), jnp.float32),
        pltpu.VMEM((RPS,), jnp.float32),
        pltpu.VMEM_SHARED((N1,), jnp.float32),
        pltpu.SemaphoreType.DMA,
        pltpu.SemaphoreType.DMA,
    ],
)
def _deg_kernel(eidx_hbm, out_hbm, e0_v, e1_v, ones_v, z_v, dacc_sh,
                semi0, semi1):
    c = lax.axis_index("c")
    s = lax.axis_index("s")
    w = s * NC + c
    eidx = (e0_v, e1_v)
    semi = (semi0, semi1)
    base = w * NCHUNK

    def fetch_idx(i, j2):
        pltpu.async_copy(eidx_hbm.at[base + i], eidx[j2], semi[j2])

    def scatter_ones(j2):
        pltpu.make_async_copy(eidx_hbm.at[0], eidx[j2], semi[j2]).wait()
        pltpu.sync_copy(ones_v, dacc_sh.at[eidx[j2].at[1]], add=True)

    fetch_idx(0, 0)
    fetch_idx(1, 1)

    def initbuf(j, carry):
        ones_v[pl.ds(j * 16, 16)] = jnp.ones((16,), jnp.float32)
        return carry

    lax.fori_loop(0, CH // 16, initbuf, 0)

    def zerobuf(j, carry):
        z_v[pl.ds(j * 16, 16)] = jnp.zeros((16,), jnp.float32)
        return carry

    lax.fori_loop(0, RPS // 16, zerobuf, 0)
    pltpu.sync_copy(z_v, dacc_sh.at[pl.ds(s * RPS, RPS)])
    plsc.subcore_barrier()

    def pair(i2, carry):
        a = 2 * i2
        scatter_ones(0)
        fetch_idx(a + 2, 0)
        scatter_ones(1)
        fetch_idx(a + 3, 1)
        return carry

    lax.fori_loop(0, NPAIR - 1, pair, 0)
    scatter_ones(0)
    scatter_ones(1)
    plsc.subcore_barrier()
    pltpu.sync_copy(dacc_sh.at[pl.ds(s * RPS, RPS)],
                    out_hbm.at[c].at[pl.ds(s * RPS, RPS)])


@functools.partial(
    pl.kernel,
    out_type=jax.ShapeDtypeStruct((NC, N1, D), jnp.float32),
    mesh=_mesh,
    scratch_types=[
        pltpu.VMEM((2, CH), jnp.int32),
        pltpu.VMEM((2, CH), jnp.int32),
        pltpu.VMEM((2, CH), jnp.int32),
        pltpu.VMEM((2, CH), jnp.int32),
        pltpu.VMEM((CH, D), jnp.float32),
        pltpu.VMEM((CH, D), jnp.float32),
        pltpu.VMEM_SHARED((N1, D), jnp.float32),
        pltpu.SemaphoreType.DMA,
        pltpu.SemaphoreType.DMA,
        pltpu.SemaphoreType.DMA,
        pltpu.SemaphoreType.DMA,
        pltpu.SemaphoreType.DMA,
        pltpu.SemaphoreType.DMA,
    ],
)
def _hop_kernel(x_hbm, eidx_hbm, zeros_hbm, out_hbm,
                e0_v, e1_v, e2_v, e3_v, rows0_v, rows1_v, acc_sh,
                semi0, semi1, semi2, semi3, semg0, semg1):
    c = lax.axis_index("c")
    s = lax.axis_index("s")
    w = s * NC + c

    eidx = (e0_v, e1_v, e2_v, e3_v)
    semi = (semi0, semi1, semi2, semi3)
    rows = (rows0_v, rows1_v)
    semg = (semg0, semg1)
    base = w * NCHUNK

    def fetch_idx(i, j4):
        pltpu.async_copy(eidx_hbm.at[base + i], eidx[j4], semi[j4])

    def gather(j4, j2):
        pltpu.make_async_copy(eidx_hbm.at[0], eidx[j4], semi[j4]).wait()
        pltpu.async_copy(x_hbm.at[eidx[j4].at[0]], rows[j2], semg[j2])

    def scatter(j4, j2):
        pltpu.make_async_copy(
            x_hbm.at[pl.ds(0, CH)], rows[j2], semg[j2]).wait()
        pltpu.sync_copy(rows[j2], acc_sh.at[eidx[j4].at[1]], add=True)

    fetch_idx(0, 0)
    fetch_idx(1, 1)
    fetch_idx(2, 2)
    fetch_idx(3, 3)
    gather(0, 0)
    pltpu.sync_copy(zeros_hbm.at[pl.ds(s * RPS, RPS)],
                    acc_sh.at[pl.ds(s * RPS, RPS)])
    plsc.subcore_barrier()

    def group(i4, carry):
        a = 4 * i4
        gather(1, 1)
        scatter(0, 0)
        fetch_idx(a + 4, 0)
        gather(2, 0)
        scatter(1, 1)
        fetch_idx(a + 5, 1)
        gather(3, 1)
        scatter(2, 0)
        fetch_idx(a + 6, 2)
        gather(0, 0)
        scatter(3, 1)
        fetch_idx(a + 7, 3)
        return carry

    lax.fori_loop(0, (NCHUNK - 4) // 4, group, 0)
    gather(1, 1)
    scatter(0, 0)
    gather(2, 0)
    scatter(1, 1)
    gather(3, 1)
    scatter(2, 0)
    scatter(3, 1)
    plsc.subcore_barrier()
    pltpu.sync_copy(acc_sh.at[pl.ds(s * RPS, RPS)],
                    out_hbm.at[c].at[pl.ds(s * RPS, RPS)])



def _norm_from(d0, d1):
    deg = d0 + d1
    return jnp.where(deg > 0, lax.rsqrt(jnp.maximum(deg, 1e-12)), 0.0)


def _prescale_body(f_ref, d0_ref, d1_ref, o_ref):
    o_ref[...] = f_ref[...] * _norm_from(d0_ref[...], d1_ref[...])


def _mid_body(p0_ref, p1_ref, d0_ref, d1_ref, o_ref):
    nrm = _norm_from(d0_ref[...], d1_ref[...])
    o_ref[...] = (p0_ref[...] + p1_ref[...]) * (nrm * nrm)


def _final_body(p0_ref, p1_ref, d0_ref, d1_ref, w_ref, b_ref, o_ref):
    h = (p0_ref[...] + p1_ref[...]) * _norm_from(d0_ref[...], d1_ref[...])
    o_ref[...] = (
        jnp.dot(h, w_ref[...], preferred_element_type=jnp.float32) + b_ref[...]
    )


_f32 = jnp.float32
_prescale = pl.pallas_call(
    _prescale_body, out_shape=jax.ShapeDtypeStruct((N1, D), _f32))
_mid = pl.pallas_call(
    _mid_body, out_shape=jax.ShapeDtypeStruct((N1, D), _f32))
_final = pl.pallas_call(
    _final_body, out_shape=jax.ShapeDtypeStruct((N1, D), _f32))



def kernel(feat, edge_index, W, b):
    src = edge_index[0].astype(jnp.int32)
    dst = edge_index[1].astype(jnp.int32)
    pad = EP - E
    padidx = N + (jnp.arange(pad, dtype=jnp.int32) % (N1 - N))
    srcp = jnp.concatenate([src, padidx]).reshape(TOTCH, CH)
    dstp = jnp.concatenate([dst, padidx]).reshape(TOTCH, CH)
    eidx = jnp.stack([srcp, dstp], axis=1)
    featp = jnp.concatenate(
        [feat.astype(_f32), jnp.zeros((N1 - N, D), _f32)])
    zeros2d = jnp.zeros((N1, D), _f32)

    degs = _deg_kernel(eidx)
    d0 = degs[0].reshape(N1, 1)
    d1 = degs[1].reshape(N1, 1)

    x0 = _prescale(featp, d0, d1)
    p = _hop_kernel(x0, eidx, zeros2d)
    x1 = _mid(p[0], p[1], d0, d1)
    q = _hop_kernel(x1, eidx, zeros2d)
    outp = _final(q[0], q[1], d0, d1, W.astype(_f32),
                  b.astype(_f32).reshape(1, D))
    return outp[:N]

# --- scband reference (transcript-rebuilt; emitter-appended) ---
"""Pipeline reference for scband-sgc-8014408975026 (READ-ONLY COPY).

The authoritative reference and input builder live on the scoring server;
editing this copy changes nothing except your own understanding.
"""

import jax, jax.numpy as jnp
import numpy as np

N_NODES = 10000
N_EDGES = 320000
D_IN = 128
D_OUT = 128
K_HOPS = 2


def setup_inputs(seed: int = 0) -> dict:
    key = jax.random.key(seed)
    k1, k2, k3, k4 = jax.random.split(key, 4)
    feat = jax.random.normal(k1, (N_NODES, D_IN), dtype=jnp.float32)
    edge_index = jax.random.randint(k2, (2, N_EDGES), 0, N_NODES, dtype=jnp.int64)
    # Linear layer parameters (nn.Linear(in_features, out_features)) with Glorot-ish init
    lim = 1.0 / np.sqrt(D_IN)
    W = jax.random.uniform(k3, (D_IN, D_OUT), dtype=jnp.float32, minval=-lim, maxval=lim)
    b = jax.random.uniform(k4, (D_OUT,), dtype=jnp.float32, minval=-lim, maxval=lim)
    return {"feat": feat, "edge_index": edge_index, "W": W, "b": b}


def reference(feat, edge_index, W, b):
    # SGC / SGConv: k rounds of symmetric-normalized propagation, then a single
    # linear transform: h = (D^{-1/2} A D^{-1/2})^k X W + b
    src = edge_index[0]
    dst = edge_index[1]
    n = feat.shape[0]
    # in-degree based normalization (DGL SGConv uses in_degrees, clamped to >= 1 via pow on float, 0-deg -> inf handled with where)
    deg = jnp.zeros((n,), dtype=feat.dtype).at[dst].add(1.0)
    norm = jnp.where(deg > 0, jax.lax.rsqrt(jnp.maximum(deg, 1e-12)), 0.0)[:, None]
    h = feat
    for _ in range(K_HOPS):
        h = h * norm
        h = jax.ops.segment_sum(h[src], dst, num_segments=n)
        h = h * norm
    out = h @ W + b
    return out

if __name__ == "__main__":
    import jax
    _d = setup_inputs()
    print(jax.jit(kernel)(*tuple(_d.values())))

</pallas_src>

<mosaic_0001>
#map = affine_map<(d0, d1) -> (0, 0, 0)>
#map1 = affine_map<(d0, d1) -> (0, 0)>
module attributes {stable_mosaic.version = 14 : i64} {
  func.func @_deg_kernel(%arg0: i32, %arg1: i32, %arg2: memref<2560x2x128xi32, #tpu.memory_space<hbm>>, %arg3: memref<2x10240xf32, #tpu.memory_space<hbm>>, %arg4: memref<2x128xi32, #tpu.memory_space<vmem>>, %arg5: memref<2x128xi32, #tpu.memory_space<vmem>>, %arg6: memref<128xf32, #tpu.memory_space<vmem>>, %arg7: memref<640xf32, #tpu.memory_space<vmem>>, %arg8: memref<10240xf32, #tpu.memory_space<vmem_shared>>, %arg9: memref<!tpu.dma_semaphore, #tpu.memory_space<semaphore_mem>>, %arg10: memref<!tpu.dma_semaphore, #tpu.memory_space<semaphore_mem>>) attributes {dimension_semantics = [#tpu.dimension_semantics<core_parallel>, #tpu.dimension_semantics<subcore_parallel>], iteration_bounds = array<i64: 2, 16>, scalar_prefetch = 0 : i64, scratch_operands = 7 : i64, tpu.core_type = #tpu.core_type<sc_vector_subcore>, window_params = [{transform_indices = #map}, {transform_indices = #map1}]} {
    %mul3A = arith.constant 2 : i32
    %mul3A_0 = arith.muli %arg1, %mul3A : i32
    %add3A = arith.addi %mul3A_0, %arg0 : i32
    %mul3A_1 = arith.constant 80 : i32
    %mul3A_2 = arith.muli %add3A, %mul3A_1 : i32
    %add3A_3 = arith.constant 0 : i32
    %add3A_4 = arith.addi %mul3A_2, %add3A_3 : i32
    %dma_start3A = arith.constant 0 : i32
    %dma_start3A_5 = arith.constant 0 : i32
    %dma_start3A_6 = tpu.memref_slice %arg2[%add3A_4, %dma_start3A, %dma_start3A_5] : memref<2560x2x128xi32, #tpu.memory_space<hbm>> -> memref<1x2x128xi32, #tpu.memory_space<hbm>>
    %dma_start3A_7 = tpu.memref_squeeze %dma_start3A_6 : memref<1x2x128xi32, #tpu.memory_space<hbm>> -> memref<2x128xi32, #tpu.memory_space<hbm>>
    %dma_start3A_8 = arith.constant 0 : i32
    %dma_start3A_9 = arith.constant 0 : i32
    %dma_start3A_10 = tpu.memref_slice %arg2[%add3A_4, %dma_start3A_8, %dma_start3A_9] : memref<2560x2x128xi32, #tpu.memory_space<hbm>> -> memref<1x2x128xi32, #tpu.memory_space<hbm>>
    %dma_start3A_11 = tpu.memref_squeeze %dma_start3A_10 : memref<1x2x128xi32, #tpu.memory_space<hbm>> -> memref<2x128xi32, #tpu.memory_space<hbm>>
    tpu.enqueue_dma source(%dma_start3A_11 : memref<2x128xi32, #tpu.memory_space<hbm>>) target(%arg4 : memref<2x128xi32, #tpu.memory_space<vmem>>) target_semaphore(%arg9 : memref<!tpu.dma_semaphore, #tpu.memory_space<semaphore_mem>>)
    %add3A_12 = arith.constant 1 : i32
    %add3A_13 = arith.addi %mul3A_2, %add3A_12 : i32
    %dma_start3A_14 = arith.constant 0 : i32
    %dma_start3A_15 = arith.constant 0 : i32
    %dma_start3A_16 = tpu.memref_slice %arg2[%add3A_13, %dma_start3A_14, %dma_start3A_15] : memref<2560x2x128xi32, #tpu.memory_space<hbm>> -> memref<1x2x128xi32, #tpu.memory_space<hbm>>
    %dma_start3A_17 = tpu.memref_squeeze %dma_start3A_16 : memref<1x2x128xi32, #tpu.memory_space<hbm>> -> memref<2x128xi32, #tpu.memory_space<hbm>>
    %dma_start3A_18 = arith.constant 0 : i32
    %dma_start3A_19 = arith.constant 0 : i32
    %dma_start3A_20 = tpu.memref_slice %arg2[%add3A_13, %dma_start3A_18, %dma_start3A_19] : memref<2560x2x128xi32, #tpu.memory_space<hbm>> -> memref<1x2x128xi32, #tpu.memory_space<hbm>>
    %dma_start3A_21 = tpu.memref_squeeze %dma_start3A_20 : memref<1x2x128xi32, #tpu.memory_space<hbm>> -> memref<2x128xi32, #tpu.memory_space<hbm>>
    tpu.enqueue_dma source(%dma_start3A_21 : memref<2x128xi32, #tpu.memory_space<hbm>>) target(%arg5 : memref<2x128xi32, #tpu.memory_space<vmem>>) target_semaphore(%arg10 : memref<!tpu.dma_semaphore, #tpu.memory_space<semaphore_mem>>)
    %scan3A = arith.constant 0 : i32
    %scan3A_22 = arith.constant 0 : i32
    %scan3A_23 = arith.constant 8 : i32
    %scan3A_24 = arith.addi %scan3A_22, %scan3A_23 : i32
    %scan3A_25 = arith.constant 1 : i32
    scf.for %scan3A_64 = %scan3A_22 to %scan3A_24 step %scan3A_25  : i32 {
      %broadcast_in_dim3A = arith.constant 1.000000e+00 : f32
      %broadcast_in_dim3A_65 = vector.broadcast %broadcast_in_dim3A : f32 to vector<16xf32>
      %mul3A_66 = arith.constant 16 : i32
      %mul3A_67 = arith.muli %scan3A_64, %mul3A_66 : i32
      %swap3A = arith.index_cast %mul3A_67 : i32 to index
      %swap3A_68 = tpu.vector_load %arg6[%swap3A] {strides = array<i32>} : memref<128xf32, #tpu.memory_space<vmem>>, vector<16xf32>,
      %swap3A_69 = vector.shape_cast %swap3A_68 : vector<16xf32> to vector<16xf32>
      %swap3A_70 = vector.shape_cast %broadcast_in_dim3A_65 : vector<16xf32> to vector<16xf32>
      tpu.vector_store %arg6[%swap3A], %swap3A_70 {strides = array<i32>} : memref<128xf32, #tpu.memory_space<vmem>>, vector<16xf32>,
    }
    %scan3A_26 = arith.constant 8 : i32
    %scan3A_27 = arith.constant 0 : i32
    %scan3A_28 = arith.constant 0 : i32
    %scan3A_29 = arith.constant 40 : i32
    %scan3A_30 = arith.addi %scan3A_28, %scan3A_29 : i32
    %scan3A_31 = arith.constant 1 : i32
    scf.for %scan3A_64 = %scan3A_28 to %scan3A_30 step %scan3A_31  : i32 {
      %broadcast_in_dim3A = arith.constant 0.000000e+00 : f32
      %broadcast_in_dim3A_65 = vector.broadcast %broadcast_in_dim3A : f32 to vector<16xf32>
      %mul3A_66 = arith.constant 16 : i32
      %mul3A_67 = arith.muli %scan3A_64, %mul3A_66 : i32
      %swap3A = arith.index_cast %mul3A_67 : i32 to index
      %swap3A_68 = tpu.vector_load %arg7[%swap3A] {strides = array<i32>} : memref<640xf32, #tpu.memory_space<vmem>>, vector<16xf32>,
      %swap3A_69 = vector.shape_cast %swap3A_68 : vector<16xf32> to vector<16xf32>
      %swap3A_70 = vector.shape_cast %broadcast_in_dim3A_65 : vector<16xf32> to vector<16xf32>
      tpu.vector_store %arg7[%swap3A], %swap3A_70 {strides = array<i32>} : memref<640xf32, #tpu.memory_space<vmem>>, vector<16xf32>,
    }
    %scan3A_32 = arith.constant 40 : i32
    %mul3A_33 = arith.constant 640 : i32
    %mul3A_34 = arith.muli %arg1, %mul3A_33 : i32
    "tpu.region"() ({
      %run_scoped3A_64 = tpu.sem_alloc : memref<!tpu.dma_semaphore, #tpu.memory_space<semaphore_mem>>
      %dma_start3A_65 = tpu.memref_slice %arg8[%mul3A_34] : memref<10240xf32, #tpu.memory_space<vmem_shared>> -> memref<640xf32, #tpu.memory_space<vmem_shared>>
      %dma_start3A_66 = tpu.memref_slice %arg8[%mul3A_34] : memref<10240xf32, #tpu.memory_space<vmem_shared>> -> memref<640xf32, #tpu.memory_space<vmem_shared>>
      tpu.enqueue_dma source(%arg7 : memref<640xf32, #tpu.memory_space<vmem>>) target(%dma_start3A_66 : memref<640xf32, #tpu.memory_space<vmem_shared>>) target_semaphore(%run_scoped3A_64 : memref<!tpu.dma_semaphore, #tpu.memory_space<semaphore_mem>>)
      %dma_wait3A_67 = tpu.memref_slice %arg8[%mul3A_34] : memref<10240xf32, #tpu.memory_space<vmem_shared>> -> memref<640xf32, #tpu.memory_space<vmem_shared>>
      %dma_wait3A_68 = tpu.memref_slice %arg8[%mul3A_34] : memref<10240xf32, #tpu.memory_space<vmem_shared>> -> memref<640xf32, #tpu.memory_space<vmem_shared>>
      tpu.wait_dma2 semaphore(%run_scoped3A_64 : memref<!tpu.dma_semaphore, #tpu.memory_space<semaphore_mem>>) src(%arg7 : memref<640xf32, #tpu.memory_space<vmem>>) dst(%dma_wait3A_68 : memref<640xf32, #tpu.memory_space<vmem_shared>>)
      tpu.yield
    }) : () -> ()
    %barrier3A = arith.constant 0 : index
    tpu.barrier barrier_id(%barrier3A)
    %scan3A_35 = arith.constant 0 : i32
    %scan3A_36 = arith.constant 0 : i32
    %scan3A_37 = arith.constant 39 : i32
    %scan3A_38 = arith.addi %scan3A_36, %scan3A_37 : i32
    %scan3A_39 = arith.constant 1 : i32
    scf.for %scan3A_64 = %scan3A_36 to %scan3A_38 step %scan3A_39  : i32 {
      %mul3A_65 = arith.constant 2 : i32
      %mul3A_66 = arith.muli %mul3A_65, %scan3A_64 : i32
      %dma_wait3A_67 = arith.constant 0 : i32
      %dma_wait3A_68 = arith.constant 0 : i32
      %dma_wait3A_69 = arith.constant 0 : i32
      %dma_wait3A_70 = tpu.memref_slice %arg2[%dma_wait3A_67, %dma_wait3A_68, %dma_wait3A_69] : memref<2560x2x128xi32, #tpu.memory_space<hbm>> -> memref<1x2x128xi32, #tpu.memory_space<hbm>>
      %dma_wait3A_71 = tpu.memref_squeeze %dma_wait3A_70 : memref<1x2x128xi32, #tpu.memory_space<hbm>> -> memref<2x128xi32, #tpu.memory_space<hbm>>
      %dma_wait3A_72 = arith.constant 0 : i32
      %dma_wait3A_73 = arith.constant 0 : i32
      %dma_wait3A_74 = tpu.memref_slice %arg2[%dma_wait3A_67, %dma_wait3A_72, %dma_wait3A_73] : memref<2560x2x128xi32, #tpu.memory_space<hbm>> -> memref<1x2x128xi32, #tpu.memory_space<hbm>>
      %dma_wait3A_75 = tpu.memref_squeeze %dma_wait3A_74 : memref<1x2x128xi32, #tpu.memory_space<hbm>> -> memref<2x128xi32, #tpu.memory_space<hbm>>
      tpu.wait_dma2 semaphore(%arg9 : memref<!tpu.dma_semaphore, #tpu.memory_space<semaphore_mem>>) src(%dma_wait3A_75 : memref<2x128xi32, #tpu.memory_space<hbm>>) dst(%arg4 : memref<2x128xi32, #tpu.memory_space<vmem>>)
      %run_scoped3A_76 = arith.constant 1 : i32
      "tpu.region"() ({
        %run_scoped3A_109 = tpu.sem_alloc : memref<!tpu.dma_semaphore, #tpu.memory_space<semaphore_mem>>
        %dma_start3A_110 = arith.constant 0 : i32
        %dma_start3A_111 = tpu.memref_slice %arg4[%run_scoped3A_76, %dma_start3A_110] : memref<2x128xi32, #tpu.memory_space<vmem>> -> memref<1x128xi32, #tpu.memory_space<vmem>>
        %dma_start3A_112 = tpu.memref_squeeze %dma_start3A_111 : memref<1x128xi32, #tpu.memory_space<vmem>> -> memref<128xi32, #tpu.memory_space<vmem>>
        %dma_start3A_113 = arith.constant 0 : i32
        %dma_start3A_114 = tpu.memref_slice %arg8[%dma_start3A_113] : memref<10240xf32, #tpu.memory_space<vmem_shared>> -> memref<10240xf32, #tpu.memory_space<vmem_shared>>
        tpu.enqueue_indirect_dma source(%arg6 : memref<128xf32, #tpu.memory_space<vmem>>) target(%dma_start3A_114 : memref<10240xf32, #tpu.memory_space<vmem_shared>>) offsets(%dma_start3A_112 : memref<128xi32, #tpu.memory_space<vmem>>) semaphore(%run_scoped3A_109 : memref<!tpu.dma_semaphore, #tpu.memory_space<semaphore_mem>>) {add = true}
        %dma_wait3A_115 = arith.constant 0 : i32
        %dma_wait3A_116 = tpu.memref_slice %arg4[%run_scoped3A_76, %dma_wait3A_115] : memref<2x128xi32, #tpu.memory_space<vmem>> -> memref<1x128xi32, #tpu.memory_space<vmem>>
        %dma_wait3A_117 = tpu.memref_squeeze %dma_wait3A_116 : memref<1x128xi32, #tpu.memory_space<vmem>> -> memref<128xi32, #tpu.memory_space<vmem>>
        %dma_wait3A_118 = arith.constant 0 : i32
        %dma_wait3A_119 = tpu.memref_slice %arg8[%dma_wait3A_118] : memref<10240xf32, #tpu.memory_space<vmem_shared>> -> memref<10240xf32, #tpu.memory_space<vmem_shared>>
        tpu.wait_indirect_dma semaphore(%run_scoped3A_109 : memref<!tpu.dma_semaphore, #tpu.memory_space<semaphore_mem>>) src(%arg6 : memref<128xf32, #tpu.memory_space<vmem>>) dst(%dma_wait3A_119 : memref<10240xf32, #tpu.memory_space<vmem_shared>>)
        tpu.yield
      }) : () -> ()
      %add3A_77 = arith.constant 2 : i32
      %add3A_78 = arith.addi %mul3A_66, %add3A_77 : i32
      %add3A_79 = arith.addi %mul3A_2, %add3A_78 : i32
      %dma_start3A_80 = arith.constant 0 : i32
      %dma_start3A_81 = arith.constant 0 : i32
      %dma_start3A_82 = tpu.memref_slice %arg2[%add3A_79, %dma_start3A_80, %dma_start3A_81] : memref<2560x2x128xi32, #tpu.memory_space<hbm>> -> memref<1x2x128xi32, #tpu.memory_space<hbm>>
      %dma_start3A_83 = tpu.memref_squeeze %dma_start3A_82 : memref<1x2x128xi32, #tpu.memory_space<hbm>> -> memref<2x128xi32, #tpu.memory_space<hbm>>
      %dma_start3A_84 = arith.constant 0 : i32
      %dma_start3A_85 = arith.constant 0 : i32
      %dma_start3A_86 = tpu.memref_slice %arg2[%add3A_79, %dma_start3A_84, %dma_start3A_85] : memref<2560x2x128xi32, #tpu.memory_space<hbm>> -> memref<1x2x128xi32, #tpu.memory_space<hbm>>
      %dma_start3A_87 = tpu.memref_squeeze %dma_start3A_86 : memref<1x2x128xi32, #tpu.memory_space<hbm>> -> memref<2x128xi32, #tpu.memory_space<hbm>>
      tpu.enqueue_dma source(%dma_start3A_87 : memref<2x128xi32, #tpu.memory_space<hbm>>) target(%arg4 : memref<2x128xi32, #tpu.memory_space<vmem>>) target_semaphore(%arg9 : memref<!tpu.dma_semaphore, #tpu.memory_space<semaphore_mem>>)
      %dma_wait3A_88 = arith.constant 0 : i32
      %dma_wait3A_89 = arith.constant 0 : i32
      %dma_wait3A_90 = arith.constant 0 : i32
      %dma_wait3A_91 = tpu.memref_slice %arg2[%dma_wait3A_88, %dma_wait3A_89, %dma_wait3A_90] : memref<2560x2x128xi32, #tpu.memory_space<hbm>> -> memref<1x2x128xi32, #tpu.memory_space<hbm>>
      %dma_wait3A_92 = tpu.memref_squeeze %dma_wait3A_91 : memref<1x2x128xi32, #tpu.memory_space<hbm>> -> memref<2x128xi32, #tpu.memory_space<hbm>>
      %dma_wait3A_93 = arith.constant 0 : i32
      %dma_wait3A_94 = arith.constant 0 : i32
      %dma_wait3A_95 = tpu.memref_slice %arg2[%dma_wait3A_88, %dma_wait3A_93, %dma_wait3A_94] : memref<2560x2x128xi32, #tpu.memory_space<hbm>> -> memref<1x2x128xi32, #tpu.memory_space<hbm>>
      %dma_wait3A_96 = tpu.memref_squeeze %dma_wait3A_95 : memref<1x2x128xi32, #tpu.memory_space<hbm>> -> memref<2x128xi32, #tpu.memory_space<hbm>>
      tpu.wait_dma2 semaphore(%arg10 : memref<!tpu.dma_semaphore, #tpu.memory_space<semaphore_mem>>) src(%dma_wait3A_96 : memref<2x128xi32, #tpu.memory_space<hbm>>) dst(%arg5 : memref<2x128xi32, #tpu.memory_space<vmem>>)
      %run_scoped3A_97 = arith.constant 1 : i32
      "tpu.region"() ({
        %run_scoped3A_109 = tpu.sem_alloc : memref<!tpu.dma_semaphore, #tpu.memory_space<semaphore_mem>>
        %dma_start3A_110 = arith.constant 0 : i32
        %dma_start3A_111 = tpu.memref_slice %arg5[%run_scoped3A_97, %dma_start3A_110] : memref<2x128xi32, #tpu.memory_space<vmem>> -> memref<1x128xi32, #tpu.memory_space<vmem>>
        %dma_start3A_112 = tpu.memref_squeeze %dma_start3A_111 : memref<1x128xi32, #tpu.memory_space<vmem>> -> memref<128xi32, #tpu.memory_space<vmem>>
        %dma_start3A_113 = arith.constant 0 : i32
        %dma_start3A_114 = tpu.memref_slice %arg8[%dma_start3A_113] : memref<10240xf32, #tpu.memory_space<vmem_shared>> -> memref<10240xf32, #tpu.memory_space<vmem_shared>>
        tpu.enqueue_indirect_dma source(%arg6 : memref<128xf32, #tpu.memory_space<vmem>>) target(%dma_start3A_114 : memref<10240xf32, #tpu.memory_space<vmem_shared>>) offsets(%dma_start3A_112 : memref<128xi32, #tpu.memory_space<vmem>>) semaphore(%run_scoped3A_109 : memref<!tpu.dma_semaphore, #tpu.memory_space<semaphore_mem>>) {add = true}
        %dma_wait3A_115 = arith.constant 0 : i32
        %dma_wait3A_116 = tpu.memref_slice %arg5[%run_scoped3A_97, %dma_wait3A_115] : memref<2x128xi32, #tpu.memory_space<vmem>> -> memref<1x128xi32, #tpu.memory_space<vmem>>
        %dma_wait3A_117 = tpu.memref_squeeze %dma_wait3A_116 : memref<1x128xi32, #tpu.memory_space<vmem>> -> memref<128xi32, #tpu.memory_space<vmem>>
        %dma_wait3A_118 = arith.constant 0 : i32
        %dma_wait3A_119 = tpu.memref_slice %arg8[%dma_wait3A_118] : memref<10240xf32, #tpu.memory_space<vmem_shared>> -> memref<10240xf32, #tpu.memory_space<vmem_shared>>
        tpu.wait_indirect_dma semaphore(%run_scoped3A_109 : memref<!tpu.dma_semaphore, #tpu.memory_space<semaphore_mem>>) src(%arg6 : memref<128xf32, #tpu.memory_space<vmem>>) dst(%dma_wait3A_119 : memref<10240xf32, #tpu.memory_space<vmem_shared>>)
        tpu.yield
      }) : () -> ()
      %add3A_98 = arith.constant 3 : i32
      %add3A_99 = arith.addi %mul3A_66, %add3A_98 : i32
      %add3A_100 = arith.addi %mul3A_2, %add3A_99 : i32
      %dma_start3A_101 = arith.constant 0 : i32
      %dma_start3A_102 = arith.constant 0 : i32
      %dma_start3A_103 = tpu.memref_slice %arg2[%add3A_100, %dma_start3A_101, %dma_start3A_102] : memref<2560x2x128xi32, #tpu.memory_space<hbm>> -> memref<1x2x128xi32, #tpu.memory_space<hbm>>
      %dma_start3A_104 = tpu.memref_squeeze %dma_start3A_103 : memref<1x2x128xi32, #tpu.memory_space<hbm>> -> memref<2x128xi32, #tpu.memory_space<hbm>>
      %dma_start3A_105 = arith.constant 0 : i32
      %dma_start3A_106 = arith.constant 0 : i32
      %dma_start3A_107 = tpu.memref_slice %arg2[%add3A_100, %dma_start3A_105, %dma_start3A_106] : memref<2560x2x128xi32, #tpu.memory_space<hbm>> -> memref<1x2x128xi32, #tpu.memory_space<hbm>>
      %dma_start3A_108 = tpu.memref_squeeze %dma_start3A_107 : memref<1x2x128xi32, #tpu.memory_space<hbm>> -> memref<2x128xi32, #tpu.memory_space<hbm>>
      tpu.enqueue_dma source(%dma_start3A_108 : memref<2x128xi32, #tpu.memory_space<hbm>>) target(%arg5 : memref<2x128xi32, #tpu.memory_space<vmem>>) target_semaphore(%arg10 : memref<!tpu.dma_semaphore, #tpu.memory_space<semaphore_mem>>)
    }
    %scan3A_40 = arith.constant 39 : i32
    %dma_wait3A = arith.constant 0 : i32
    %dma_wait3A_41 = arith.constant 0 : i32
    %dma_wait3A_42 = arith.constant 0 : i32
    %dma_wait3A_43 = tpu.memref_slice %arg2[%dma_wait3A, %dma_wait3A_41, %dma_wait3A_42] : memref<2560x2x128xi32, #tpu.memory_space<hbm>> -> memref<1x2x128xi32, #tpu.memory_space<hbm>>
    %dma_wait3A_44 = tpu.memref_squeeze %dma_wait3A_43 : memref<1x2x128xi32, #tpu.memory_space<hbm>> -> memref<2x128xi32, #tpu.memory_space<hbm>>
    %dma_wait3A_45 = arith.constant 0 : i32
    %dma_wait3A_46 = arith.constant 0 : i32
    %dma_wait3A_47 = tpu.memref_slice %arg2[%dma_wait3A, %dma_wait3A_45, %dma_wait3A_46] : memref<2560x2x128xi32, #tpu.memory_space<hbm>> -> memref<1x2x128xi32, #tpu.memory_space<hbm>>
    %dma_wait3A_48 = tpu.memref_squeeze %dma_wait3A_47 : memref<1x2x128xi32, #tpu.memory_space<hbm>> -> memref<2x128xi32, #tpu.memory_space<hbm>>
    tpu.wait_dma2 semaphore(%arg9 : memref<!tpu.dma_semaphore, #tpu.memory_space<semaphore_mem>>) src(%dma_wait3A_48 : memref<2x128xi32, #tpu.memory_space<hbm>>) dst(%arg4 : memref<2x128xi32, #tpu.memory_space<vmem>>)
    %run_scoped3A = arith.constant 1 : i32
    "tpu.region"() ({
      %run_scoped3A_64 = tpu.sem_alloc : memref<!tpu.dma_semaphore, #tpu.memory_space<semaphore_mem>>
      %dma_start3A_65 = arith.constant 0 : i32
      %dma_start3A_66 = tpu.memref_slice %arg4[%run_scoped3A, %dma_start3A_65] : memref<2x128xi32, #tpu.memory_space<vmem>> -> memref<1x128xi32, #tpu.memory_space<vmem>>
      %dma_start3A_67 = tpu.memref_squeeze %dma_start3A_66 : memref<1x128xi32, #tpu.memory_space<vmem>> -> memref<128xi32, #tpu.memory_space<vmem>>
      %dma_start3A_68 = arith.constant 0 : i32
      %dma_start3A_69 = tpu.memref_slice %arg8[%dma_start3A_68] : memref<10240xf32, #tpu.memory_space<vmem_shared>> -> memref<10240xf32, #tpu.memory_space<vmem_shared>>
      tpu.enqueue_indirect_dma source(%arg6 : memref<128xf32, #tpu.memory_space<vmem>>) target(%dma_start3A_69 : memref<10240xf32, #tpu.memory_space<vmem_shared>>) offsets(%dma_start3A_67 : memref<128xi32, #tpu.memory_space<vmem>>) semaphore(%run_scoped3A_64 : memref<!tpu.dma_semaphore, #tpu.memory_space<semaphore_mem>>) {add = true}
      %dma_wait3A_70 = arith.constant 0 : i32
      %dma_wait3A_71 = tpu.memref_slice %arg4[%run_scoped3A, %dma_wait3A_70] : memref<2x128xi32, #tpu.memory_space<vmem>> -> memref<1x128xi32, #tpu.memory_space<vmem>>
      %dma_wait3A_72 = tpu.memref_squeeze %dma_wait3A_71 : memref<1x128xi32, #tpu.memory_space<vmem>> -> memref<128xi32, #tpu.memory_space<vmem>>
      %dma_wait3A_73 = arith.constant 0 : i32
      %dma_wait3A_74 = tpu.memref_slice %arg8[%dma_wait3A_73] : memref<10240xf32, #tpu.memory_space<vmem_shared>> -> memref<10240xf32, #tpu.memory_space<vmem_shared>>
      tpu.wait_indirect_dma semaphore(%run_scoped3A_64 : memref<!tpu.dma_semaphore, #tpu.memory_space<semaphore_mem>>) src(%arg6 : memref<128xf32, #tpu.memory_space<vmem>>) dst(%dma_wait3A_74 : memref<10240xf32, #tpu.memory_space<vmem_shared>>)
      tpu.yield
    }) : () -> ()
    %dma_wait3A_49 = arith.constant 0 : i32
    %dma_wait3A_50 = arith.constant 0 : i32
    %dma_wait3A_51 = arith.constant 0 : i32
    %dma_wait3A_52 = tpu.memref_slice %arg2[%dma_wait3A_49, %dma_wait3A_50, %dma_wait3A_51] : memref<2560x2x128xi32, #tpu.memory_space<hbm>> -> memref<1x2x128xi32, #tpu.memory_space<hbm>>
    %dma_wait3A_53 = tpu.memref_squeeze %dma_wait3A_52 : memref<1x2x128xi32, #tpu.memory_space<hbm>> -> memref<2x128xi32, #tpu.memory_space<hbm>>
    %dma_wait3A_54 = arith.constant 0 : i32
    %dma_wait3A_55 = arith.constant 0 : i32
    %dma_wait3A_56 = tpu.memref_slice %arg2[%dma_wait3A_49, %dma_wait3A_54, %dma_wait3A_55] : memref<2560x2x128xi32, #tpu.memory_space<hbm>> -> memref<1x2x128xi32, #tpu.memory_space<hbm>>
    %dma_wait3A_57 = tpu.memref_squeeze %dma_wait3A_56 : memref<1x2x128xi32, #tpu.memory_space<hbm>> -> memref<2x128xi32, #tpu.memory_space<hbm>>
    tpu.wait_dma2 semaphore(%arg10 : memref<!tpu.dma_semaphore, #tpu.memory_space<semaphore_mem>>) src(%dma_wait3A_57 : memref<2x128xi32, #tpu.memory_space<hbm>>) dst(%arg5 : memref<2x128xi32, #tpu.memory_space<vmem>>)
    %run_scoped3A_58 = arith.constant 1 : i32
    "tpu.region"() ({
      %run_scoped3A_64 = tpu.sem_alloc : memref<!tpu.dma_semaphore, #tpu.memory_space<semaphore_mem>>
      %dma_start3A_65 = arith.constant 0 : i32
      %dma_start3A_66 = tpu.memref_slice %arg5[%run_scoped3A_58, %dma_start3A_65] : memref<2x128xi32, #tpu.memory_space<vmem>> -> memref<1x128xi32, #tpu.memory_space<vmem>>
      %dma_start3A_67 = tpu.memref_squeeze %dma_start3A_66 : memref<1x128xi32, #tpu.memory_space<vmem>> -> memref<128xi32, #tpu.memory_space<vmem>>
      %dma_start3A_68 = arith.constant 0 : i32
      %dma_start3A_69 = tpu.memref_slice %arg8[%dma_start3A_68] : memref<10240xf32, #tpu.memory_space<vmem_shared>> -> memref<10240xf32, #tpu.memory_space<vmem_shared>>
      tpu.enqueue_indirect_dma source(%arg6 : memref<128xf32, #tpu.memory_space<vmem>>) target(%dma_start3A_69 : memref<10240xf32, #tpu.memory_space<vmem_shared>>) offsets(%dma_start3A_67 : memref<128xi32, #tpu.memory_space<vmem>>) semaphore(%run_scoped3A_64 : memref<!tpu.dma_semaphore, #tpu.memory_space<semaphore_mem>>) {add = true}
      %dma_wait3A_70 = arith.constant 0 : i32
      %dma_wait3A_71 = tpu.memref_slice %arg5[%run_scoped3A_58, %dma_wait3A_70] : memref<2x128xi32, #tpu.memory_space<vmem>> -> memref<1x128xi32, #tpu.memory_space<vmem>>
      %dma_wait3A_72 = tpu.memref_squeeze %dma_wait3A_71 : memref<1x128xi32, #tpu.memory_space<vmem>> -> memref<128xi32, #tpu.memory_space<vmem>>
      %dma_wait3A_73 = arith.constant 0 : i32
      %dma_wait3A_74 = tpu.memref_slice %arg8[%dma_wait3A_73] : memref<10240xf32, #tpu.memory_space<vmem_shared>> -> memref<10240xf32, #tpu.memory_space<vmem_shared>>
      tpu.wait_indirect_dma semaphore(%run_scoped3A_64 : memref<!tpu.dma_semaphore, #tpu.memory_space<semaphore_mem>>) src(%arg6 : memref<128xf32, #tpu.memory_space<vmem>>) dst(%dma_wait3A_74 : memref<10240xf32, #tpu.memory_space<vmem_shared>>)
      tpu.yield
    }) : () -> ()
    %barrier3A_59 = arith.constant 0 : index
    tpu.barrier barrier_id(%barrier3A_59)
    %mul3A_60 = arith.constant 640 : i32
    %mul3A_61 = arith.muli %arg1, %mul3A_60 : i32
    %mul3A_62 = arith.constant 640 : i32
    %mul3A_63 = arith.muli %arg1, %mul3A_62 : i32
    "tpu.region"() ({
      %run_scoped3A_64 = tpu.sem_alloc : memref<!tpu.dma_semaphore, #tpu.memory_space<semaphore_mem>>
      %dma_start3A_65 = arith.constant 0 : i32
      %dma_start3A_66 = tpu.memref_slice %arg3[%arg0, %dma_start3A_65] : memref<2x10240xf32, #tpu.memory_space<hbm>> -> memref<1x10240xf32, #tpu.memory_space<hbm>>
      %dma_start3A_67 = tpu.memref_squeeze %dma_start3A_66 : memref<1x10240xf32, #tpu.memory_space<hbm>> -> memref<10240xf32, #tpu.memory_space<hbm>>
      %dma_start3A_68 = tpu.memref_slice %dma_start3A_67[%mul3A_63] : memref<10240xf32, #tpu.memory_space<hbm>> -> memref<640xf32, #tpu.memory_space<hbm>>
      %dma_start3A_69 = tpu.memref_slice %arg8[%mul3A_61] : memref<10240xf32, #tpu.memory_space<vmem_shared>> -> memref<640xf32, #tpu.memory_space<vmem_shared>>
      tpu.enqueue_dma source(%dma_start3A_69 : memref<640xf32, #tpu.memory_space<vmem_shared>>) target(%dma_start3A_68 : memref<640xf32, #tpu.memory_space<hbm>>) target_semaphore(%run_scoped3A_64 : memref<!tpu.dma_semaphore, #tpu.memory_space<semaphore_mem>>)
      %dma_wait3A_70 = arith.constant 0 : i32
      %dma_wait3A_71 = tpu.memref_slice %arg3[%arg0, %dma_wait3A_70] : memref<2x10240xf32, #tpu.memory_space<hbm>> -> memref<1x10240xf32, #tpu.memory_space<hbm>>
      %dma_wait3A_72 = tpu.memref_squeeze %dma_wait3A_71 : memref<1x10240xf32, #tpu.memory_space<hbm>> -> memref<10240xf32, #tpu.memory_space<hbm>>
      %dma_wait3A_73 = tpu.memref_slice %dma_wait3A_72[%mul3A_63] : memref<10240xf32, #tpu.memory_space<hbm>> -> memref<640xf32, #tpu.memory_space<hbm>>
      %dma_wait3A_74 = tpu.memref_slice %arg8[%mul3A_61] : memref<10240xf32, #tpu.memory_space<vmem_shared>> -> memref<640xf32, #tpu.memory_space<vmem_shared>>
      tpu.wait_dma2 semaphore(%run_scoped3A_64 : memref<!tpu.dma_semaphore, #tpu.memory_space<semaphore_mem>>) src(%dma_wait3A_74 : memref<640xf32, #tpu.memory_space<vmem_shared>>) dst(%dma_wait3A_73 : memref<640xf32, #tpu.memory_space<hbm>>)
      tpu.yield
    }) : () -> ()
    return
  }
}

#map = affine_map<(d0, d1) -> (0, 0)>
#map1 = affine_map<(d0, d1) -> (0, 0, 0)>
module attributes {stable_mosaic.version = 14 : i64} {
  func.func @_hop_kernel(%arg0: i32, %arg1: i32, %arg2: memref<10240x128xf32, #tpu.memory_space<hbm>>, %arg3: memref<2560x2x128xi32, #tpu.memory_space<hbm>>, %arg4: memref<10240x128xf32, #tpu.memory_space<hbm>>, %arg5: memref<2x10240x128xf32, #tpu.memory_space<hbm>>, %arg6: memref<2x128xi32, #tpu.memory_space<vmem>>, %arg7: memref<2x128xi32, #tpu.memory_space<vmem>>, %arg8: memref<2x128xi32, #tpu.memory_space<vmem>>, %arg9: memref<2x128xi32, #tpu.memory_space<vmem>>, %arg10: memref<128x128xf32, #tpu.memory_space<vmem>>, %arg11: memref<128x128xf32, #tpu.memory_space<vmem>>, %arg12: memref<10240x128xf32, #tpu.memory_space<vmem_shared>>, %arg13: memref<!tpu.dma_semaphore, #tpu.memory_space<semaphore_mem>>, %arg14: memref<!tpu.dma_semaphore, #tpu.memory_space<semaphore_mem>>, %arg15: memref<!tpu.dma_semaphore, #tpu.memory_space<semaphore_mem>>, %arg16: memref<!tpu.dma_semaphore, #tpu.memory_space<semaphore_mem>>, %arg17: memref<!tpu.dma_semaphore, #tpu.memory_space<semaphore_mem>>, %arg18: memref<!tpu.dma_semaphore, #tpu.memory_space<semaphore_mem>>) attributes {dimension_semantics = [#tpu.dimension_semantics<core_parallel>, #tpu.dimension_semantics<subcore_parallel>], iteration_bounds = array<i64: 2, 16>, scalar_prefetch = 0 : i64, scratch_operands = 13 : i64, tpu.core_type = #tpu.core_type<sc_vector_subcore>, window_params = [{transform_indices = #map}, {transform_indices = #map1}, {transform_indices = #map}, {transform_indices = #map1}]} {
    %mul3A = arith.constant 2 : i32
    %mul3A_0 = arith.muli %arg1, %mul3A : i32
    %add3A = arith.addi %mul3A_0, %arg0 : i32
    %mul3A_1 = arith.constant 80 : i32
    %mul3A_2 = arith.muli %add3A, %mul3A_1 : i32
    %add3A_3 = arith.constant 0 : i32
    %add3A_4 = arith.addi %mul3A_2, %add3A_3 : i32
    %dma_start3A = arith.constant 0 : i32
    %dma_start3A_5 = arith.constant 0 : i32
    %dma_start3A_6 = tpu.memref_slice %arg3[%add3A_4, %dma_start3A, %dma_start3A_5] : memref<2560x2x128xi32, #tpu.memory_space<hbm>> -> memref<1x2x128xi32, #tpu.memory_space<hbm>>
    %dma_start3A_7 = tpu.memref_squeeze %dma_start3A_6 : memref<1x2x128xi32, #tpu.memory_space<hbm>> -> memref<2x128xi32, #tpu.memory_space<hbm>>
    %dma_start3A_8 = arith.constant 0 : i32
    %dma_start3A_9 = arith.constant 0 : i32
    %dma_start3A_10 = tpu.memref_slice %arg3[%add3A_4, %dma_start3A_8, %dma_start3A_9] : memref<2560x2x128xi32, #tpu.memory_space<hbm>> -> memref<1x2x128xi32, #tpu.memory_space<hbm>>
    %dma_start3A_11 = tpu.memref_squeeze %dma_start3A_10 : memref<1x2x128xi32, #tpu.memory_space<hbm>> -> memref<2x128xi32, #tpu.memory_space<hbm>>
    tpu.enqueue_dma source(%dma_start3A_11 : memref<2x128xi32, #tpu.memory_space<hbm>>) target(%arg6 : memref<2x128xi32, #tpu.memory_space<vmem>>) target_semaphore(%arg13 : memref<!tpu.dma_semaphore, #tpu.memory_space<semaphore_mem>>)
    %add3A_12 = arith.constant 1 : i32
    %add3A_13 = arith.addi %mul3A_2, %add3A_12 : i32
    %dma_start3A_14 = arith.constant 0 : i32
    %dma_start3A_15 = arith.constant 0 : i32
    %dma_start3A_16 = tpu.memref_slice %arg3[%add3A_13, %dma_start3A_14, %dma_start3A_15] : memref<2560x2x128xi32, #tpu.memory_space<hbm>> -> memref<1x2x128xi32, #tpu.memory_space<hbm>>
    %dma_start3A_17 = tpu.memref_squeeze %dma_start3A_16 : memref<1x2x128xi32, #tpu.memory_space<hbm>> -> memref<2x128xi32, #tpu.memory_space<hbm>>
    %dma_start3A_18 = arith.constant 0 : i32
    %dma_start3A_19 = arith.constant 0 : i32
    %dma_start3A_20 = tpu.memref_slice %arg3[%add3A_13, %dma_start3A_18, %dma_start3A_19] : memref<2560x2x128xi32, #tpu.memory_space<hbm>> -> memref<1x2x128xi32, #tpu.memory_space<hbm>>
    %dma_start3A_21 = tpu.memref_squeeze %dma_start3A_20 : memref<1x2x128xi32, #tpu.memory_space<hbm>> -> memref<2x128xi32, #tpu.memory_space<hbm>>
    tpu.enqueue_dma source(%dma_start3A_21 : memref<2x128xi32, #tpu.memory_space<hbm>>) target(%arg7 : memref<2x128xi32, #tpu.memory_space<vmem>>) target_semaphore(%arg14 : memref<!tpu.dma_semaphore, #tpu.memory_space<semaphore_mem>>)
    %add3A_22 = arith.constant 2 : i32
    %add3A_23 = arith.addi %mul3A_2, %add3A_22 : i32
    %dma_start3A_24 = arith.constant 0 : i32
    %dma_start3A_25 = arith.constant 0 : i32
    %dma_start3A_26 = tpu.memref_slice %arg3[%add3A_23, %dma_start3A_24, %dma_start3A_25] : memref<2560x2x128xi32, #tpu.memory_space<hbm>> -> memref<1x2x128xi32, #tpu.memory_space<hbm>>
    %dma_start3A_27 = tpu.memref_squeeze %dma_start3A_26 : memref<1x2x128xi32, #tpu.memory_space<hbm>> -> memref<2x128xi32, #tpu.memory_space<hbm>>
    %dma_start3A_28 = arith.constant 0 : i32
    %dma_start3A_29 = arith.constant 0 : i32
    %dma_start3A_30 = tpu.memref_slice %arg3[%add3A_23, %dma_start3A_28, %dma_start3A_29] : memref<2560x2x128xi32, #tpu.memory_space<hbm>> -> memref<1x2x128xi32, #tpu.memory_space<hbm>>
    %dma_start3A_31 = tpu.memref_squeeze %dma_start3A_30 : memref<1x2x128xi32, #tpu.memory_space<hbm>> -> memref<2x128xi32, #tpu.memory_space<hbm>>
    tpu.enqueue_dma source(%dma_start3A_31 : memref<2x128xi32, #tpu.memory_space<hbm>>) target(%arg8 : memref<2x128xi32, #tpu.memory_space<vmem>>) target_semaphore(%arg15 : memref<!tpu.dma_semaphore, #tpu.memory_space<semaphore_mem>>)
    %add3A_32 = arith.constant 3 : i32
    %add3A_33 = arith.addi %mul3A_2, %add3A_32 : i32
    %dma_start3A_34 = arith.constant 0 : i32
    %dma_start3A_35 = arith.constant 0 : i32
    %dma_start3A_36 = tpu.memref_slice %arg3[%add3A_33, %dma_start3A_34, %dma_start3A_35] : memref<2560x2x128xi32, #tpu.memory_space<hbm>> -> memref<1x2x128xi32, #tpu.memory_space<hbm>>
    %dma_start3A_37 = tpu.memref_squeeze %dma_start3A_36 : memref<1x2x128xi32, #tpu.memory_space<hbm>> -> memref<2x128xi32, #tpu.memory_space<hbm>>
    %dma_start3A_38 = arith.constant 0 : i32
    %dma_start3A_39 = arith.constant 0 : i32
    %dma_start3A_40 = tpu.memref_slice %arg3[%add3A_33, %dma_start3A_38, %dma_start3A_39] : memref<2560x2x128xi32, #tpu.memory_space<hbm>> -> memref<1x2x128xi32, #tpu.memory_space<hbm>>
    %dma_start3A_41 = tpu.memref_squeeze %dma_start3A_40 : memref<1x2x128xi32, #tpu.memory_space<hbm>> -> memref<2x128xi32, #tpu.memory_space<hbm>>
    tpu.enqueue_dma source(%dma_start3A_41 : memref<2x128xi32, #tpu.memory_space<hbm>>) target(%arg9 : memref<2x128xi32, #tpu.memory_space<vmem>>) target_semaphore(%arg16 : memref<!tpu.dma_semaphore, #tpu.memory_space<semaphore_mem>>)
    %dma_wait3A = arith.constant 0 : i32
    %dma_wait3A_42 = arith.constant 0 : i32
    %dma_wait3A_43 = arith.constant 0 : i32
    %dma_wait3A_44 = tpu.memref_slice %arg3[%dma_wait3A, %dma_wait3A_42, %dma_wait3A_43] : memref<2560x2x128xi32, #tpu.memory_space<hbm>> -> memref<1x2x128xi32, #tpu.memory_space<hbm>>
    %dma_wait3A_45 = tpu.memref_squeeze %dma_wait3A_44 : memref<1x2x128xi32, #tpu.memory_space<hbm>> -> memref<2x128xi32, #tpu.memory_space<hbm>>
    %dma_wait3A_46 = arith.constant 0 : i32
    %dma_wait3A_47 = arith.constant 0 : i32
    %dma_wait3A_48 = tpu.memref_slice %arg3[%dma_wait3A, %dma_wait3A_46, %dma_wait3A_47] : memref<2560x2x128xi32, #tpu.memory_space<hbm>> -> memref<1x2x128xi32, #tpu.memory_space<hbm>>
    %dma_wait3A_49 = tpu.memref_squeeze %dma_wait3A_48 : memref<1x2x128xi32, #tpu.memory_space<hbm>> -> memref<2x128xi32, #tpu.memory_space<hbm>>
    tpu.wait_dma2 semaphore(%arg13 : memref<!tpu.dma_semaphore, #tpu.memory_space<semaphore_mem>>) src(%dma_wait3A_49 : memref<2x128xi32, #tpu.memory_space<hbm>>) dst(%arg6 : memref<2x128xi32, #tpu.memory_space<vmem>>)
    %dma_start3A_50 = arith.constant 0 : i32
    %dma_start3A_51 = arith.constant 0 : i32
    %dma_start3A_52 = tpu.memref_slice %arg6[%dma_start3A_50, %dma_start3A_51] : memref<2x128xi32, #tpu.memory_space<vmem>> -> memref<1x128xi32, #tpu.memory_space<vmem>>
    %dma_start3A_53 = tpu.memref_squeeze %dma_start3A_52 : memref<1x128xi32, #tpu.memory_space<vmem>> -> memref<128xi32, #tpu.memory_space<vmem>>
    %dma_start3A_54 = arith.constant 0 : i32
    %dma_start3A_55 = arith.constant 0 : i32
    %dma_start3A_56 = tpu.memref_slice %arg2[%dma_start3A_54, %dma_start3A_55] : memref<10240x128xf32, #tpu.memory_space<hbm>> -> memref<10240x128xf32, #tpu.memory_space<hbm>>
    tpu.enqueue_indirect_dma source(%dma_start3A_56 : memref<10240x128xf32, #tpu.memory_space<hbm>>) target(%arg10 : memref<128x128xf32, #tpu.memory_space<vmem>>) offsets(%dma_start3A_53 : memref<128xi32, #tpu.memory_space<vmem>>) semaphore(%arg17 : memref<!tpu.dma_semaphore, #tpu.memory_space<semaphore_mem>>)
    %mul3A_57 = arith.constant 640 : i32
    %mul3A_58 = arith.muli %arg1, %mul3A_57 : i32
    %mul3A_59 = arith.constant 640 : i32
    %mul3A_60 = arith.muli %arg1, %mul3A_59 : i32
    "tpu.region"() ({
      %run_scoped3A_146 = tpu.sem_alloc : memref<!tpu.dma_semaphore, #tpu.memory_space<semaphore_mem>>
      %dma_start3A_147 = arith.constant 0 : i32
      %dma_start3A_148 = tpu.memref_slice %arg12[%mul3A_60, %dma_start3A_147] : memref<10240x128xf32, #tpu.memory_space<vmem_shared>> -> memref<640x128xf32, #tpu.memory_space<vmem_shared>>
      %dma_start3A_149 = arith.constant 0 : i32
      %dma_start3A_150 = tpu.memref_slice %arg4[%mul3A_58, %dma_start3A_149] : memref<10240x128xf32, #tpu.memory_space<hbm>> -> memref<640x128xf32, #tpu.memory_space<hbm>>
      tpu.enqueue_dma source(%dma_start3A_150 : memref<640x128xf32, #tpu.memory_space<hbm>>) target(%dma_start3A_148 : memref<640x128xf32, #tpu.memory_space<vmem_shared>>) target_semaphore(%run_scoped3A_146 : memref<!tpu.dma_semaphore, #tpu.memory_space<semaphore_mem>>)
      %dma_wait3A_151 = arith.constant 0 : i32
      %dma_wait3A_152 = tpu.memref_slice %arg12[%mul3A_60, %dma_wait3A_151] : memref<10240x128xf32, #tpu.memory_space<vmem_shared>> -> memref<640x128xf32, #tpu.memory_space<vmem_shared>>
      %dma_wait3A_153 = arith.constant 0 : i32
      %dma_wait3A_154 = tpu.memref_slice %arg4[%mul3A_58, %dma_wait3A_153] : memref<10240x128xf32, #tpu.memory_space<hbm>> -> memref<640x128xf32, #tpu.memory_space<hbm>>
      tpu.wait_dma2 semaphore(%run_scoped3A_146 : memref<!tpu.dma_semaphore, #tpu.memory_space<semaphore_mem>>) src(%dma_wait3A_154 : memref<640x128xf32, #tpu.memory_space<hbm>>) dst(%dma_wait3A_152 : memref<640x128xf32, #tpu.memory_space<vmem_shared>>)
      tpu.yield
    }) : () -> ()
    %barrier3A = arith.constant 0 : index
    tpu.barrier barrier_id(%barrier3A)
    %scan3A = arith.constant 0 : i32
    %scan3A_61 = arith.constant 0 : i32
    %scan3A_62 = arith.constant 19 : i32
    %scan3A_63 = arith.addi %scan3A_61, %scan3A_62 : i32
    %scan3A_64 = arith.constant 1 : i32
    scf.for %scan3A_146 = %scan3A_61 to %scan3A_63 step %scan3A_64  : i32 {
      %mul3A_147 = arith.constant 4 : i32
      %mul3A_148 = arith.muli %mul3A_147, %scan3A_146 : i32
      %dma_wait3A_149 = arith.constant 0 : i32
      %dma_wait3A_150 = arith.constant 0 : i32
      %dma_wait3A_151 = arith.constant 0 : i32
      %dma_wait3A_152 = tpu.memref_slice %arg3[%dma_wait3A_149, %dma_wait3A_150, %dma_wait3A_151] : memref<2560x2x128xi32, #tpu.memory_space<hbm>> -> memref<1x2x128xi32, #tpu.memory_space<hbm>>
      %dma_wait3A_153 = tpu.memref_squeeze %dma_wait3A_152 : memref<1x2x128xi32, #tpu.memory_space<hbm>> -> memref<2x128xi32, #tpu.memory_space<hbm>>
      %dma_wait3A_154 = arith.constant 0 : i32
      %dma_wait3A_155 = arith.constant 0 : i32
      %dma_wait3A_156 = tpu.memref_slice %arg3[%dma_wait3A_149, %dma_wait3A_154, %dma_wait3A_155] : memref<2560x2x128xi32, #tpu.memory_space<hbm>> -> memref<1x2x128xi32, #tpu.memory_space<hbm>>
      %dma_wait3A_157 = tpu.memref_squeeze %dma_wait3A_156 : memref<1x2x128xi32, #tpu.memory_space<hbm>> -> memref<2x128xi32, #tpu.memory_space<hbm>>
      tpu.wait_dma2 semaphore(%arg14 : memref<!tpu.dma_semaphore, #tpu.memory_space<semaphore_mem>>) src(%dma_wait3A_157 : memref<2x128xi32, #tpu.memory_space<hbm>>) dst(%arg7 : memref<2x128xi32, #tpu.memory_space<vmem>>)
      %dma_start3A_158 = arith.constant 0 : i32
      %dma_start3A_159 = arith.constant 0 : i32
      %dma_start3A_160 = tpu.memref_slice %arg7[%dma_start3A_158, %dma_start3A_159] : memref<2x128xi32, #tpu.memory_space<vmem>> -> memref<1x128xi32, #tpu.memory_space<vmem>>
      %dma_start3A_161 = tpu.memref_squeeze %dma_start3A_160 : memref<1x128xi32, #tpu.memory_space<vmem>> -> memref<128xi32, #tpu.memory_space<vmem>>
      %dma_start3A_162 = arith.constant 0 : i32
      %dma_start3A_163 = arith.constant 0 : i32
      %dma_start3A_164 = tpu.memref_slice %arg2[%dma_start3A_162, %dma_start3A_163] : memref<10240x128xf32, #tpu.memory_space<hbm>> -> memref<10240x128xf32, #tpu.memory_space<hbm>>
      tpu.enqueue_indirect_dma source(%dma_start3A_164 : memref<10240x128xf32, #tpu.memory_space<hbm>>) target(%arg11 : memref<128x128xf32, #tpu.memory_space<vmem>>) offsets(%dma_start3A_161 : memref<128xi32, #tpu.memory_space<vmem>>) semaphore(%arg18 : memref<!tpu.dma_semaphore, #tpu.memory_space<semaphore_mem>>)
      %dma_wait3A_165 = arith.constant 0 : i32
      %dma_wait3A_166 = arith.constant 0 : i32
      %dma_wait3A_167 = tpu.memref_slice %arg2[%dma_wait3A_165, %dma_wait3A_166] : memref<10240x128xf32, #tpu.memory_space<hbm>> -> memref<128x128xf32, #tpu.memory_space<hbm>>
      %dma_wait3A_168 = arith.constant 0 : i32
      %dma_wait3A_169 = arith.constant 0 : i32
      %dma_wait3A_170 = tpu.memref_slice %arg2[%dma_wait3A_168, %dma_wait3A_169] : memref<10240x128xf32, #tpu.memory_space<hbm>> -> memref<128x128xf32, #tpu.memory_space<hbm>>
      tpu.wait_dma2 semaphore(%arg17 : memref<!tpu.dma_semaphore, #tpu.memory_space<semaphore_mem>>) src(%dma_wait3A_170 : memref<128x128xf32, #tpu.memory_space<hbm>>) dst(%arg10 : memref<128x128xf32, #tpu.memory_space<vmem>>)
      %run_scoped3A_171 = arith.constant 1 : i32
      "tpu.region"() ({
        %run_scoped3A_285 = tpu.sem_alloc : memref<!tpu.dma_semaphore, #tpu.memory_space<semaphore_mem>>
        %dma_start3A_286 = arith.constant 0 : i32
        %dma_start3A_287 = tpu.memref_slice %arg6[%run_scoped3A_171, %dma_start3A_286] : memref<2x128xi32, #tpu.memory_space<vmem>> -> memref<1x128xi32, #tpu.memory_space<vmem>>
        %dma_start3A_288 = tpu.memref_squeeze %dma_start3A_287 : memref<1x128xi32, #tpu.memory_space<vmem>> -> memref<128xi32, #tpu.memory_space<vmem>>
        %dma_start3A_289 = arith.constant 0 : i32
        %dma_start3A_290 = arith.constant 0 : i32
        %dma_start3A_291 = tpu.memref_slice %arg12[%dma_start3A_289, %dma_start3A_290] : memref<10240x128xf32, #tpu.memory_space<vmem_shared>> -> memref<10240x128xf32, #tpu.memory_space<vmem_shared>>
        tpu.enqueue_indirect_dma source(%arg10 : memref<128x128xf32, #tpu.memory_space<vmem>>) target(%dma_start3A_291 : memref<10240x128xf32, #tpu.memory_space<vmem_shared>>) offsets(%dma_start3A_288 : memref<128xi32, #tpu.memory_space<vmem>>) semaphore(%run_scoped3A_285 : memref<!tpu.dma_semaphore, #tpu.memory_space<semaphore_mem>>) {add = true}
        %dma_wait3A_292 = arith.constant 0 : i32
        %dma_wait3A_293 = tpu.memref_slice %arg6[%run_scoped3A_171, %dma_wait3A_292] : memref<2x128xi32, #tpu.memory_space<vmem>> -> memref<1x128xi32, #tpu.memory_space<vmem>>
        %dma_wait3A_294 = tpu.memref_squeeze %dma_wait3A_293 : memref<1x128xi32, #tpu.memory_space<vmem>> -> memref<128xi32, #tpu.memory_space<vmem>>
        %dma_wait3A_295 = arith.constant 0 : i32
        %dma_wait3A_296 = arith.constant 0 : i32
        %dma_wait3A_297 = tpu.memref_slice %arg12[%dma_wait3A_295, %dma_wait3A_296] : memref<10240x128xf32, #tpu.memory_space<vmem_shared>> -> memref<10240x128xf32, #tpu.memory_space<vmem_shared>>
        tpu.wait_indirect_dma semaphore(%run_scoped3A_285 : memref<!tpu.dma_semaphore, #tpu.memory_space<semaphore_mem>>) src(%arg10 : memref<128x128xf32, #tpu.memory_space<vmem>>) dst(%dma_wait3A_297 : memref<10240x128xf32, #tpu.memory_space<vmem_shared>>)
        tpu.yield
      }) : () -> ()
      %add3A_172 = arith.constant 4 : i32
      %add3A_173 = arith.addi %mul3A_148, %add3A_172 : i32
      %add3A_174 = arith.addi %mul3A_2, %add3A_173 : i32
      %dma_start3A_175 = arith.constant 0 : i32
      %dma_start3A_176 = arith.constant 0 : i32
      %dma_start3A_177 = tpu.memref_slice %arg3[%add3A_174, %dma_start3A_175, %dma_start3A_176] : memref<2560x2x128xi32, #tpu.memory_space<hbm>> -> memref<1x2x128xi32, #tpu.memory_space<hbm>>
      %dma_start3A_178 = tpu.memref_squeeze %dma_start3A_177 : memref<1x2x128xi32, #tpu.memory_space<hbm>> -> memref<2x128xi32, #tpu.memory_space<hbm>>
      %dma_start3A_179 = arith.constant 0 : i32
      %dma_start3A_180 = arith.constant 0 : i32
      %dma_start3A_181 = tpu.memref_slice %arg3[%add3A_174, %dma_start3A_179, %dma_start3A_180] : memref<2560x2x128xi32, #tpu.memory_space<hbm>> -> memref<1x2x128xi32, #tpu.memory_space<hbm>>
      %dma_start3A_182 = tpu.memref_squeeze %dma_start3A_181 : memref<1x2x128xi32, #tpu.memory_space<hbm>> -> memref<2x128xi32, #tpu.memory_space<hbm>>
      tpu.enqueue_dma source(%dma_start3A_182 : memref<2x128xi32, #tpu.memory_space<hbm>>) target(%arg6 : memref<2x128xi32, #tpu.memory_space<vmem>>) target_semaphore(%arg13 : memref<!tpu.dma_semaphore, #tpu.memory_space<semaphore_mem>>)
      %dma_wait3A_183 = arith.constant 0 : i32
      %dma_wait3A_184 = arith.constant 0 : i32
      %dma_wait3A_185 = arith.constant 0 : i32
      %dma_wait3A_186 = tpu.memref_slice %arg3[%dma_wait3A_183, %dma_wait3A_184, %dma_wait3A_185] : memref<2560x2x128xi32, #tpu.memory_space<hbm>> -> memref<1x2x128xi32, #tpu.memory_space<hbm>>
      %dma_wait3A_187 = tpu.memref_squeeze %dma_wait3A_186 : memref<1x2x128xi32, #tpu.memory_space<hbm>> -> memref<2x128xi32, #tpu.memory_space<hbm>>
      %dma_wait3A_188 = arith.constant 0 : i32
      %dma_wait3A_189 = arith.constant 0 : i32
      %dma_wait3A_190 = tpu.memref_slice %arg3[%dma_wait3A_183, %dma_wait3A_188, %dma_wait3A_189] : memref<2560x2x128xi32, #tpu.memory_space<hbm>> -> memref<1x2x128xi32, #tpu.memory_space<hbm>>
      %dma_wait3A_191 = tpu.memref_squeeze %dma_wait3A_190 : memref<1x2x128xi32, #tpu.memory_space<hbm>> -> memref<2x128xi32, #tpu.memory_space<hbm>>
      tpu.wait_dma2 semaphore(%arg15 : memref<!tpu.dma_semaphore, #tpu.memory_space<semaphore_mem>>) src(%dma_wait3A_191 : memref<2x128xi32, #tpu.memory_space<hbm>>) dst(%arg8 : memref<2x128xi32, #tpu.memory_space<vmem>>)
      %dma_start3A_192 = arith.constant 0 : i32
      %dma_start3A_193 = arith.constant 0 : i32
      %dma_start3A_194 = tpu.memref_slice %arg8[%dma_start3A_192, %dma_start3A_193] : memref<2x128xi32, #tpu.memory_space<vmem>> -> memref<1x128xi32, #tpu.memory_space<vmem>>
      %dma_start3A_195 = tpu.memref_squeeze %dma_start3A_194 : memref<1x128xi32, #tpu.memory_space<vmem>> -> memref<128xi32, #tpu.memory_space<vmem>>
      %dma_start3A_196 = arith.constant 0 : i32
      %dma_start3A_197 = arith.constant 0 : i32
      %dma_start3A_198 = tpu.memref_slice %arg2[%dma_start3A_196, %dma_start3A_197] : memref<10240x128xf32, #tpu.memory_space<hbm>> -> memref<10240x128xf32, #tpu.memory_space<hbm>>
      tpu.enqueue_indirect_dma source(%dma_start3A_198 : memref<10240x128xf32, #tpu.memory_space<hbm>>) target(%arg10 : memref<128x128xf32, #tpu.memory_space<vmem>>) offsets(%dma_start3A_195 : memref<128xi32, #tpu.memory_space<vmem>>) semaphore(%arg17 : memref<!tpu.dma_semaphore, #tpu.memory_space<semaphore_mem>>)
      %dma_wait3A_199 = arith.constant 0 : i32
      %dma_wait3A_200 = arith.constant 0 : i32
      %dma_wait3A_201 = tpu.memref_slice %arg2[%dma_wait3A_199, %dma_wait3A_200] : memref<10240x128xf32, #tpu.memory_space<hbm>> -> memref<128x128xf32, #tpu.memory_space<hbm>>
      %dma_wait3A_202 = arith.constant 0 : i32
      %dma_wait3A_203 = arith.constant 0 : i32
      %dma_wait3A_204 = tpu.memref_slice %arg2[%dma_wait3A_202, %dma_wait3A_203] : memref<10240x128xf32, #tpu.memory_space<hbm>> -> memref<128x128xf32, #tpu.memory_space<hbm>>
      tpu.wait_dma2 semaphore(%arg18 : memref<!tpu.dma_semaphore, #tpu.memory_space<semaphore_mem>>) src(%dma_wait3A_204 : memref<128x128xf32, #tpu.memory_space<hbm>>) dst(%arg11 : memref<128x128xf32, #tpu.memory_space<vmem>>)
      %run_scoped3A_205 = arith.constant 1 : i32
      "tpu.region"() ({
        %run_scoped3A_285 = tpu.sem_alloc : memref<!tpu.dma_semaphore, #tpu.memory_space<semaphore_mem>>
        %dma_start3A_286 = arith.constant 0 : i32
        %dma_start3A_287 = tpu.memref_slice %arg7[%run_scoped3A_205, %dma_start3A_286] : memref<2x128xi32, #tpu.memory_space<vmem>> -> memref<1x128xi32, #tpu.memory_space<vmem>>
        %dma_start3A_288 = tpu.memref_squeeze %dma_start3A_287 : memref<1x128xi32, #tpu.memory_space<vmem>> -> memref<128xi32, #tpu.memory_space<vmem>>
        %dma_start3A_289 = arith.constant 0 : i32
        %dma_start3A_290 = arith.constant 0 : i32
        %dma_start3A_291 = tpu.memref_slice %arg12[%dma_start3A_289, %dma_start3A_290] : memref<10240x128xf32, #tpu.memory_space<vmem_shared>> -> memref<10240x128xf32, #tpu.memory_space<vmem_shared>>
        tpu.enqueue_indirect_dma source(%arg11 : memref<128x128xf32, #tpu.memory_space<vmem>>) target(%dma_start3A_291 : memref<10240x128xf32, #tpu.memory_space<vmem_shared>>) offsets(%dma_start3A_288 : memref<128xi32, #tpu.memory_space<vmem>>) semaphore(%run_scoped3A_285 : memref<!tpu.dma_semaphore, #tpu.memory_space<semaphore_mem>>) {add = true}
        %dma_wait3A_292 = arith.constant 0 : i32
        %dma_wait3A_293 = tpu.memref_slice %arg7[%run_scoped3A_205, %dma_wait3A_292] : memref<2x128xi32, #tpu.memory_space<vmem>> -> memref<1x128xi32, #tpu.memory_space<vmem>>
        %dma_wait3A_294 = tpu.memref_squeeze %dma_wait3A_293 : memref<1x128xi32, #tpu.memory_space<vmem>> -> memref<128xi32, #tpu.memory_space<vmem>>
        %dma_wait3A_295 = arith.constant 0 : i32
        %dma_wait3A_296 = arith.constant 0 : i32
        %dma_wait3A_297 = tpu.memref_slice %arg12[%dma_wait3A_295, %dma_wait3A_296] : memref<10240x128xf32, #tpu.memory_space<vmem_shared>> -> memref<10240x128xf32, #tpu.memory_space<vmem_shared>>
        tpu.wait_indirect_dma semaphore(%run_scoped3A_285 : memref<!tpu.dma_semaphore, #tpu.memory_space<semaphore_mem>>) src(%arg11 : memref<128x128xf32, #tpu.memory_space<vmem>>) dst(%dma_wait3A_297 : memref<10240x128xf32, #tpu.memory_space<vmem_shared>>)
        tpu.yield
      }) : () -> ()
      %add3A_206 = arith.constant 5 : i32
      %add3A_207 = arith.addi %mul3A_148, %add3A_206 : i32
      %add3A_208 = arith.addi %mul3A_2, %add3A_207 : i32
      %dma_start3A_209 = arith.constant 0 : i32
      %dma_start3A_210 = arith.constant 0 : i32
      %dma_start3A_211 = tpu.memref_slice %arg3[%add3A_208, %dma_start3A_209, %dma_start3A_210] : memref<2560x2x128xi32, #tpu.memory_space<hbm>> -> memref<1x2x128xi32, #tpu.memory_space<hbm>>
      %dma_start3A_212 = tpu.memref_squeeze %dma_start3A_211 : memref<1x2x128xi32, #tpu.memory_space<hbm>> -> memref<2x128xi32, #tpu.memory_space<hbm>>
      %dma_start3A_213 = arith.constant 0 : i32
      %dma_start3A_214 = arith.constant 0 : i32
      %dma_start3A_215 = tpu.memref_slice %arg3[%add3A_208, %dma_start3A_213, %dma_start3A_214] : memref<2560x2x128xi32, #tpu.memory_space<hbm>> -> memref<1x2x128xi32, #tpu.memory_space<hbm>>
      %dma_start3A_216 = tpu.memref_squeeze %dma_start3A_215 : memref<1x2x128xi32, #tpu.memory_space<hbm>> -> memref<2x128xi32, #tpu.memory_space<hbm>>
      tpu.enqueue_dma source(%dma_start3A_216 : memref<2x128xi32, #tpu.memory_space<hbm>>) target(%arg7 : memref<2x128xi32, #tpu.memory_space<vmem>>) target_semaphore(%arg14 : memref<!tpu.dma_semaphore, #tpu.memory_space<semaphore_mem>>)
      %dma_wait3A_217 = arith.constant 0 : i32
      %dma_wait3A_218 = arith.constant 0 : i32
      %dma_wait3A_219 = arith.constant 0 : i32
      %dma_wait3A_220 = tpu.memref_slice %arg3[%dma_wait3A_217, %dma_wait3A_218, %dma_wait3A_219] : memref<2560x2x128xi32, #tpu.memory_space<hbm>> -> memref<1x2x128xi32, #tpu.memory_space<hbm>>
      %dma_wait3A_221 = tpu.memref_squeeze %dma_wait3A_220 : memref<1x2x128xi32, #tpu.memory_space<hbm>> -> memref<2x128xi32, #tpu.memory_space<hbm>>
      %dma_wait3A_222 = arith.constant 0 : i32
      %dma_wait3A_223 = arith.constant 0 : i32
      %dma_wait3A_224 = tpu.memref_slice %arg3[%dma_wait3A_217, %dma_wait3A_222, %dma_wait3A_223] : memref<2560x2x128xi32, #tpu.memory_space<hbm>> -> memref<1x2x128xi32, #tpu.memory_space<hbm>>
      %dma_wait3A_225 = tpu.memref_squeeze %dma_wait3A_224 : memref<1x2x128xi32, #tpu.memory_space<hbm>> -> memref<2x128xi32, #tpu.memory_space<hbm>>
      tpu.wait_dma2 semaphore(%arg16 : memref<!tpu.dma_semaphore, #tpu.memory_space<semaphore_mem>>) src(%dma_wait3A_225 : memref<2x128xi32, #tpu.memory_space<hbm>>) dst(%arg9 : memref<2x128xi32, #tpu.memory_space<vmem>>)
      %dma_start3A_226 = arith.constant 0 : i32
      %dma_start3A_227 = arith.constant 0 : i32
      %dma_start3A_228 = tpu.memref_slice %arg9[%dma_start3A_226, %dma_start3A_227] : memref<2x128xi32, #tpu.memory_space<vmem>> -> memref<1x128xi32, #tpu.memory_space<vmem>>
      %dma_start3A_229 = tpu.memref_squeeze %dma_start3A_228 : memref<1x128xi32, #tpu.memory_space<vmem>> -> memref<128xi32, #tpu.memory_space<vmem>>
      %dma_start3A_230 = arith.constant 0 : i32
      %dma_start3A_231 = arith.constant 0 : i32
      %dma_start3A_232 = tpu.memref_slice %arg2[%dma_start3A_230, %dma_start3A_231] : memref<10240x128xf32, #tpu.memory_space<hbm>> -> memref<10240x128xf32, #tpu.memory_space<hbm>>
      tpu.enqueue_indirect_dma source(%dma_start3A_232 : memref<10240x128xf32, #tpu.memory_space<hbm>>) target(%arg11 : memref<128x128xf32, #tpu.memory_space<vmem>>) offsets(%dma_start3A_229 : memref<128xi32, #tpu.memory_space<vmem>>) semaphore(%arg18 : memref<!tpu.dma_semaphore, #tpu.memory_space<semaphore_mem>>)
      %dma_wait3A_233 = arith.constant 0 : i32
      %dma_wait3A_234 = arith.constant 0 : i32
      %dma_wait3A_235 = tpu.memref_slice %arg2[%dma_wait3A_233, %dma_wait3A_234] : memref<10240x128xf32, #tpu.memory_space<hbm>> -> memref<128x128xf32, #tpu.memory_space<hbm>>
      %dma_wait3A_236 = arith.constant 0 : i32
      %dma_wait3A_237 = arith.constant 0 : i32
      %dma_wait3A_238 = tpu.memref_slice %arg2[%dma_wait3A_236, %dma_wait3A_237] : memref<10240x128xf32, #tpu.memory_space<hbm>> -> memref<128x128xf32, #tpu.memory_space<hbm>>
      tpu.wait_dma2 semaphore(%arg17 : memref<!tpu.dma_semaphore, #tpu.memory_space<semaphore_mem>>) src(%dma_wait3A_238 : memref<128x128xf32, #tpu.memory_space<hbm>>) dst(%arg10 : memref<128x128xf32, #tpu.memory_space<vmem>>)
      %run_scoped3A_239 = arith.constant 1 : i32
      "tpu.region"() ({
        %run_scoped3A_285 = tpu.sem_alloc : memref<!tpu.dma_semaphore, #tpu.memory_space<semaphore_mem>>
        %dma_start3A_286 = arith.constant 0 : i32
        %dma_start3A_287 = tpu.memref_slice %arg8[%run_scoped3A_239, %dma_start3A_286] : memref<2x128xi32, #tpu.memory_space<vmem>> -> memref<1x128xi32, #tpu.memory_space<vmem>>
        %dma_start3A_288 = tpu.memref_squeeze %dma_start3A_287 : memref<1x128xi32, #tpu.memory_space<vmem>> -> memref<128xi32, #tpu.memory_space<vmem>>
        %dma_start3A_289 = arith.constant 0 : i32
        %dma_start3A_290 = arith.constant 0 : i32
        %dma_start3A_291 = tpu.memref_slice %arg12[%dma_start3A_289, %dma_start3A_290] : memref<10240x128xf32, #tpu.memory_space<vmem_shared>> -> memref<10240x128xf32, #tpu.memory_space<vmem_shared>>
        tpu.enqueue_indirect_dma source(%arg10 : memref<128x128xf32, #tpu.memory_space<vmem>>) target(%dma_start3A_291 : memref<10240x128xf32, #tpu.memory_space<vmem_shared>>) offsets(%dma_start3A_288 : memref<128xi32, #tpu.memory_space<vmem>>) semaphore(%run_scoped3A_285 : memref<!tpu.dma_semaphore, #tpu.memory_space<semaphore_mem>>) {add = true}
        %dma_wait3A_292 = arith.constant 0 : i32
        %dma_wait3A_293 = tpu.memref_slice %arg8[%run_scoped3A_239, %dma_wait3A_292] : memref<2x128xi32, #tpu.memory_space<vmem>> -> memref<1x128xi32, #tpu.memory_space<vmem>>
        %dma_wait3A_294 = tpu.memref_squeeze %dma_wait3A_293 : memref<1x128xi32, #tpu.memory_space<vmem>> -> memref<128xi32, #tpu.memory_space<vmem>>
        %dma_wait3A_295 = arith.constant 0 : i32
        %dma_wait3A_296 = arith.constant 0 : i32
        %dma_wait3A_297 = tpu.memref_slice %arg12[%dma_wait3A_295, %dma_wait3A_296] : memref<10240x128xf32, #tpu.memory_space<vmem_shared>> -> memref<10240x128xf32, #tpu.memory_space<vmem_shared>>
        tpu.wait_indirect_dma semaphore(%run_scoped3A_285 : memref<!tpu.dma_semaphore, #tpu.memory_space<semaphore_mem>>) src(%arg10 : memref<128x128xf32, #tpu.memory_space<vmem>>) dst(%dma_wait3A_297 : memref<10240x128xf32, #tpu.memory_space<vmem_shared>>)
        tpu.yield
      }) : () -> ()
      %add3A_240 = arith.constant 6 : i32
      %add3A_241 = arith.addi %mul3A_148, %add3A_240 : i32
      %add3A_242 = arith.addi %mul3A_2, %add3A_241 : i32
      %dma_start3A_243 = arith.constant 0 : i32
      %dma_start3A_244 = arith.constant 0 : i32
      %dma_start3A_245 = tpu.memref_slice %arg3[%add3A_242, %dma_start3A_243, %dma_start3A_244] : memref<2560x2x128xi32, #tpu.memory_space<hbm>> -> memref<1x2x128xi32, #tpu.memory_space<hbm>>
      %dma_start3A_246 = tpu.memref_squeeze %dma_start3A_245 : memref<1x2x128xi32, #tpu.memory_space<hbm>> -> memref<2x128xi32, #tpu.memory_space<hbm>>
      %dma_start3A_247 = arith.constant 0 : i32
      %dma_start3A_248 = arith.constant 0 : i32
      %dma_start3A_249 = tpu.memref_slice %arg3[%add3A_242, %dma_start3A_247, %dma_start3A_248] : memref<2560x2x128xi32, #tpu.memory_space<hbm>> -> memref<1x2x128xi32, #tpu.memory_space<hbm>>
      %dma_start3A_250 = tpu.memref_squeeze %dma_start3A_249 : memref<1x2x128xi32, #tpu.memory_space<hbm>> -> memref<2x128xi32, #tpu.memory_space<hbm>>
      tpu.enqueue_dma source(%dma_start3A_250 : memref<2x128xi32, #tpu.memory_space<hbm>>) target(%arg8 : memref<2x128xi32, #tpu.memory_space<vmem>>) target_semaphore(%arg15 : memref<!tpu.dma_semaphore, #tpu.memory_space<semaphore_mem>>)
      %dma_wait3A_251 = arith.constant 0 : i32
      %dma_wait3A_252 = arith.constant 0 : i32
      %dma_wait3A_253 = arith.constant 0 : i32
      %dma_wait3A_254 = tpu.memref_slice %arg3[%dma_wait3A_251, %dma_wait3A_252, %dma_wait3A_253] : memref<2560x2x128xi32, #tpu.memory_space<hbm>> -> memref<1x2x128xi32, #tpu.memory_space<hbm>>
      %dma_wait3A_255 = tpu.memref_squeeze %dma_wait3A_254 : memref<1x2x128xi32, #tpu.memory_space<hbm>> -> memref<2x128xi32, #tpu.memory_space<hbm>>
      %dma_wait3A_256 = arith.constant 0 : i32
      %dma_wait3A_257 = arith.constant 0 : i32
      %dma_wait3A_258 = tpu.memref_slice %arg3[%dma_wait3A_251, %dma_wait3A_256, %dma_wait3A_257] : memref<2560x2x128xi32, #tpu.memory_space<hbm>> -> memref<1x2x128xi32, #tpu.memory_space<hbm>>
      %dma_wait3A_259 = tpu.memref_squeeze %dma_wait3A_258 : memref<1x2x128xi32, #tpu.memory_space<hbm>> -> memref<2x128xi32, #tpu.memory_space<hbm>>
      tpu.wait_dma2 semaphore(%arg13 : memref<!tpu.dma_semaphore, #tpu.memory_space<semaphore_mem>>) src(%dma_wait3A_259 : memref<2x128xi32, #tpu.memory_space<hbm>>) dst(%arg6 : memref<2x128xi32, #tpu.memory_space<vmem>>)
      %dma_start3A_260 = arith.constant 0 : i32
      %dma_start3A_261 = arith.constant 0 : i32
      %dma_start3A_262 = tpu.memref_slice %arg6[%dma_start3A_260, %dma_start3A_261] : memref<2x128xi32, #tpu.memory_space<vmem>> -> memref<1x128xi32, #tpu.memory_space<vmem>>
      %dma_start3A_263 = tpu.memref_squeeze %dma_start3A_262 : memref<1x128xi32, #tpu.memory_space<vmem>> -> memref<128xi32, #tpu.memory_space<vmem>>
      %dma_start3A_264 = arith.constant 0 : i32
      %dma_start3A_265 = arith.constant 0 : i32
      %dma_start3A_266 = tpu.memref_slice %arg2[%dma_start3A_264, %dma_start3A_265] : memref<10240x128xf32, #tpu.memory_space<hbm>> -> memref<10240x128xf32, #tpu.memory_space<hbm>>
      tpu.enqueue_indirect_dma source(%dma_start3A_266 : memref<10240x128xf32, #tpu.memory_space<hbm>>) target(%arg10 : memref<128x128xf32, #tpu.memory_space<vmem>>) offsets(%dma_start3A_263 : memref<128xi32, #tpu.memory_space<vmem>>) semaphore(%arg17 : memref<!tpu.dma_semaphore, #tpu.memory_space<semaphore_mem>>)
      %dma_wait3A_267 = arith.constant 0 : i32
      %dma_wait3A_268 = arith.constant 0 : i32
      %dma_wait3A_269 = tpu.memref_slice %arg2[%dma_wait3A_267, %dma_wait3A_268] : memref<10240x128xf32, #tpu.memory_space<hbm>> -> memref<128x128xf32, #tpu.memory_space<hbm>>
      %dma_wait3A_270 = arith.constant 0 : i32
      %dma_wait3A_271 = arith.constant 0 : i32
      %dma_wait3A_272 = tpu.memref_slice %arg2[%dma_wait3A_270, %dma_wait3A_271] : memref<10240x128xf32, #tpu.memory_space<hbm>> -> memref<128x128xf32, #tpu.memory_space<hbm>>
      tpu.wait_dma2 semaphore(%arg18 : memref<!tpu.dma_semaphore, #tpu.memory_space<semaphore_mem>>) src(%dma_wait3A_272 : memref<128x128xf32, #tpu.memory_space<hbm>>) dst(%arg11 : memref<128x128xf32, #tpu.memory_space<vmem>>)
      %run_scoped3A_273 = arith.constant 1 : i32
      "tpu.region"() ({
        %run_scoped3A_285 = tpu.sem_alloc : memref<!tpu.dma_semaphore, #tpu.memory_space<semaphore_mem>>
        %dma_start3A_286 = arith.constant 0 : i32
        %dma_start3A_287 = tpu.memref_slice %arg9[%run_scoped3A_273, %dma_start3A_286] : memref<2x128xi32, #tpu.memory_space<vmem>> -> memref<1x128xi32, #tpu.memory_space<vmem>>
        %dma_start3A_288 = tpu.memref_squeeze %dma_start3A_287 : memref<1x128xi32, #tpu.memory_space<vmem>> -> memref<128xi32, #tpu.memory_space<vmem>>
        %dma_start3A_289 = arith.constant 0 : i32
        %dma_start3A_290 = arith.constant 0 : i32
        %dma_start3A_291 = tpu.memref_slice %arg12[%dma_start3A_289, %dma_start3A_290] : memref<10240x128xf32, #tpu.memory_space<vmem_shared>> -> memref<10240x128xf32, #tpu.memory_space<vmem_shared>>
        tpu.enqueue_indirect_dma source(%arg11 : memref<128x128xf32, #tpu.memory_space<vmem>>) target(%dma_start3A_291 : memref<10240x128xf32, #tpu.memory_space<vmem_shared>>) offsets(%dma_start3A_288 : memref<128xi32, #tpu.memory_space<vmem>>) semaphore(%run_scoped3A_285 : memref<!tpu.dma_semaphore, #tpu.memory_space<semaphore_mem>>) {add = true}
        %dma_wait3A_292 = arith.constant 0 : i32
        %dma_wait3A_293 = tpu.memref_slice %arg9[%run_scoped3A_273, %dma_wait3A_292] : memref<2x128xi32, #tpu.memory_space<vmem>> -> memref<1x128xi32, #tpu.memory_space<vmem>>
        %dma_wait3A_294 = tpu.memref_squeeze %dma_wait3A_293 : memref<1x128xi32, #tpu.memory_space<vmem>> -> memref<128xi32, #tpu.memory_space<vmem>>
        %dma_wait3A_295 = arith.constant 0 : i32
        %dma_wait3A_296 = arith.constant 0 : i32
        %dma_wait3A_297 = tpu.memref_slice %arg12[%dma_wait3A_295, %dma_wait3A_296] : memref<10240x128xf32, #tpu.memory_space<vmem_shared>> -> memref<10240x128xf32, #tpu.memory_space<vmem_shared>>
        tpu.wait_indirect_dma semaphore(%run_scoped3A_285 : memref<!tpu.dma_semaphore, #tpu.memory_space<semaphore_mem>>) src(%arg11 : memref<128x128xf32, #tpu.memory_space<vmem>>) dst(%dma_wait3A_297 : memref<10240x128xf32, #tpu.memory_space<vmem_shared>>)
        tpu.yield
      }) : () -> ()
      %add3A_274 = arith.constant 7 : i32
      %add3A_275 = arith.addi %mul3A_148, %add3A_274 : i32
      %add3A_276 = arith.addi %mul3A_2, %add3A_275 : i32
      %dma_start3A_277 = arith.constant 0 : i32
      %dma_start3A_278 = arith.constant 0 : i32
      %dma_start3A_279 = tpu.memref_slice %arg3[%add3A_276, %dma_start3A_277, %dma_start3A_278] : memref<2560x2x128xi32, #tpu.memory_space<hbm>> -> memref<1x2x128xi32, #tpu.memory_space<hbm>>
      %dma_start3A_280 = tpu.memref_squeeze %dma_start3A_279 : memref<1x2x128xi32, #tpu.memory_space<hbm>> -> memref<2x128xi32, #tpu.memory_space<hbm>>
      %dma_start3A_281 = arith.constant 0 : i32
      %dma_start3A_282 = arith.constant 0 : i32
      %dma_start3A_283 = tpu.memref_slice %arg3[%add3A_276, %dma_start3A_281, %dma_start3A_282] : memref<2560x2x128xi32, #tpu.memory_space<hbm>> -> memref<1x2x128xi32, #tpu.memory_space<hbm>>
      %dma_start3A_284 = tpu.memref_squeeze %dma_start3A_283 : memref<1x2x128xi32, #tpu.memory_space<hbm>> -> memref<2x128xi32, #tpu.memory_space<hbm>>
      tpu.enqueue_dma source(%dma_start3A_284 : memref<2x128xi32, #tpu.memory_space<hbm>>) target(%arg9 : memref<2x128xi32, #tpu.memory_space<vmem>>) target_semaphore(%arg16 : memref<!tpu.dma_semaphore, #tpu.memory_space<semaphore_mem>>)
    }
    %scan3A_65 = arith.constant 19 : i32
    %dma_wait3A_66 = arith.constant 0 : i32
    %dma_wait3A_67 = arith.constant 0 : i32
    %dma_wait3A_68 = arith.constant 0 : i32
    %dma_wait3A_69 = tpu.memref_slice %arg3[%dma_wait3A_66, %dma_wait3A_67, %dma_wait3A_68] : memref<2560x2x128xi32, #tpu.memory_space<hbm>> -> memref<1x2x128xi32, #tpu.memory_space<hbm>>
    %dma_wait3A_70 = tpu.memref_squeeze %dma_wait3A_69 : memref<1x2x128xi32, #tpu.memory_space<hbm>> -> memref<2x128xi32, #tpu.memory_space<hbm>>
    %dma_wait3A_71 = arith.constant 0 : i32
    %dma_wait3A_72 = arith.constant 0 : i32
    %dma_wait3A_73 = tpu.memref_slice %arg3[%dma_wait3A_66, %dma_wait3A_71, %dma_wait3A_72] : memref<2560x2x128xi32, #tpu.memory_space<hbm>> -> memref<1x2x128xi32, #tpu.memory_space<hbm>>
    %dma_wait3A_74 = tpu.memref_squeeze %dma_wait3A_73 : memref<1x2x128xi32, #tpu.memory_space<hbm>> -> memref<2x128xi32, #tpu.memory_space<hbm>>
    tpu.wait_dma2 semaphore(%arg14 : memref<!tpu.dma_semaphore, #tpu.memory_space<semaphore_mem>>) src(%dma_wait3A_74 : memref<2x128xi32, #tpu.memory_space<hbm>>) dst(%arg7 : memref<2x128xi32, #tpu.memory_space<vmem>>)
    %dma_start3A_75 = arith.constant 0 : i32
    %dma_start3A_76 = arith.constant 0 : i32
    %dma_start3A_77 = tpu.memref_slice %arg7[%dma_start3A_75, %dma_start3A_76] : memref<2x128xi32, #tpu.memory_space<vmem>> -> memref<1x128xi32, #tpu.memory_space<vmem>>
    %dma_start3A_78 = tpu.memref_squeeze %dma_start3A_77 : memref<1x128xi32, #tpu.memory_space<vmem>> -> memref<128xi32, #tpu.memory_space<vmem>>
    %dma_start3A_79 = arith.constant 0 : i32
    %dma_start3A_80 = arith.constant 0 : i32
    %dma_start3A_81 = tpu.memref_slice %arg2[%dma_start3A_79, %dma_start3A_80] : memref<10240x128xf32, #tpu.memory_space<hbm>> -> memref<10240x128xf32, #tpu.memory_space<hbm>>
    tpu.enqueue_indirect_dma source(%dma_start3A_81 : memref<10240x128xf32, #tpu.memory_space<hbm>>) target(%arg11 : memref<128x128xf32, #tpu.memory_space<vmem>>) offsets(%dma_start3A_78 : memref<128xi32, #tpu.memory_space<vmem>>) semaphore(%arg18 : memref<!tpu.dma_semaphore, #tpu.memory_space<semaphore_mem>>)
    %dma_wait3A_82 = arith.constant 0 : i32
    %dma_wait3A_83 = arith.constant 0 : i32
    %dma_wait3A_84 = tpu.memref_slice %arg2[%dma_wait3A_82, %dma_wait3A_83] : memref<10240x128xf32, #tpu.memory_space<hbm>> -> memref<128x128xf32, #tpu.memory_space<hbm>>
    %dma_wait3A_85 = arith.constant 0 : i32
    %dma_wait3A_86 = arith.constant 0 : i32
    %dma_wait3A_87 = tpu.memref_slice %arg2[%dma_wait3A_85, %dma_wait3A_86] : memref<10240x128xf32, #tpu.memory_space<hbm>> -> memref<128x128xf32, #tpu.memory_space<hbm>>
    tpu.wait_dma2 semaphore(%arg17 : memref<!tpu.dma_semaphore, #tpu.memory_space<semaphore_mem>>) src(%dma_wait3A_87 : memref<128x128xf32, #tpu.memory_space<hbm>>) dst(%arg10 : memref<128x128xf32, #tpu.memory_space<vmem>>)
    %run_scoped3A = arith.constant 1 : i32
    "tpu.region"() ({
      %run_scoped3A_146 = tpu.sem_alloc : memref<!tpu.dma_semaphore, #tpu.memory_space<semaphore_mem>>
      %dma_start3A_147 = arith.constant 0 : i32
      %dma_start3A_148 = tpu.memref_slice %arg6[%run_scoped3A, %dma_start3A_147] : memref<2x128xi32, #tpu.memory_space<vmem>> -> memref<1x128xi32, #tpu.memory_space<vmem>>
      %dma_start3A_149 = tpu.memref_squeeze %dma_start3A_148 : memref<1x128xi32, #tpu.memory_space<vmem>> -> memref<128xi32, #tpu.memory_space<vmem>>
      %dma_start3A_150 = arith.constant 0 : i32
      %dma_start3A_151 = arith.constant 0 : i32
      %dma_start3A_152 = tpu.memref_slice %arg12[%dma_start3A_150, %dma_start3A_151] : memref<10240x128xf32, #tpu.memory_space<vmem_shared>> -> memref<10240x128xf32, #tpu.memory_space<vmem_shared>>
      tpu.enqueue_indirect_dma source(%arg10 : memref<128x128xf32, #tpu.memory_space<vmem>>) target(%dma_start3A_152 : memref<10240x128xf32, #tpu.memory_space<vmem_shared>>) offsets(%dma_start3A_149 : memref<128xi32, #tpu.memory_space<vmem>>) semaphore(%run_scoped3A_146 : memref<!tpu.dma_semaphore, #tpu.memory_space<semaphore_mem>>) {add = true}
      %dma_wait3A_153 = arith.constant 0 : i32
      %dma_wait3A_154 = tpu.memref_slice %arg6[%run_scoped3A, %dma_wait3A_153] : memref<2x128xi32, #tpu.memory_space<vmem>> -> memref<1x128xi32, #tpu.memory_space<vmem>>
      %dma_wait3A_155 = tpu.memref_squeeze %dma_wait3A_154 : memref<1x128xi32, #tpu.memory_space<vmem>> -> memref<128xi32, #tpu.memory_space<vmem>>
      %dma_wait3A_156 = arith.constant 0 : i32
      %dma_wait3A_157 = arith.constant 0 : i32
      %dma_wait3A_158 = tpu.memref_slice %arg12[%dma_wait3A_156, %dma_wait3A_157] : memref<10240x128xf32, #tpu.memory_space<vmem_shared>> -> memref<10240x128xf32, #tpu.memory_space<vmem_shared>>
      tpu.wait_indirect_dma semaphore(%run_scoped3A_146 : memref<!tpu.dma_semaphore, #tpu.memory_space<semaphore_mem>>) src(%arg10 : memref<128x128xf32, #tpu.memory_space<vmem>>) dst(%dma_wait3A_158 : memref<10240x128xf32, #tpu.memory_space<vmem_shared>>)
      tpu.yield
    }) : () -> ()
    %dma_wait3A_88 = arith.constant 0 : i32
    %dma_wait3A_89 = arith.constant 0 : i32
    %dma_wait3A_90 = arith.constant 0 : i32
    %dma_wait3A_91 = tpu.memref_slice %arg3[%dma_wait3A_88, %dma_wait3A_89, %dma_wait3A_90] : memref<2560x2x128xi32, #tpu.memory_space<hbm>> -> memref<1x2x128xi32, #tpu.memory_space<hbm>>
    %dma_wait3A_92 = tpu.memref_squeeze %dma_wait3A_91 : memref<1x2x128xi32, #tpu.memory_space<hbm>> -> memref<2x128xi32, #tpu.memory_space<hbm>>
    %dma_wait3A_93 = arith.constant 0 : i32
    %dma_wait3A_94 = arith.constant 0 : i32
    %dma_wait3A_95 = tpu.memref_slice %arg3[%dma_wait3A_88, %dma_wait3A_93, %dma_wait3A_94] : memref<2560x2x128xi32, #tpu.memory_space<hbm>> -> memref<1x2x128xi32, #tpu.memory_space<hbm>>
    %dma_wait3A_96 = tpu.memref_squeeze %dma_wait3A_95 : memref<1x2x128xi32, #tpu.memory_space<hbm>> -> memref<2x128xi32, #tpu.memory_space<hbm>>
    tpu.wait_dma2 semaphore(%arg15 : memref<!tpu.dma_semaphore, #tpu.memory_space<semaphore_mem>>) src(%dma_wait3A_96 : memref<2x128xi32, #tpu.memory_space<hbm>>) dst(%arg8 : memref<2x128xi32, #tpu.memory_space<vmem>>)
    %dma_start3A_97 = arith.constant 0 : i32
    %dma_start3A_98 = arith.constant 0 : i32
    %dma_start3A_99 = tpu.memref_slice %arg8[%dma_start3A_97, %dma_start3A_98] : memref<2x128xi32, #tpu.memory_space<vmem>> -> memref<1x128xi32, #tpu.memory_space<vmem>>
    %dma_start3A_100 = tpu.memref_squeeze %dma_start3A_99 : memref<1x128xi32, #tpu.memory_space<vmem>> -> memref<128xi32, #tpu.memory_space<vmem>>
    %dma_start3A_101 = arith.constant 0 : i32
    %dma_start3A_102 = arith.constant 0 : i32
    %dma_start3A_103 = tpu.memref_slice %arg2[%dma_start3A_101, %dma_start3A_102] : memref<10240x128xf32, #tpu.memory_space<hbm>> -> memref<10240x128xf32, #tpu.memory_space<hbm>>
    tpu.enqueue_indirect_dma source(%dma_start3A_103 : memref<10240x128xf32, #tpu.memory_space<hbm>>) target(%arg10 : memref<128x128xf32, #tpu.memory_space<vmem>>) offsets(%dma_start3A_100 : memref<128xi32, #tpu.memory_space<vmem>>) semaphore(%arg17 : memref<!tpu.dma_semaphore, #tpu.memory_space<semaphore_mem>>)
    %dma_wait3A_104 = arith.constant 0 : i32
    %dma_wait3A_105 = arith.constant 0 : i32
    %dma_wait3A_106 = tpu.memref_slice %arg2[%dma_wait3A_104, %dma_wait3A_105] : memref<10240x128xf32, #tpu.memory_space<hbm>> -> memref<128x128xf32, #tpu.memory_space<hbm>>
    %dma_wait3A_107 = arith.constant 0 : i32
    %dma_wait3A_108 = arith.constant 0 : i32
    %dma_wait3A_109 = tpu.memref_slice %arg2[%dma_wait3A_107, %dma_wait3A_108] : memref<10240x128xf32, #tpu.memory_space<hbm>> -> memref<128x128xf32, #tpu.memory_space<hbm>>
    tpu.wait_dma2 semaphore(%arg18 : memref<!tpu.dma_semaphore, #tpu.memory_space<semaphore_mem>>) src(%dma_wait3A_109 : memref<128x128xf32, #tpu.memory_space<hbm>>) dst(%arg11 : memref<128x128xf32, #tpu.memory_space<vmem>>)
    %run_scoped3A_110 = arith.constant 1 : i32
    "tpu.region"() ({
      %run_scoped3A_146 = tpu.sem_alloc : memref<!tpu.dma_semaphore, #tpu.memory_space<semaphore_mem>>
      %dma_start3A_147 = arith.constant 0 : i32
      %dma_start3A_148 = tpu.memref_slice %arg7[%run_scoped3A_110, %dma_start3A_147] : memref<2x128xi32, #tpu.memory_space<vmem>> -> memref<1x128xi32, #tpu.memory_space<vmem>>
      %dma_start3A_149 = tpu.memref_squeeze %dma_start3A_148 : memref<1x128xi32, #tpu.memory_space<vmem>> -> memref<128xi32, #tpu.memory_space<vmem>>
      %dma_start3A_150 = arith.constant 0 : i32
      %dma_start3A_151 = arith.constant 0 : i32
      %dma_start3A_152 = tpu.memref_slice %arg12[%dma_start3A_150, %dma_start3A_151] : memref<10240x128xf32, #tpu.memory_space<vmem_shared>> -> memref<10240x128xf32, #tpu.memory_space<vmem_shared>>
      tpu.enqueue_indirect_dma source(%arg11 : memref<128x128xf32, #tpu.memory_space<vmem>>) target(%dma_start3A_152 : memref<10240x128xf32, #tpu.memory_space<vmem_shared>>) offsets(%dma_start3A_149 : memref<128xi32, #tpu.memory_space<vmem>>) semaphore(%run_scoped3A_146 : memref<!tpu.dma_semaphore, #tpu.memory_space<semaphore_mem>>) {add = true}
      %dma_wait3A_153 = arith.constant 0 : i32
      %dma_wait3A_154 = tpu.memref_slice %arg7[%run_scoped3A_110, %dma_wait3A_153] : memref<2x128xi32, #tpu.memory_space<vmem>> -> memref<1x128xi32, #tpu.memory_space<vmem>>
      %dma_wait3A_155 = tpu.memref_squeeze %dma_wait3A_154 : memref<1x128xi32, #tpu.memory_space<vmem>> -> memref<128xi32, #tpu.memory_space<vmem>>
      %dma_wait3A_156 = arith.constant 0 : i32
      %dma_wait3A_157 = arith.constant 0 : i32
      %dma_wait3A_158 = tpu.memref_slice %arg12[%dma_wait3A_156, %dma_wait3A_157] : memref<10240x128xf32, #tpu.memory_space<vmem_shared>> -> memref<10240x128xf32, #tpu.memory_space<vmem_shared>>
      tpu.wait_indirect_dma semaphore(%run_scoped3A_146 : memref<!tpu.dma_semaphore, #tpu.memory_space<semaphore_mem>>) src(%arg11 : memref<128x128xf32, #tpu.memory_space<vmem>>) dst(%dma_wait3A_158 : memref<10240x128xf32, #tpu.memory_space<vmem_shared>>)
      tpu.yield
    }) : () -> ()
    %dma_wait3A_111 = arith.constant 0 : i32
    %dma_wait3A_112 = arith.constant 0 : i32
    %dma_wait3A_113 = arith.constant 0 : i32
    %dma_wait3A_114 = tpu.memref_slice %arg3[%dma_wait3A_111, %dma_wait3A_112, %dma_wait3A_113] : memref<2560x2x128xi32, #tpu.memory_space<hbm>> -> memref<1x2x128xi32, #tpu.memory_space<hbm>>
    %dma_wait3A_115 = tpu.memref_squeeze %dma_wait3A_114 : memref<1x2x128xi32, #tpu.memory_space<hbm>> -> memref<2x128xi32, #tpu.memory_space<hbm>>
    %dma_wait3A_116 = arith.constant 0 : i32
    %dma_wait3A_117 = arith.constant 0 : i32
    %dma_wait3A_118 = tpu.memref_slice %arg3[%dma_wait3A_111, %dma_wait3A_116, %dma_wait3A_117] : memref<2560x2x128xi32, #tpu.memory_space<hbm>> -> memref<1x2x128xi32, #tpu.memory_space<hbm>>
    %dma_wait3A_119 = tpu.memref_squeeze %dma_wait3A_118 : memref<1x2x128xi32, #tpu.memory_space<hbm>> -> memref<2x128xi32, #tpu.memory_space<hbm>>
    tpu.wait_dma2 semaphore(%arg16 : memref<!tpu.dma_semaphore, #tpu.memory_space<semaphore_mem>>) src(%dma_wait3A_119 : memref<2x128xi32, #tpu.memory_space<hbm>>) dst(%arg9 : memref<2x128xi32, #tpu.memory_space<vmem>>)
    %dma_start3A_120 = arith.constant 0 : i32
    %dma_start3A_121 = arith.constant 0 : i32
    %dma_start3A_122 = tpu.memref_slice %arg9[%dma_start3A_120, %dma_start3A_121] : memref<2x128xi32, #tpu.memory_space<vmem>> -> memref<1x128xi32, #tpu.memory_space<vmem>>
    %dma_start3A_123 = tpu.memref_squeeze %dma_start3A_122 : memref<1x128xi32, #tpu.memory_space<vmem>> -> memref<128xi32, #tpu.memory_space<vmem>>
    %dma_start3A_124 = arith.constant 0 : i32
    %dma_start3A_125 = arith.constant 0 : i32
    %dma_start3A_126 = tpu.memref_slice %arg2[%dma_start3A_124, %dma_start3A_125] : memref<10240x128xf32, #tpu.memory_space<hbm>> -> memref<10240x128xf32, #tpu.memory_space<hbm>>
    tpu.enqueue_indirect_dma source(%dma_start3A_126 : memref<10240x128xf32, #tpu.memory_space<hbm>>) target(%arg11 : memref<128x128xf32, #tpu.memory_space<vmem>>) offsets(%dma_start3A_123 : memref<128xi32, #tpu.memory_space<vmem>>) semaphore(%arg18 : memref<!tpu.dma_semaphore, #tpu.memory_space<semaphore_mem>>)
    %dma_wait3A_127 = arith.constant 0 : i32
    %dma_wait3A_128 = arith.constant 0 : i32
    %dma_wait3A_129 = tpu.memref_slice %arg2[%dma_wait3A_127, %dma_wait3A_128] : memref<10240x128xf32, #tpu.memory_space<hbm>> -> memref<128x128xf32, #tpu.memory_space<hbm>>
    %dma_wait3A_130 = arith.constant 0 : i32
    %dma_wait3A_131 = arith.constant 0 : i32
    %dma_wait3A_132 = tpu.memref_slice %arg2[%dma_wait3A_130, %dma_wait3A_131] : memref<10240x128xf32, #tpu.memory_space<hbm>> -> memref<128x128xf32, #tpu.memory_space<hbm>>
    tpu.wait_dma2 semaphore(%arg17 : memref<!tpu.dma_semaphore, #tpu.memory_space<semaphore_mem>>) src(%dma_wait3A_132 : memref<128x128xf32, #tpu.memory_space<hbm>>) dst(%arg10 : memref<128x128xf32, #tpu.memory_space<vmem>>)
    %run_scoped3A_133 = arith.constant 1 : i32
    "tpu.region"() ({
      %run_scoped3A_146 = tpu.sem_alloc : memref<!tpu.dma_semaphore, #tpu.memory_space<semaphore_mem>>
      %dma_start3A_147 = arith.constant 0 : i32
      %dma_start3A_148 = tpu.memref_slice %arg8[%run_scoped3A_133, %dma_start3A_147] : memref<2x128xi32, #tpu.memory_space<vmem>> -> memref<1x128xi32, #tpu.memory_space<vmem>>
      %dma_start3A_149 = tpu.memref_squeeze %dma_start3A_148 : memref<1x128xi32, #tpu.memory_space<vmem>> -> memref<128xi32, #tpu.memory_space<vmem>>
      %dma_start3A_150 = arith.constant 0 : i32
      %dma_start3A_151 = arith.constant 0 : i32
      %dma_start3A_152 = tpu.memref_slice %arg12[%dma_start3A_150, %dma_start3A_151] : memref<10240x128xf32, #tpu.memory_space<vmem_shared>> -> memref<10240x128xf32, #tpu.memory_space<vmem_shared>>
      tpu.enqueue_indirect_dma source(%arg10 : memref<128x128xf32, #tpu.memory_space<vmem>>) target(%dma_start3A_152 : memref<10240x128xf32, #tpu.memory_space<vmem_shared>>) offsets(%dma_start3A_149 : memref<128xi32, #tpu.memory_space<vmem>>) semaphore(%run_scoped3A_146 : memref<!tpu.dma_semaphore, #tpu.memory_space<semaphore_mem>>) {add = true}
      %dma_wait3A_153 = arith.constant 0 : i32
      %dma_wait3A_154 = tpu.memref_slice %arg8[%run_scoped3A_133, %dma_wait3A_153] : memref<2x128xi32, #tpu.memory_space<vmem>> -> memref<1x128xi32, #tpu.memory_space<vmem>>
      %dma_wait3A_155 = tpu.memref_squeeze %dma_wait3A_154 : memref<1x128xi32, #tpu.memory_space<vmem>> -> memref<128xi32, #tpu.memory_space<vmem>>
      %dma_wait3A_156 = arith.constant 0 : i32
      %dma_wait3A_157 = arith.constant 0 : i32
      %dma_wait3A_158 = tpu.memref_slice %arg12[%dma_wait3A_156, %dma_wait3A_157] : memref<10240x128xf32, #tpu.memory_space<vmem_shared>> -> memref<10240x128xf32, #tpu.memory_space<vmem_shared>>
      tpu.wait_indirect_dma semaphore(%run_scoped3A_146 : memref<!tpu.dma_semaphore, #tpu.memory_space<semaphore_mem>>) src(%arg10 : memref<128x128xf32, #tpu.memory_space<vmem>>) dst(%dma_wait3A_158 : memref<10240x128xf32, #tpu.memory_space<vmem_shared>>)
      tpu.yield
    }) : () -> ()
    %dma_wait3A_134 = arith.constant 0 : i32
    %dma_wait3A_135 = arith.constant 0 : i32
    %dma_wait3A_136 = tpu.memref_slice %arg2[%dma_wait3A_134, %dma_wait3A_135] : memref<10240x128xf32, #tpu.memory_space<hbm>> -> memref<128x128xf32, #tpu.memory_space<hbm>>
    %dma_wait3A_137 = arith.constant 0 : i32
    %dma_wait3A_138 = arith.constant 0 : i32
    %dma_wait3A_139 = tpu.memref_slice %arg2[%dma_wait3A_137, %dma_wait3A_138] : memref<10240x128xf32, #tpu.memory_space<hbm>> -> memref<128x128xf32, #tpu.memory_space<hbm>>
    tpu.wait_dma2 semaphore(%arg18 : memref<!tpu.dma_semaphore, #tpu.memory_space<semaphore_mem>>) src(%dma_wait3A_139 : memref<128x128xf32, #tpu.memory_space<hbm>>) dst(%arg11 : memref<128x128xf32, #tpu.memory_space<vmem>>)
    %run_scoped3A_140 = arith.constant 1 : i32
    "tpu.region"() ({
      %run_scoped3A_146 = tpu.sem_alloc : memref<!tpu.dma_semaphore, #tpu.memory_space<semaphore_mem>>
      %dma_start3A_147 = arith.constant 0 : i32
      %dma_start3A_148 = tpu.memref_slice %arg9[%run_scoped3A_140, %dma_start3A_147] : memref<2x128xi32, #tpu.memory_space<vmem>> -> memref<1x128xi32, #tpu.memory_space<vmem>>
      %dma_start3A_149 = tpu.memref_squeeze %dma_start3A_148 : memref<1x128xi32, #tpu.memory_space<vmem>> -> memref<128xi32, #tpu.memory_space<vmem>>
      %dma_start3A_150 = arith.constant 0 : i32
      %dma_start3A_151 = arith.constant 0 : i32
      %dma_start3A_152 = tpu.memref_slice %arg12[%dma_start3A_150, %dma_start3A_151] : memref<10240x128xf32, #tpu.memory_space<vmem_shared>> -> memref<10240x128xf32, #tpu.memory_space<vmem_shared>>
      tpu.enqueue_indirect_dma source(%arg11 : memref<128x128xf32, #tpu.memory_space<vmem>>) target(%dma_start3A_152 : memref<10240x128xf32, #tpu.memory_space<vmem_shared>>) offsets(%dma_start3A_149 : memref<128xi32, #tpu.memory_space<vmem>>) semaphore(%run_scoped3A_146 : memref<!tpu.dma_semaphore, #tpu.memory_space<semaphore_mem>>) {add = true}
      %dma_wait3A_153 = arith.constant 0 : i32
      %dma_wait3A_154 = tpu.memref_slice %arg9[%run_scoped3A_140, %dma_wait3A_153] : memref<2x128xi32, #tpu.memory_space<vmem>> -> memref<1x128xi32, #tpu.memory_space<vmem>>
      %dma_wait3A_155 = tpu.memref_squeeze %dma_wait3A_154 : memref<1x128xi32, #tpu.memory_space<vmem>> -> memref<128xi32, #tpu.memory_space<vmem>>
      %dma_wait3A_156 = arith.constant 0 : i32
      %dma_wait3A_157 = arith.constant 0 : i32
      %dma_wait3A_158 = tpu.memref_slice %arg12[%dma_wait3A_156, %dma_wait3A_157] : memref<10240x128xf32, #tpu.memory_space<vmem_shared>> -> memref<10240x128xf32, #tpu.memory_space<vmem_shared>>
      tpu.wait_indirect_dma semaphore(%run_scoped3A_146 : memref<!tpu.dma_semaphore, #tpu.memory_space<semaphore_mem>>) src(%arg11 : memref<128x128xf32, #tpu.memory_space<vmem>>) dst(%dma_wait3A_158 : memref<10240x128xf32, #tpu.memory_space<vmem_shared>>)
      tpu.yield
    }) : () -> ()
    %barrier3A_141 = arith.constant 0 : index
    tpu.barrier barrier_id(%barrier3A_141)
    %mul3A_142 = arith.constant 640 : i32
    %mul3A_143 = arith.muli %arg1, %mul3A_142 : i32
    %mul3A_144 = arith.constant 640 : i32
    %mul3A_145 = arith.muli %arg1, %mul3A_144 : i32
    "tpu.region"() ({
      %run_scoped3A_146 = tpu.sem_alloc : memref<!tpu.dma_semaphore, #tpu.memory_space<semaphore_mem>>
      %dma_start3A_147 = arith.constant 0 : i32
      %dma_start3A_148 = arith.constant 0 : i32
      %dma_start3A_149 = tpu.memref_slice %arg5[%arg0, %dma_start3A_147, %dma_start3A_148] : memref<2x10240x128xf32, #tpu.memory_space<hbm>> -> memref<1x10240x128xf32, #tpu.memory_space<hbm>>
      %dma_start3A_150 = tpu.memref_squeeze %dma_start3A_149 : memref<1x10240x128xf32, #tpu.memory_space<hbm>> -> memref<10240x128xf32, #tpu.memory_space<hbm>>
      %dma_start3A_151 = arith.constant 0 : i32
      %dma_start3A_152 = tpu.memref_slice %dma_start3A_150[%mul3A_145, %dma_start3A_151] : memref<10240x128xf32, #tpu.memory_space<hbm>> -> memref<640x128xf32, #tpu.memory_space<hbm>>
      %dma_start3A_153 = arith.constant 0 : i32
      %dma_start3A_154 = tpu.memref_slice %arg12[%mul3A_143, %dma_start3A_153] : memref<10240x128xf32, #tpu.memory_space<vmem_shared>> -> memref<640x128xf32, #tpu.memory_space<vmem_shared>>
      tpu.enqueue_dma source(%dma_start3A_154 : memref<640x128xf32, #tpu.memory_space<vmem_shared>>) target(%dma_start3A_152 : memref<640x128xf32, #tpu.memory_space<hbm>>) target_semaphore(%run_scoped3A_146 : memref<!tpu.dma_semaphore, #tpu.memory_space<semaphore_mem>>)
      %dma_wait3A_155 = arith.constant 0 : i32
      %dma_wait3A_156 = arith.constant 0 : i32
      %dma_wait3A_157 = tpu.memref_slice %arg5[%arg0, %dma_wait3A_155, %dma_wait3A_156] : memref<2x10240x128xf32, #tpu.memory_space<hbm>> -> memref<1x10240x128xf32, #tpu.memory_space<hbm>>
      %dma_wait3A_158 = tpu.memref_squeeze %dma_wait3A_157 : memref<1x10240x128xf32, #tpu.memory_space<hbm>> -> memref<10240x128xf32, #tpu.memory_space<hbm>>
      %dma_wait3A_159 = arith.constant 0 : i32
      %dma_wait3A_160 = tpu.memref_slice %dma_wait3A_158[%mul3A_145, %dma_wait3A_159] : memref<10240x128xf32, #tpu.memory_space<hbm>> -> memref<640x128xf32, #tpu.memory_space<hbm>>
      %dma_wait3A_161 = arith.constant 0 : i32
      %dma_wait3A_162 = tpu.memref_slice %arg12[%mul3A_143, %dma_wait3A_161] : memref<10240x128xf32, #tpu.memory_space<vmem_shared>> -> memref<640x128xf32, #tpu.memory_space<vmem_shared>>
      tpu.wait_dma2 semaphore(%run_scoped3A_146 : memref<!tpu.dma_semaphore, #tpu.memory_space<semaphore_mem>>) src(%dma_wait3A_162 : memref<640x128xf32, #tpu.memory_space<vmem_shared>>) dst(%dma_wait3A_160 : memref<640x128xf32, #tpu.memory_space<hbm>>)
      tpu.yield
    }) : () -> ()
    return
  }
}

#map = affine_map<(d0, d1) -> (0, 0)>
#map1 = affine_map<(d0, d1) -> (0, 0, 0)>
module attributes {stable_mosaic.version = 14 : i64} {
  func.func @_hop_kernel(%arg0: i32, %arg1: i32, %arg2: memref<10240x128xf32, #tpu.memory_space<hbm>>, %arg3: memref<2560x2x128xi32, #tpu.memory_space<hbm>>, %arg4: memref<10240x128xf32, #tpu.memory_space<hbm>>, %arg5: memref<2x10240x128xf32, #tpu.memory_space<hbm>>, %arg6: memref<2x128xi32, #tpu.memory_space<vmem>>, %arg7: memref<2x128xi32, #tpu.memory_space<vmem>>, %arg8: memref<2x128xi32, #tpu.memory_space<vmem>>, %arg9: memref<2x128xi32, #tpu.memory_space<vmem>>, %arg10: memref<128x128xf32, #tpu.memory_space<vmem>>, %arg11: memref<128x128xf32, #tpu.memory_space<vmem>>, %arg12: memref<10240x128xf32, #tpu.memory_space<vmem_shared>>, %arg13: memref<!tpu.dma_semaphore, #tpu.memory_space<semaphore_mem>>, %arg14: memref<!tpu.dma_semaphore, #tpu.memory_space<semaphore_mem>>, %arg15: memref<!tpu.dma_semaphore, #tpu.memory_space<semaphore_mem>>, %arg16: memref<!tpu.dma_semaphore, #tpu.memory_space<semaphore_mem>>, %arg17: memref<!tpu.dma_semaphore, #tpu.memory_space<semaphore_mem>>, %arg18: memref<!tpu.dma_semaphore, #tpu.memory_space<semaphore_mem>>) attributes {dimension_semantics = [#tpu.dimension_semantics<core_parallel>, #tpu.dimension_semantics<subcore_parallel>], iteration_bounds = array<i64: 2, 16>, scalar_prefetch = 0 : i64, scratch_operands = 13 : i64, tpu.core_type = #tpu.core_type<sc_vector_subcore>, window_params = [{transform_indices = #map}, {transform_indices = #map1}, {transform_indices = #map}, {transform_indices = #map1}]} {
    %mul3A = arith.constant 2 : i32
    %mul3A_0 = arith.muli %arg1, %mul3A : i32
    %add3A = arith.addi %mul3A_0, %arg0 : i32
    %mul3A_1 = arith.constant 80 : i32
    %mul3A_2 = arith.muli %add3A, %mul3A_1 : i32
    %add3A_3 = arith.constant 0 : i32
    %add3A_4 = arith.addi %mul3A_2, %add3A_3 : i32
    %dma_start3A = arith.constant 0 : i32
    %dma_start3A_5 = arith.constant 0 : i32
    %dma_start3A_6 = tpu.memref_slice %arg3[%add3A_4, %dma_start3A, %dma_start3A_5] : memref<2560x2x128xi32, #tpu.memory_space<hbm>> -> memref<1x2x128xi32, #tpu.memory_space<hbm>>
    %dma_start3A_7 = tpu.memref_squeeze %dma_start3A_6 : memref<1x2x128xi32, #tpu.memory_space<hbm>> -> memref<2x128xi32, #tpu.memory_space<hbm>>
    %dma_start3A_8 = arith.constant 0 : i32
    %dma_start3A_9 = arith.constant 0 : i32
    %dma_start3A_10 = tpu.memref_slice %arg3[%add3A_4, %dma_start3A_8, %dma_start3A_9] : memref<2560x2x128xi32, #tpu.memory_space<hbm>> -> memref<1x2x128xi32, #tpu.memory_space<hbm>>
    %dma_start3A_11 = tpu.memref_squeeze %dma_start3A_10 : memref<1x2x128xi32, #tpu.memory_space<hbm>> -> memref<2x128xi32, #tpu.memory_space<hbm>>
    tpu.enqueue_dma source(%dma_start3A_11 : memref<2x128xi32, #tpu.memory_space<hbm>>) target(%arg6 : memref<2x128xi32, #tpu.memory_space<vmem>>) target_semaphore(%arg13 : memref<!tpu.dma_semaphore, #tpu.memory_space<semaphore_mem>>)
    %add3A_12 = arith.constant 1 : i32
    %add3A_13 = arith.addi %mul3A_2, %add3A_12 : i32
    %dma_start3A_14 = arith.constant 0 : i32
    %dma_start3A_15 = arith.constant 0 : i32
    %dma_start3A_16 = tpu.memref_slice %arg3[%add3A_13, %dma_start3A_14, %dma_start3A_15] : memref<2560x2x128xi32, #tpu.memory_space<hbm>> -> memref<1x2x128xi32, #tpu.memory_space<hbm>>
    %dma_start3A_17 = tpu.memref_squeeze %dma_start3A_16 : memref<1x2x128xi32, #tpu.memory_space<hbm>> -> memref<2x128xi32, #tpu.memory_space<hbm>>
    %dma_start3A_18 = arith.constant 0 : i32
    %dma_start3A_19 = arith.constant 0 : i32
    %dma_start3A_20 = tpu.memref_slice %arg3[%add3A_13, %dma_start3A_18, %dma_start3A_19] : memref<2560x2x128xi32, #tpu.memory_space<hbm>> -> memref<1x2x128xi32, #tpu.memory_space<hbm>>
    %dma_start3A_21 = tpu.memref_squeeze %dma_start3A_20 : memref<1x2x128xi32, #tpu.memory_space<hbm>> -> memref<2x128xi32, #tpu.memory_space<hbm>>
    tpu.enqueue_dma source(%dma_start3A_21 : memref<2x128xi32, #tpu.memory_space<hbm>>) target(%arg7 : memref<2x128xi32, #tpu.memory_space<vmem>>) target_semaphore(%arg14 : memref<!tpu.dma_semaphore, #tpu.memory_space<semaphore_mem>>)
    %add3A_22 = arith.constant 2 : i32
    %add3A_23 = arith.addi %mul3A_2, %add3A_22 : i32
    %dma_start3A_24 = arith.constant 0 : i32
    %dma_start3A_25 = arith.constant 0 : i32
    %dma_start3A_26 = tpu.memref_slice %arg3[%add3A_23, %dma_start3A_24, %dma_start3A_25] : memref<2560x2x128xi32, #tpu.memory_space<hbm>> -> memref<1x2x128xi32, #tpu.memory_space<hbm>>
    %dma_start3A_27 = tpu.memref_squeeze %dma_start3A_26 : memref<1x2x128xi32, #tpu.memory_space<hbm>> -> memref<2x128xi32, #tpu.memory_space<hbm>>
    %dma_start3A_28 = arith.constant 0 : i32
    %dma_start3A_29 = arith.constant 0 : i32
    %dma_start3A_30 = tpu.memref_slice %arg3[%add3A_23, %dma_start3A_28, %dma_start3A_29] : memref<2560x2x128xi32, #tpu.memory_space<hbm>> -> memref<1x2x128xi32, #tpu.memory_space<hbm>>
    %dma_start3A_31 = tpu.memref_squeeze %dma_start3A_30 : memref<1x2x128xi32, #tpu.memory_space<hbm>> -> memref<2x128xi32, #tpu.memory_space<hbm>>
    tpu.enqueue_dma source(%dma_start3A_31 : memref<2x128xi32, #tpu.memory_space<hbm>>) target(%arg8 : memref<2x128xi32, #tpu.memory_space<vmem>>) target_semaphore(%arg15 : memref<!tpu.dma_semaphore, #tpu.memory_space<semaphore_mem>>)
    %add3A_32 = arith.constant 3 : i32
    %add3A_33 = arith.addi %mul3A_2, %add3A_32 : i32
    %dma_start3A_34 = arith.constant 0 : i32
    %dma_start3A_35 = arith.constant 0 : i32
    %dma_start3A_36 = tpu.memref_slice %arg3[%add3A_33, %dma_start3A_34, %dma_start3A_35] : memref<2560x2x128xi32, #tpu.memory_space<hbm>> -> memref<1x2x128xi32, #tpu.memory_space<hbm>>
    %dma_start3A_37 = tpu.memref_squeeze %dma_start3A_36 : memref<1x2x128xi32, #tpu.memory_space<hbm>> -> memref<2x128xi32, #tpu.memory_space<hbm>>
    %dma_start3A_38 = arith.constant 0 : i32
    %dma_start3A_39 = arith.constant 0 : i32
    %dma_start3A_40 = tpu.memref_slice %arg3[%add3A_33, %dma_start3A_38, %dma_start3A_39] : memref<2560x2x128xi32, #tpu.memory_space<hbm>> -> memref<1x2x128xi32, #tpu.memory_space<hbm>>
    %dma_start3A_41 = tpu.memref_squeeze %dma_start3A_40 : memref<1x2x128xi32, #tpu.memory_space<hbm>> -> memref<2x128xi32, #tpu.memory_space<hbm>>
    tpu.enqueue_dma source(%dma_start3A_41 : memref<2x128xi32, #tpu.memory_space<hbm>>) target(%arg9 : memref<2x128xi32, #tpu.memory_space<vmem>>) target_semaphore(%arg16 : memref<!tpu.dma_semaphore, #tpu.memory_space<semaphore_mem>>)
    %dma_wait3A = arith.constant 0 : i32
    %dma_wait3A_42 = arith.constant 0 : i32
    %dma_wait3A_43 = arith.constant 0 : i32
    %dma_wait3A_44 = tpu.memref_slice %arg3[%dma_wait3A, %dma_wait3A_42, %dma_wait3A_43] : memref<2560x2x128xi32, #tpu.memory_space<hbm>> -> memref<1x2x128xi32, #tpu.memory_space<hbm>>
    %dma_wait3A_45 = tpu.memref_squeeze %dma_wait3A_44 : memref<1x2x128xi32, #tpu.memory_space<hbm>> -> memref<2x128xi32, #tpu.memory_space<hbm>>
    %dma_wait3A_46 = arith.constant 0 : i32
    %dma_wait3A_47 = arith.constant 0 : i32
    %dma_wait3A_48 = tpu.memref_slice %arg3[%dma_wait3A, %dma_wait3A_46, %dma_wait3A_47] : memref<2560x2x128xi32, #tpu.memory_space<hbm>> -> memref<1x2x128xi32, #tpu.memory_space<hbm>>
    %dma_wait3A_49 = tpu.memref_squeeze %dma_wait3A_48 : memref<1x2x128xi32, #tpu.memory_space<hbm>> -> memref<2x128xi32, #tpu.memory_space<hbm>>
    tpu.wait_dma2 semaphore(%arg13 : memref<!tpu.dma_semaphore, #tpu.memory_space<semaphore_mem>>) src(%dma_wait3A_49 : memref<2x128xi32, #tpu.memory_space<hbm>>) dst(%arg6 : memref<2x128xi32, #tpu.memory_space<vmem>>)
    %dma_start3A_50 = arith.constant 0 : i32
    %dma_start3A_51 = arith.constant 0 : i32
    %dma_start3A_52 = tpu.memref_slice %arg6[%dma_start3A_50, %dma_start3A_51] : memref<2x128xi32, #tpu.memory_space<vmem>> -> memref<1x128xi32, #tpu.memory_space<vmem>>
    %dma_start3A_53 = tpu.memref_squeeze %dma_start3A_52 : memref<1x128xi32, #tpu.memory_space<vmem>> -> memref<128xi32, #tpu.memory_space<vmem>>
    %dma_start3A_54 = arith.constant 0 : i32
    %dma_start3A_55 = arith.constant 0 : i32
    %dma_start3A_56 = tpu.memref_slice %arg2[%dma_start3A_54, %dma_start3A_55] : memref<10240x128xf32, #tpu.memory_space<hbm>> -> memref<10240x128xf32, #tpu.memory_space<hbm>>
    tpu.enqueue_indirect_dma source(%dma_start3A_56 : memref<10240x128xf32, #tpu.memory_space<hbm>>) target(%arg10 : memref<128x128xf32, #tpu.memory_space<vmem>>) offsets(%dma_start3A_53 : memref<128xi32, #tpu.memory_space<vmem>>) semaphore(%arg17 : memref<!tpu.dma_semaphore, #tpu.memory_space<semaphore_mem>>)
    %mul3A_57 = arith.constant 640 : i32
    %mul3A_58 = arith.muli %arg1, %mul3A_57 : i32
    %mul3A_59 = arith.constant 640 : i32
    %mul3A_60 = arith.muli %arg1, %mul3A_59 : i32
    "tpu.region"() ({
      %run_scoped3A_146 = tpu.sem_alloc : memref<!tpu.dma_semaphore, #tpu.memory_space<semaphore_mem>>
      %dma_start3A_147 = arith.constant 0 : i32
      %dma_start3A_148 = tpu.memref_slice %arg12[%mul3A_60, %dma_start3A_147] : memref<10240x128xf32, #tpu.memory_space<vmem_shared>> -> memref<640x128xf32, #tpu.memory_space<vmem_shared>>
      %dma_start3A_149 = arith.constant 0 : i32
      %dma_start3A_150 = tpu.memref_slice %arg4[%mul3A_58, %dma_start3A_149] : memref<10240x128xf32, #tpu.memory_space<hbm>> -> memref<640x128xf32, #tpu.memory_space<hbm>>
      tpu.enqueue_dma source(%dma_start3A_150 : memref<640x128xf32, #tpu.memory_space<hbm>>) target(%dma_start3A_148 : memref<640x128xf32, #tpu.memory_space<vmem_shared>>) target_semaphore(%run_scoped3A_146 : memref<!tpu.dma_semaphore, #tpu.memory_space<semaphore_mem>>)
      %dma_wait3A_151 = arith.constant 0 : i32
      %dma_wait3A_152 = tpu.memref_slice %arg12[%mul3A_60, %dma_wait3A_151] : memref<10240x128xf32, #tpu.memory_space<vmem_shared>> -> memref<640x128xf32, #tpu.memory_space<vmem_shared>>
      %dma_wait3A_153 = arith.constant 0 : i32
      %dma_wait3A_154 = tpu.memref_slice %arg4[%mul3A_58, %dma_wait3A_153] : memref<10240x128xf32, #tpu.memory_space<hbm>> -> memref<640x128xf32, #tpu.memory_space<hbm>>
      tpu.wait_dma2 semaphore(%run_scoped3A_146 : memref<!tpu.dma_semaphore, #tpu.memory_space<semaphore_mem>>) src(%dma_wait3A_154 : memref<640x128xf32, #tpu.memory_space<hbm>>) dst(%dma_wait3A_152 : memref<640x128xf32, #tpu.memory_space<vmem_shared>>)
      tpu.yield
    }) : () -> ()
    %barrier3A = arith.constant 0 : index
    tpu.barrier barrier_id(%barrier3A)
    %scan3A = arith.constant 0 : i32
    %scan3A_61 = arith.constant 0 : i32
    %scan3A_62 = arith.constant 19 : i32
    %scan3A_63 = arith.addi %scan3A_61, %scan3A_62 : i32
    %scan3A_64 = arith.constant 1 : i32
    scf.for %scan3A_146 = %scan3A_61 to %scan3A_63 step %scan3A_64  : i32 {
      %mul3A_147 = arith.constant 4 : i32
      %mul3A_148 = arith.muli %mul3A_147, %scan3A_146 : i32
      %dma_wait3A_149 = arith.constant 0 : i32
      %dma_wait3A_150 = arith.constant 0 : i32
      %dma_wait3A_151 = arith.constant 0 : i32
      %dma_wait3A_152 = tpu.memref_slice %arg3[%dma_wait3A_149, %dma_wait3A_150, %dma_wait3A_151] : memref<2560x2x128xi32, #tpu.memory_space<hbm>> -> memref<1x2x128xi32, #tpu.memory_space<hbm>>
      %dma_wait3A_153 = tpu.memref_squeeze %dma_wait3A_152 : memref<1x2x128xi32, #tpu.memory_space<hbm>> -> memref<2x128xi32, #tpu.memory_space<hbm>>
      %dma_wait3A_154 = arith.constant 0 : i32
      %dma_wait3A_155 = arith.constant 0 : i32
      %dma_wait3A_156 = tpu.memref_slice %arg3[%dma_wait3A_149, %dma_wait3A_154, %dma_wait3A_155] : memref<2560x2x128xi32, #tpu.memory_space<hbm>> -> memref<1x2x128xi32, #tpu.memory_space<hbm>>
      %dma_wait3A_157 = tpu.memref_squeeze %dma_wait3A_156 : memref<1x2x128xi32, #tpu.memory_space<hbm>> -> memref<2x128xi32, #tpu.memory_space<hbm>>
      tpu.wait_dma2 semaphore(%arg14 : memref<!tpu.dma_semaphore, #tpu.memory_space<semaphore_mem>>) src(%dma_wait3A_157 : memref<2x128xi32, #tpu.memory_space<hbm>>) dst(%arg7 : memref<2x128xi32, #tpu.memory_space<vmem>>)
      %dma_start3A_158 = arith.constant 0 : i32
      %dma_start3A_159 = arith.constant 0 : i32
      %dma_start3A_160 = tpu.memref_slice %arg7[%dma_start3A_158, %dma_start3A_159] : memref<2x128xi32, #tpu.memory_space<vmem>> -> memref<1x128xi32, #tpu.memory_space<vmem>>
      %dma_start3A_161 = tpu.memref_squeeze %dma_start3A_160 : memref<1x128xi32, #tpu.memory_space<vmem>> -> memref<128xi32, #tpu.memory_space<vmem>>
      %dma_start3A_162 = arith.constant 0 : i32
      %dma_start3A_163 = arith.constant 0 : i32
      %dma_start3A_164 = tpu.memref_slice %arg2[%dma_start3A_162, %dma_start3A_163] : memref<10240x128xf32, #tpu.memory_space<hbm>> -> memref<10240x128xf32, #tpu.memory_space<hbm>>
      tpu.enqueue_indirect_dma source(%dma_start3A_164 : memref<10240x128xf32, #tpu.memory_space<hbm>>) target(%arg11 : memref<128x128xf32, #tpu.memory_space<vmem>>) offsets(%dma_start3A_161 : memref<128xi32, #tpu.memory_space<vmem>>) semaphore(%arg18 : memref<!tpu.dma_semaphore, #tpu.memory_space<semaphore_mem>>)
      %dma_wait3A_165 = arith.constant 0 : i32
      %dma_wait3A_166 = arith.constant 0 : i32
      %dma_wait3A_167 = tpu.memref_slice %arg2[%dma_wait3A_165, %dma_wait3A_166] : memref<10240x128xf32, #tpu.memory_space<hbm>> -> memref<128x128xf32, #tpu.memory_space<hbm>>
      %dma_wait3A_168 = arith.constant 0 : i32
      %dma_wait3A_169 = arith.constant 0 : i32
      %dma_wait3A_170 = tpu.memref_slice %arg2[%dma_wait3A_168, %dma_wait3A_169] : memref<10240x128xf32, #tpu.memory_space<hbm>> -> memref<128x128xf32, #tpu.memory_space<hbm>>
      tpu.wait_dma2 semaphore(%arg17 : memref<!tpu.dma_semaphore, #tpu.memory_space<semaphore_mem>>) src(%dma_wait3A_170 : memref<128x128xf32, #tpu.memory_space<hbm>>) dst(%arg10 : memref<128x128xf32, #tpu.memory_space<vmem>>)
      %run_scoped3A_171 = arith.constant 1 : i32
      "tpu.region"() ({
        %run_scoped3A_285 = tpu.sem_alloc : memref<!tpu.dma_semaphore, #tpu.memory_space<semaphore_mem>>
        %dma_start3A_286 = arith.constant 0 : i32
        %dma_start3A_287 = tpu.memref_slice %arg6[%run_scoped3A_171, %dma_start3A_286] : memref<2x128xi32, #tpu.memory_space<vmem>> -> memref<1x128xi32, #tpu.memory_space<vmem>>
        %dma_start3A_288 = tpu.memref_squeeze %dma_start3A_287 : memref<1x128xi32, #tpu.memory_space<vmem>> -> memref<128xi32, #tpu.memory_space<vmem>>
        %dma_start3A_289 = arith.constant 0 : i32
        %dma_start3A_290 = arith.constant 0 : i32
        %dma_start3A_291 = tpu.memref_slice %arg12[%dma_start3A_289, %dma_start3A_290] : memref<10240x128xf32, #tpu.memory_space<vmem_shared>> -> memref<10240x128xf32, #tpu.memory_space<vmem_shared>>
        tpu.enqueue_indirect_dma source(%arg10 : memref<128x128xf32, #tpu.memory_space<vmem>>) target(%dma_start3A_291 : memref<10240x128xf32, #tpu.memory_space<vmem_shared>>) offsets(%dma_start3A_288 : memref<128xi32, #tpu.memory_space<vmem>>) semaphore(%run_scoped3A_285 : memref<!tpu.dma_semaphore, #tpu.memory_space<semaphore_mem>>) {add = true}
        %dma_wait3A_292 = arith.constant 0 : i32
        %dma_wait3A_293 = tpu.memref_slice %arg6[%run_scoped3A_171, %dma_wait3A_292] : memref<2x128xi32, #tpu.memory_space<vmem>> -> memref<1x128xi32, #tpu.memory_space<vmem>>
        %dma_wait3A_294 = tpu.memref_squeeze %dma_wait3A_293 : memref<1x128xi32, #tpu.memory_space<vmem>> -> memref<128xi32, #tpu.memory_space<vmem>>
        %dma_wait3A_295 = arith.constant 0 : i32
        %dma_wait3A_296 = arith.constant 0 : i32
        %dma_wait3A_297 = tpu.memref_slice %arg12[%dma_wait3A_295, %dma_wait3A_296] : memref<10240x128xf32, #tpu.memory_space<vmem_shared>> -> memref<10240x128xf32, #tpu.memory_space<vmem_shared>>
        tpu.wait_indirect_dma semaphore(%run_scoped3A_285 : memref<!tpu.dma_semaphore, #tpu.memory_space<semaphore_mem>>) src(%arg10 : memref<128x128xf32, #tpu.memory_space<vmem>>) dst(%dma_wait3A_297 : memref<10240x128xf32, #tpu.memory_space<vmem_shared>>)
        tpu.yield
      }) : () -> ()
      %add3A_172 = arith.constant 4 : i32
      %add3A_173 = arith.addi %mul3A_148, %add3A_172 : i32
      %add3A_174 = arith.addi %mul3A_2, %add3A_173 : i32
      %dma_start3A_175 = arith.constant 0 : i32
      %dma_start3A_176 = arith.constant 0 : i32
      %dma_start3A_177 = tpu.memref_slice %arg3[%add3A_174, %dma_start3A_175, %dma_start3A_176] : memref<2560x2x128xi32, #tpu.memory_space<hbm>> -> memref<1x2x128xi32, #tpu.memory_space<hbm>>
      %dma_start3A_178 = tpu.memref_squeeze %dma_start3A_177 : memref<1x2x128xi32, #tpu.memory_space<hbm>> -> memref<2x128xi32, #tpu.memory_space<hbm>>
      %dma_start3A_179 = arith.constant 0 : i32
      %dma_start3A_180 = arith.constant 0 : i32
      %dma_start3A_181 = tpu.memref_slice %arg3[%add3A_174, %dma_start3A_179, %dma_start3A_180] : memref<2560x2x128xi32, #tpu.memory_space<hbm>> -> memref<1x2x128xi32, #tpu.memory_space<hbm>>
      %dma_start3A_182 = tpu.memref_squeeze %dma_start3A_181 : memref<1x2x128xi32, #tpu.memory_space<hbm>> -> memref<2x128xi32, #tpu.memory_space<hbm>>
      tpu.enqueue_dma source(%dma_start3A_182 : memref<2x128xi32, #tpu.memory_space<hbm>>) target(%arg6 : memref<2x128xi32, #tpu.memory_space<vmem>>) target_semaphore(%arg13 : memref<!tpu.dma_semaphore, #tpu.memory_space<semaphore_mem>>)
      %dma_wait3A_183 = arith.constant 0 : i32
      %dma_wait3A_184 = arith.constant 0 : i32
      %dma_wait3A_185 = arith.constant 0 : i32
      %dma_wait3A_186 = tpu.memref_slice %arg3[%dma_wait3A_183, %dma_wait3A_184, %dma_wait3A_185] : memref<2560x2x128xi32, #tpu.memory_space<hbm>> -> memref<1x2x128xi32, #tpu.memory_space<hbm>>
      %dma_wait3A_187 = tpu.memref_squeeze %dma_wait3A_186 : memref<1x2x128xi32, #tpu.memory_space<hbm>> -> memref<2x128xi32, #tpu.memory_space<hbm>>
      %dma_wait3A_188 = arith.constant 0 : i32
      %dma_wait3A_189 = arith.constant 0 : i32
      %dma_wait3A_190 = tpu.memref_slice %arg3[%dma_wait3A_183, %dma_wait3A_188, %dma_wait3A_189] : memref<2560x2x128xi32, #tpu.memory_space<hbm>> -> memref<1x2x128xi32, #tpu.memory_space<hbm>>
      %dma_wait3A_191 = tpu.memref_squeeze %dma_wait3A_190 : memref<1x2x128xi32, #tpu.memory_space<hbm>> -> memref<2x128xi32, #tpu.memory_space<hbm>>
      tpu.wait_dma2 semaphore(%arg15 : memref<!tpu.dma_semaphore, #tpu.memory_space<semaphore_mem>>) src(%dma_wait3A_191 : memref<2x128xi32, #tpu.memory_space<hbm>>) dst(%arg8 : memref<2x128xi32, #tpu.memory_space<vmem>>)
      %dma_start3A_192 = arith.constant 0 : i32
      %dma_start3A_193 = arith.constant 0 : i32
      %dma_start3A_194 = tpu.memref_slice %arg8[%dma_start3A_192, %dma_start3A_193] : memref<2x128xi32, #tpu.memory_space<vmem>> -> memref<1x128xi32, #tpu.memory_space<vmem>>
      %dma_start3A_195 = tpu.memref_squeeze %dma_start3A_194 : memref<1x128xi32, #tpu.memory_space<vmem>> -> memref<128xi32, #tpu.memory_space<vmem>>
      %dma_start3A_196 = arith.constant 0 : i32
      %dma_start3A_197 = arith.constant 0 : i32
      %dma_start3A_198 = tpu.memref_slice %arg2[%dma_start3A_196, %dma_start3A_197] : memref<10240x128xf32, #tpu.memory_space<hbm>> -> memref<10240x128xf32, #tpu.memory_space<hbm>>
      tpu.enqueue_indirect_dma source(%dma_start3A_198 : memref<10240x128xf32, #tpu.memory_space<hbm>>) target(%arg10 : memref<128x128xf32, #tpu.memory_space<vmem>>) offsets(%dma_start3A_195 : memref<128xi32, #tpu.memory_space<vmem>>) semaphore(%arg17 : memref<!tpu.dma_semaphore, #tpu.memory_space<semaphore_mem>>)
      %dma_wait3A_199 = arith.constant 0 : i32
      %dma_wait3A_200 = arith.constant 0 : i32
      %dma_wait3A_201 = tpu.memref_slice %arg2[%dma_wait3A_199, %dma_wait3A_200] : memref<10240x128xf32, #tpu.memory_space<hbm>> -> memref<128x128xf32, #tpu.memory_space<hbm>>
      %dma_wait3A_202 = arith.constant 0 : i32
      %dma_wait3A_203 = arith.constant 0 : i32
      %dma_wait3A_204 = tpu.memref_slice %arg2[%dma_wait3A_202, %dma_wait3A_203] : memref<10240x128xf32, #tpu.memory_space<hbm>> -> memref<128x128xf32, #tpu.memory_space<hbm>>
      tpu.wait_dma2 semaphore(%arg18 : memref<!tpu.dma_semaphore, #tpu.memory_space<semaphore_mem>>) src(%dma_wait3A_204 : memref<128x128xf32, #tpu.memory_space<hbm>>) dst(%arg11 : memref<128x128xf32, #tpu.memory_space<vmem>>)
      %run_scoped3A_205 = arith.constant 1 : i32
      "tpu.region"() ({
        %run_scoped3A_285 = tpu.sem_alloc : memref<!tpu.dma_semaphore, #tpu.memory_space<semaphore_mem>>
        %dma_start3A_286 = arith.constant 0 : i32
        %dma_start3A_287 = tpu.memref_slice %arg7[%run_scoped3A_205, %dma_start3A_286] : memref<2x128xi32, #tpu.memory_space<vmem>> -> memref<1x128xi32, #tpu.memory_space<vmem>>
        %dma_start3A_288 = tpu.memref_squeeze %dma_start3A_287 : memref<1x128xi32, #tpu.memory_space<vmem>> -> memref<128xi32, #tpu.memory_space<vmem>>
        %dma_start3A_289 = arith.constant 0 : i32
        %dma_start3A_290 = arith.constant 0 : i32
        %dma_start3A_291 = tpu.memref_slice %arg12[%dma_start3A_289, %dma_start3A_290] : memref<10240x128xf32, #tpu.memory_space<vmem_shared>> -> memref<10240x128xf32, #tpu.memory_space<vmem_shared>>
        tpu.enqueue_indirect_dma source(%arg11 : memref<128x128xf32, #tpu.memory_space<vmem>>) target(%dma_start3A_291 : memref<10240x128xf32, #tpu.memory_space<vmem_shared>>) offsets(%dma_start3A_288 : memref<128xi32, #tpu.memory_space<vmem>>) semaphore(%run_scoped3A_285 : memref<!tpu.dma_semaphore, #tpu.memory_space<semaphore_mem>>) {add = true}
        %dma_wait3A_292 = arith.constant 0 : i32
        %dma_wait3A_293 = tpu.memref_slice %arg7[%run_scoped3A_205, %dma_wait3A_292] : memref<2x128xi32, #tpu.memory_space<vmem>> -> memref<1x128xi32, #tpu.memory_space<vmem>>
        %dma_wait3A_294 = tpu.memref_squeeze %dma_wait3A_293 : memref<1x128xi32, #tpu.memory_space<vmem>> -> memref<128xi32, #tpu.memory_space<vmem>>
        %dma_wait3A_295 = arith.constant 0 : i32
        %dma_wait3A_296 = arith.constant 0 : i32
        %dma_wait3A_297 = tpu.memref_slice %arg12[%dma_wait3A_295, %dma_wait3A_296] : memref<10240x128xf32, #tpu.memory_space<vmem_shared>> -> memref<10240x128xf32, #tpu.memory_space<vmem_shared>>
        tpu.wait_indirect_dma semaphore(%run_scoped3A_285 : memref<!tpu.dma_semaphore, #tpu.memory_space<semaphore_mem>>) src(%arg11 : memref<128x128xf32, #tpu.memory_space<vmem>>) dst(%dma_wait3A_297 : memref<10240x128xf32, #tpu.memory_space<vmem_shared>>)
        tpu.yield
      }) : () -> ()
      %add3A_206 = arith.constant 5 : i32
      %add3A_207 = arith.addi %mul3A_148, %add3A_206 : i32
      %add3A_208 = arith.addi %mul3A_2, %add3A_207 : i32
      %dma_start3A_209 = arith.constant 0 : i32
      %dma_start3A_210 = arith.constant 0 : i32
      %dma_start3A_211 = tpu.memref_slice %arg3[%add3A_208, %dma_start3A_209, %dma_start3A_210] : memref<2560x2x128xi32, #tpu.memory_space<hbm>> -> memref<1x2x128xi32, #tpu.memory_space<hbm>>
      %dma_start3A_212 = tpu.memref_squeeze %dma_start3A_211 : memref<1x2x128xi32, #tpu.memory_space<hbm>> -> memref<2x128xi32, #tpu.memory_space<hbm>>
      %dma_start3A_213 = arith.constant 0 : i32
      %dma_start3A_214 = arith.constant 0 : i32
      %dma_start3A_215 = tpu.memref_slice %arg3[%add3A_208, %dma_start3A_213, %dma_start3A_214] : memref<2560x2x128xi32, #tpu.memory_space<hbm>> -> memref<1x2x128xi32, #tpu.memory_space<hbm>>
      %dma_start3A_216 = tpu.memref_squeeze %dma_start3A_215 : memref<1x2x128xi32, #tpu.memory_space<hbm>> -> memref<2x128xi32, #tpu.memory_space<hbm>>
      tpu.enqueue_dma source(%dma_start3A_216 : memref<2x128xi32, #tpu.memory_space<hbm>>) target(%arg7 : memref<2x128xi32, #tpu.memory_space<vmem>>) target_semaphore(%arg14 : memref<!tpu.dma_semaphore, #tpu.memory_space<semaphore_mem>>)
      %dma_wait3A_217 = arith.constant 0 : i32
      %dma_wait3A_218 = arith.constant 0 : i32
      %dma_wait3A_219 = arith.constant 0 : i32
      %dma_wait3A_220 = tpu.memref_slice %arg3[%dma_wait3A_217, %dma_wait3A_218, %dma_wait3A_219] : memref<2560x2x128xi32, #tpu.memory_space<hbm>> -> memref<1x2x128xi32, #tpu.memory_space<hbm>>
      %dma_wait3A_221 = tpu.memref_squeeze %dma_wait3A_220 : memref<1x2x128xi32, #tpu.memory_space<hbm>> -> memref<2x128xi32, #tpu.memory_space<hbm>>
      %dma_wait3A_222 = arith.constant 0 : i32
      %dma_wait3A_223 = arith.constant 0 : i32
      %dma_wait3A_224 = tpu.memref_slice %arg3[%dma_wait3A_217, %dma_wait3A_222, %dma_wait3A_223] : memref<2560x2x128xi32, #tpu.memory_space<hbm>> -> memref<1x2x128xi32, #tpu.memory_space<hbm>>
      %dma_wait3A_225 = tpu.memref_squeeze %dma_wait3A_224 : memref<1x2x128xi32, #tpu.memory_space<hbm>> -> memref<2x128xi32, #tpu.memory_space<hbm>>
      tpu.wait_dma2 semaphore(%arg16 : memref<!tpu.dma_semaphore, #tpu.memory_space<semaphore_mem>>) src(%dma_wait3A_225 : memref<2x128xi32, #tpu.memory_space<hbm>>) dst(%arg9 : memref<2x128xi32, #tpu.memory_space<vmem>>)
      %dma_start3A_226 = arith.constant 0 : i32
      %dma_start3A_227 = arith.constant 0 : i32
      %dma_start3A_228 = tpu.memref_slice %arg9[%dma_start3A_226, %dma_start3A_227] : memref<2x128xi32, #tpu.memory_space<vmem>> -> memref<1x128xi32, #tpu.memory_space<vmem>>
      %dma_start3A_229 = tpu.memref_squeeze %dma_start3A_228 : memref<1x128xi32, #tpu.memory_space<vmem>> -> memref<128xi32, #tpu.memory_space<vmem>>
      %dma_start3A_230 = arith.constant 0 : i32
      %dma_start3A_231 = arith.constant 0 : i32
      %dma_start3A_232 = tpu.memref_slice %arg2[%dma_start3A_230, %dma_start3A_231] : memref<10240x128xf32, #tpu.memory_space<hbm>> -> memref<10240x128xf32, #tpu.memory_space<hbm>>
      tpu.enqueue_indirect_dma source(%dma_start3A_232 : memref<10240x128xf32, #tpu.memory_space<hbm>>) target(%arg11 : memref<128x128xf32, #tpu.memory_space<vmem>>) offsets(%dma_start3A_229 : memref<128xi32, #tpu.memory_space<vmem>>) semaphore(%arg18 : memref<!tpu.dma_semaphore, #tpu.memory_space<semaphore_mem>>)
      %dma_wait3A_233 = arith.constant 0 : i32
      %dma_wait3A_234 = arith.constant 0 : i32
      %dma_wait3A_235 = tpu.memref_slice %arg2[%dma_wait3A_233, %dma_wait3A_234] : memref<10240x128xf32, #tpu.memory_space<hbm>> -> memref<128x128xf32, #tpu.memory_space<hbm>>
      %dma_wait3A_236 = arith.constant 0 : i32
      %dma_wait3A_237 = arith.constant 0 : i32
      %dma_wait3A_238 = tpu.memref_slice %arg2[%dma_wait3A_236, %dma_wait3A_237] : memref<10240x128xf32, #tpu.memory_space<hbm>> -> memref<128x128xf32, #tpu.memory_space<hbm>>
      tpu.wait_dma2 semaphore(%arg17 : memref<!tpu.dma_semaphore, #tpu.memory_space<semaphore_mem>>) src(%dma_wait3A_238 : memref<128x128xf32, #tpu.memory_space<hbm>>) dst(%arg10 : memref<128x128xf32, #tpu.memory_space<vmem>>)
      %run_scoped3A_239 = arith.constant 1 : i32
      "tpu.region"() ({
        %run_scoped3A_285 = tpu.sem_alloc : memref<!tpu.dma_semaphore, #tpu.memory_space<semaphore_mem>>
        %dma_start3A_286 = arith.constant 0 : i32
        %dma_start3A_287 = tpu.memref_slice %arg8[%run_scoped3A_239, %dma_start3A_286] : memref<2x128xi32, #tpu.memory_space<vmem>> -> memref<1x128xi32, #tpu.memory_space<vmem>>
        %dma_start3A_288 = tpu.memref_squeeze %dma_start3A_287 : memref<1x128xi32, #tpu.memory_space<vmem>> -> memref<128xi32, #tpu.memory_space<vmem>>
        %dma_start3A_289 = arith.constant 0 : i32
        %dma_start3A_290 = arith.constant 0 : i32
        %dma_start3A_291 = tpu.memref_slice %arg12[%dma_start3A_289, %dma_start3A_290] : memref<10240x128xf32, #tpu.memory_space<vmem_shared>> -> memref<10240x128xf32, #tpu.memory_space<vmem_shared>>
        tpu.enqueue_indirect_dma source(%arg10 : memref<128x128xf32, #tpu.memory_space<vmem>>) target(%dma_start3A_291 : memref<10240x128xf32, #tpu.memory_space<vmem_shared>>) offsets(%dma_start3A_288 : memref<128xi32, #tpu.memory_space<vmem>>) semaphore(%run_scoped3A_285 : memref<!tpu.dma_semaphore, #tpu.memory_space<semaphore_mem>>) {add = true}
        %dma_wait3A_292 = arith.constant 0 : i32
        %dma_wait3A_293 = tpu.memref_slice %arg8[%run_scoped3A_239, %dma_wait3A_292] : memref<2x128xi32, #tpu.memory_space<vmem>> -> memref<1x128xi32, #tpu.memory_space<vmem>>
        %dma_wait3A_294 = tpu.memref_squeeze %dma_wait3A_293 : memref<1x128xi32, #tpu.memory_space<vmem>> -> memref<128xi32, #tpu.memory_space<vmem>>
        %dma_wait3A_295 = arith.constant 0 : i32
        %dma_wait3A_296 = arith.constant 0 : i32
        %dma_wait3A_297 = tpu.memref_slice %arg12[%dma_wait3A_295, %dma_wait3A_296] : memref<10240x128xf32, #tpu.memory_space<vmem_shared>> -> memref<10240x128xf32, #tpu.memory_space<vmem_shared>>
        tpu.wait_indirect_dma semaphore(%run_scoped3A_285 : memref<!tpu.dma_semaphore, #tpu.memory_space<semaphore_mem>>) src(%arg10 : memref<128x128xf32, #tpu.memory_space<vmem>>) dst(%dma_wait3A_297 : memref<10240x128xf32, #tpu.memory_space<vmem_shared>>)
        tpu.yield
      }) : () -> ()
      %add3A_240 = arith.constant 6 : i32
      %add3A_241 = arith.addi %mul3A_148, %add3A_240 : i32
      %add3A_242 = arith.addi %mul3A_2, %add3A_241 : i32
      %dma_start3A_243 = arith.constant 0 : i32
      %dma_start3A_244 = arith.constant 0 : i32
      %dma_start3A_245 = tpu.memref_slice %arg3[%add3A_242, %dma_start3A_243, %dma_start3A_244] : memref<2560x2x128xi32, #tpu.memory_space<hbm>> -> memref<1x2x128xi32, #tpu.memory_space<hbm>>
      %dma_start3A_246 = tpu.memref_squeeze %dma_start3A_245 : memref<1x2x128xi32, #tpu.memory_space<hbm>> -> memref<2x128xi32, #tpu.memory_space<hbm>>
      %dma_start3A_247 = arith.constant 0 : i32
      %dma_start3A_248 = arith.constant 0 : i32
      %dma_start3A_249 = tpu.memref_slice %arg3[%add3A_242, %dma_start3A_247, %dma_start3A_248] : memref<2560x2x128xi32, #tpu.memory_space<hbm>> -> memref<1x2x128xi32, #tpu.memory_space<hbm>>
      %dma_start3A_250 = tpu.memref_squeeze %dma_start3A_249 : memref<1x2x128xi32, #tpu.memory_space<hbm>> -> memref<2x128xi32, #tpu.memory_space<hbm>>
      tpu.enqueue_dma source(%dma_start3A_250 : memref<2x128xi32, #tpu.memory_space<hbm>>) target(%arg8 : memref<2x128xi32, #tpu.memory_space<vmem>>) target_semaphore(%arg15 : memref<!tpu.dma_semaphore, #tpu.memory_space<semaphore_mem>>)
      %dma_wait3A_251 = arith.constant 0 : i32
      %dma_wait3A_252 = arith.constant 0 : i32
      %dma_wait3A_253 = arith.constant 0 : i32
      %dma_wait3A_254 = tpu.memref_slice %arg3[%dma_wait3A_251, %dma_wait3A_252, %dma_wait3A_253] : memref<2560x2x128xi32, #tpu.memory_space<hbm>> -> memref<1x2x128xi32, #tpu.memory_space<hbm>>
      %dma_wait3A_255 = tpu.memref_squeeze %dma_wait3A_254 : memref<1x2x128xi32, #tpu.memory_space<hbm>> -> memref<2x128xi32, #tpu.memory_space<hbm>>
      %dma_wait3A_256 = arith.constant 0 : i32
      %dma_wait3A_257 = arith.constant 0 : i32
      %dma_wait3A_258 = tpu.memref_slice %arg3[%dma_wait3A_251, %dma_wait3A_256, %dma_wait3A_257] : memref<2560x2x128xi32, #tpu.memory_space<hbm>> -> memref<1x2x128xi32, #tpu.memory_space<hbm>>
      %dma_wait3A_259 = tpu.memref_squeeze %dma_wait3A_258 : memref<1x2x128xi32, #tpu.memory_space<hbm>> -> memref<2x128xi32, #tpu.memory_space<hbm>>
      tpu.wait_dma2 semaphore(%arg13 : memref<!tpu.dma_semaphore, #tpu.memory_space<semaphore_mem>>) src(%dma_wait3A_259 : memref<2x128xi32, #tpu.memory_space<hbm>>) dst(%arg6 : memref<2x128xi32, #tpu.memory_space<vmem>>)
      %dma_start3A_260 = arith.constant 0 : i32
      %dma_start3A_261 = arith.constant 0 : i32
      %dma_start3A_262 = tpu.memref_slice %arg6[%dma_start3A_260, %dma_start3A_261] : memref<2x128xi32, #tpu.memory_space<vmem>> -> memref<1x128xi32, #tpu.memory_space<vmem>>
      %dma_start3A_263 = tpu.memref_squeeze %dma_start3A_262 : memref<1x128xi32, #tpu.memory_space<vmem>> -> memref<128xi32, #tpu.memory_space<vmem>>
      %dma_start3A_264 = arith.constant 0 : i32
      %dma_start3A_265 = arith.constant 0 : i32
      %dma_start3A_266 = tpu.memref_slice %arg2[%dma_start3A_264, %dma_start3A_265] : memref<10240x128xf32, #tpu.memory_space<hbm>> -> memref<10240x128xf32, #tpu.memory_space<hbm>>
      tpu.enqueue_indirect_dma source(%dma_start3A_266 : memref<10240x128xf32, #tpu.memory_space<hbm>>) target(%arg10 : memref<128x128xf32, #tpu.memory_space<vmem>>) offsets(%dma_start3A_263 : memref<128xi32, #tpu.memory_space<vmem>>) semaphore(%arg17 : memref<!tpu.dma_semaphore, #tpu.memory_space<semaphore_mem>>)
      %dma_wait3A_267 = arith.constant 0 : i32
      %dma_wait3A_268 = arith.constant 0 : i32
      %dma_wait3A_269 = tpu.memref_slice %arg2[%dma_wait3A_267, %dma_wait3A_268] : memref<10240x128xf32, #tpu.memory_space<hbm>> -> memref<128x128xf32, #tpu.memory_space<hbm>>
      %dma_wait3A_270 = arith.constant 0 : i32
      %dma_wait3A_271 = arith.constant 0 : i32
      %dma_wait3A_272 = tpu.memref_slice %arg2[%dma_wait3A_270, %dma_wait3A_271] : memref<10240x128xf32, #tpu.memory_space<hbm>> -> memref<128x128xf32, #tpu.memory_space<hbm>>
      tpu.wait_dma2 semaphore(%arg18 : memref<!tpu.dma_semaphore, #tpu.memory_space<semaphore_mem>>) src(%dma_wait3A_272 : memref<128x128xf32, #tpu.memory_space<hbm>>) dst(%arg11 : memref<128x128xf32, #tpu.memory_space<vmem>>)
      %run_scoped3A_273 = arith.constant 1 : i32
      "tpu.region"() ({
        %run_scoped3A_285 = tpu.sem_alloc : memref<!tpu.dma_semaphore, #tpu.memory_space<semaphore_mem>>
        %dma_start3A_286 = arith.constant 0 : i32
        %dma_start3A_287 = tpu.memref_slice %arg9[%run_scoped3A_273, %dma_start3A_286] : memref<2x128xi32, #tpu.memory_space<vmem>> -> memref<1x128xi32, #tpu.memory_space<vmem>>
        %dma_start3A_288 = tpu.memref_squeeze %dma_start3A_287 : memref<1x128xi32, #tpu.memory_space<vmem>> -> memref<128xi32, #tpu.memory_space<vmem>>
        %dma_start3A_289 = arith.constant 0 : i32
        %dma_start3A_290 = arith.constant 0 : i32
        %dma_start3A_291 = tpu.memref_slice %arg12[%dma_start3A_289, %dma_start3A_290] : memref<10240x128xf32, #tpu.memory_space<vmem_shared>> -> memref<10240x128xf32, #tpu.memory_space<vmem_shared>>
        tpu.enqueue_indirect_dma source(%arg11 : memref<128x128xf32, #tpu.memory_space<vmem>>) target(%dma_start3A_291 : memref<10240x128xf32, #tpu.memory_space<vmem_shared>>) offsets(%dma_start3A_288 : memref<128xi32, #tpu.memory_space<vmem>>) semaphore(%run_scoped3A_285 : memref<!tpu.dma_semaphore, #tpu.memory_space<semaphore_mem>>) {add = true}
        %dma_wait3A_292 = arith.constant 0 : i32
        %dma_wait3A_293 = tpu.memref_slice %arg9[%run_scoped3A_273, %dma_wait3A_292] : memref<2x128xi32, #tpu.memory_space<vmem>> -> memref<1x128xi32, #tpu.memory_space<vmem>>
        %dma_wait3A_294 = tpu.memref_squeeze %dma_wait3A_293 : memref<1x128xi32, #tpu.memory_space<vmem>> -> memref<128xi32, #tpu.memory_space<vmem>>
        %dma_wait3A_295 = arith.constant 0 : i32
        %dma_wait3A_296 = arith.constant 0 : i32
        %dma_wait3A_297 = tpu.memref_slice %arg12[%dma_wait3A_295, %dma_wait3A_296] : memref<10240x128xf32, #tpu.memory_space<vmem_shared>> -> memref<10240x128xf32, #tpu.memory_space<vmem_shared>>
        tpu.wait_indirect_dma semaphore(%run_scoped3A_285 : memref<!tpu.dma_semaphore, #tpu.memory_space<semaphore_mem>>) src(%arg11 : memref<128x128xf32, #tpu.memory_space<vmem>>) dst(%dma_wait3A_297 : memref<10240x128xf32, #tpu.memory_space<vmem_shared>>)
        tpu.yield
      }) : () -> ()
      %add3A_274 = arith.constant 7 : i32
      %add3A_275 = arith.addi %mul3A_148, %add3A_274 : i32
      %add3A_276 = arith.addi %mul3A_2, %add3A_275 : i32
      %dma_start3A_277 = arith.constant 0 : i32
      %dma_start3A_278 = arith.constant 0 : i32
      %dma_start3A_279 = tpu.memref_slice %arg3[%add3A_276, %dma_start3A_277, %dma_start3A_278] : memref<2560x2x128xi32, #tpu.memory_space<hbm>> -> memref<1x2x128xi32, #tpu.memory_space<hbm>>
      %dma_start3A_280 = tpu.memref_squeeze %dma_start3A_279 : memref<1x2x128xi32, #tpu.memory_space<hbm>> -> memref<2x128xi32, #tpu.memory_space<hbm>>
      %dma_start3A_281 = arith.constant 0 : i32
      %dma_start3A_282 = arith.constant 0 : i32
      %dma_start3A_283 = tpu.memref_slice %arg3[%add3A_276, %dma_start3A_281, %dma_start3A_282] : memref<2560x2x128xi32, #tpu.memory_space<hbm>> -> memref<1x2x128xi32, #tpu.memory_space<hbm>>
      %dma_start3A_284 = tpu.memref_squeeze %dma_start3A_283 : memref<1x2x128xi32, #tpu.memory_space<hbm>> -> memref<2x128xi32, #tpu.memory_space<hbm>>
      tpu.enqueue_dma source(%dma_start3A_284 : memref<2x128xi32, #tpu.memory_space<hbm>>) target(%arg9 : memref<2x128xi32, #tpu.memory_space<vmem>>) target_semaphore(%arg16 : memref<!tpu.dma_semaphore, #tpu.memory_space<semaphore_mem>>)
    }
    %scan3A_65 = arith.constant 19 : i32
    %dma_wait3A_66 = arith.constant 0 : i32
    %dma_wait3A_67 = arith.constant 0 : i32
    %dma_wait3A_68 = arith.constant 0 : i32
    %dma_wait3A_69 = tpu.memref_slice %arg3[%dma_wait3A_66, %dma_wait3A_67, %dma_wait3A_68] : memref<2560x2x128xi32, #tpu.memory_space<hbm>> -> memref<1x2x128xi32, #tpu.memory_space<hbm>>
    %dma_wait3A_70 = tpu.memref_squeeze %dma_wait3A_69 : memref<1x2x128xi32, #tpu.memory_space<hbm>> -> memref<2x128xi32, #tpu.memory_space<hbm>>
    %dma_wait3A_71 = arith.constant 0 : i32
    %dma_wait3A_72 = arith.constant 0 : i32
    %dma_wait3A_73 = tpu.memref_slice %arg3[%dma_wait3A_66, %dma_wait3A_71, %dma_wait3A_72] : memref<2560x2x128xi32, #tpu.memory_space<hbm>> -> memref<1x2x128xi32, #tpu.memory_space<hbm>>
    %dma_wait3A_74 = tpu.memref_squeeze %dma_wait3A_73 : memref<1x2x128xi32, #tpu.memory_space<hbm>> -> memref<2x128xi32, #tpu.memory_space<hbm>>
    tpu.wait_dma2 semaphore(%arg14 : memref<!tpu.dma_semaphore, #tpu.memory_space<semaphore_mem>>) src(%dma_wait3A_74 : memref<2x128xi32, #tpu.memory_space<hbm>>) dst(%arg7 : memref<2x128xi32, #tpu.memory_space<vmem>>)
    %dma_start3A_75 = arith.constant 0 : i32
    %dma_start3A_76 = arith.constant 0 : i32
    %dma_start3A_77 = tpu.memref_slice %arg7[%dma_start3A_75, %dma_start3A_76] : memref<2x128xi32, #tpu.memory_space<vmem>> -> memref<1x128xi32, #tpu.memory_space<vmem>>
    %dma_start3A_78 = tpu.memref_squeeze %dma_start3A_77 : memref<1x128xi32, #tpu.memory_space<vmem>> -> memref<128xi32, #tpu.memory_space<vmem>>
    %dma_start3A_79 = arith.constant 0 : i32
    %dma_start3A_80 = arith.constant 0 : i32
    %dma_start3A_81 = tpu.memref_slice %arg2[%dma_start3A_79, %dma_start3A_80] : memref<10240x128xf32, #tpu.memory_space<hbm>> -> memref<10240x128xf32, #tpu.memory_space<hbm>>
    tpu.enqueue_indirect_dma source(%dma_start3A_81 : memref<10240x128xf32, #tpu.memory_space<hbm>>) target(%arg11 : memref<128x128xf32, #tpu.memory_space<vmem>>) offsets(%dma_start3A_78 : memref<128xi32, #tpu.memory_space<vmem>>) semaphore(%arg18 : memref<!tpu.dma_semaphore, #tpu.memory_space<semaphore_mem>>)
    %dma_wait3A_82 = arith.constant 0 : i32
    %dma_wait3A_83 = arith.constant 0 : i32
    %dma_wait3A_84 = tpu.memref_slice %arg2[%dma_wait3A_82, %dma_wait3A_83] : memref<10240x128xf32, #tpu.memory_space<hbm>> -> memref<128x128xf32, #tpu.memory_space<hbm>>
    %dma_wait3A_85 = arith.constant 0 : i32
    %dma_wait3A_86 = arith.constant 0 : i32
    %dma_wait3A_87 = tpu.memref_slice %arg2[%dma_wait3A_85, %dma_wait3A_86] : memref<10240x128xf32, #tpu.memory_space<hbm>> -> memref<128x128xf32, #tpu.memory_space<hbm>>
    tpu.wait_dma2 semaphore(%arg17 : memref<!tpu.dma_semaphore, #tpu.memory_space<semaphore_mem>>) src(%dma_wait3A_87 : memref<128x128xf32, #tpu.memory_space<hbm>>) dst(%arg10 : memref<128x128xf32, #tpu.memory_space<vmem>>)
    %run_scoped3A = arith.constant 1 : i32
    "tpu.region"() ({
      %run_scoped3A_146 = tpu.sem_alloc : memref<!tpu.dma_semaphore, #tpu.memory_space<semaphore_mem>>
      %dma_start3A_147 = arith.constant 0 : i32
      %dma_start3A_148 = tpu.memref_slice %arg6[%run_scoped3A, %dma_start3A_147] : memref<2x128xi32, #tpu.memory_space<vmem>> -> memref<1x128xi32, #tpu.memory_space<vmem>>
      %dma_start3A_149 = tpu.memref_squeeze %dma_start3A_148 : memref<1x128xi32, #tpu.memory_space<vmem>> -> memref<128xi32, #tpu.memory_space<vmem>>
      %dma_start3A_150 = arith.constant 0 : i32
      %dma_start3A_151 = arith.constant 0 : i32
      %dma_start3A_152 = tpu.memref_slice %arg12[%dma_start3A_150, %dma_start3A_151] : memref<10240x128xf32, #tpu.memory_space<vmem_shared>> -> memref<10240x128xf32, #tpu.memory_space<vmem_shared>>
      tpu.enqueue_indirect_dma source(%arg10 : memref<128x128xf32, #tpu.memory_space<vmem>>) target(%dma_start3A_152 : memref<10240x128xf32, #tpu.memory_space<vmem_shared>>) offsets(%dma_start3A_149 : memref<128xi32, #tpu.memory_space<vmem>>) semaphore(%run_scoped3A_146 : memref<!tpu.dma_semaphore, #tpu.memory_space<semaphore_mem>>) {add = true}
      %dma_wait3A_153 = arith.constant 0 : i32
      %dma_wait3A_154 = tpu.memref_slice %arg6[%run_scoped3A, %dma_wait3A_153] : memref<2x128xi32, #tpu.memory_space<vmem>> -> memref<1x128xi32, #tpu.memory_space<vmem>>
      %dma_wait3A_155 = tpu.memref_squeeze %dma_wait3A_154 : memref<1x128xi32, #tpu.memory_space<vmem>> -> memref<128xi32, #tpu.memory_space<vmem>>
      %dma_wait3A_156 = arith.constant 0 : i32
      %dma_wait3A_157 = arith.constant 0 : i32
      %dma_wait3A_158 = tpu.memref_slice %arg12[%dma_wait3A_156, %dma_wait3A_157] : memref<10240x128xf32, #tpu.memory_space<vmem_shared>> -> memref<10240x128xf32, #tpu.memory_space<vmem_shared>>
      tpu.wait_indirect_dma semaphore(%run_scoped3A_146 : memref<!tpu.dma_semaphore, #tpu.memory_space<semaphore_mem>>) src(%arg10 : memref<128x128xf32, #tpu.memory_space<vmem>>) dst(%dma_wait3A_158 : memref<10240x128xf32, #tpu.memory_space<vmem_shared>>)
      tpu.yield
    }) : () -> ()
    %dma_wait3A_88 = arith.constant 0 : i32
    %dma_wait3A_89 = arith.constant 0 : i32
    %dma_wait3A_90 = arith.constant 0 : i32
    %dma_wait3A_91 = tpu.memref_slice %arg3[%dma_wait3A_88, %dma_wait3A_89, %dma_wait3A_90] : memref<2560x2x128xi32, #tpu.memory_space<hbm>> -> memref<1x2x128xi32, #tpu.memory_space<hbm>>
    %dma_wait3A_92 = tpu.memref_squeeze %dma_wait3A_91 : memref<1x2x128xi32, #tpu.memory_space<hbm>> -> memref<2x128xi32, #tpu.memory_space<hbm>>
    %dma_wait3A_93 = arith.constant 0 : i32
    %dma_wait3A_94 = arith.constant 0 : i32
    %dma_wait3A_95 = tpu.memref_slice %arg3[%dma_wait3A_88, %dma_wait3A_93, %dma_wait3A_94] : memref<2560x2x128xi32, #tpu.memory_space<hbm>> -> memref<1x2x128xi32, #tpu.memory_space<hbm>>
    %dma_wait3A_96 = tpu.memref_squeeze %dma_wait3A_95 : memref<1x2x128xi32, #tpu.memory_space<hbm>> -> memref<2x128xi32, #tpu.memory_space<hbm>>
    tpu.wait_dma2 semaphore(%arg15 : memref<!tpu.dma_semaphore, #tpu.memory_space<semaphore_mem>>) src(%dma_wait3A_96 : memref<2x128xi32, #tpu.memory_space<hbm>>) dst(%arg8 : memref<2x128xi32, #tpu.memory_space<vmem>>)
    %dma_start3A_97 = arith.constant 0 : i32
    %dma_start3A_98 = arith.constant 0 : i32
    %dma_start3A_99 = tpu.memref_slice %arg8[%dma_start3A_97, %dma_start3A_98] : memref<2x128xi32, #tpu.memory_space<vmem>> -> memref<1x128xi32, #tpu.memory_space<vmem>>
    %dma_start3A_100 = tpu.memref_squeeze %dma_start3A_99 : memref<1x128xi32, #tpu.memory_space<vmem>> -> memref<128xi32, #tpu.memory_space<vmem>>
    %dma_start3A_101 = arith.constant 0 : i32
    %dma_start3A_102 = arith.constant 0 : i32
    %dma_start3A_103 = tpu.memref_slice %arg2[%dma_start3A_101, %dma_start3A_102] : memref<10240x128xf32, #tpu.memory_space<hbm>> -> memref<10240x128xf32, #tpu.memory_space<hbm>>
    tpu.enqueue_indirect_dma source(%dma_start3A_103 : memref<10240x128xf32, #tpu.memory_space<hbm>>) target(%arg10 : memref<128x128xf32, #tpu.memory_space<vmem>>) offsets(%dma_start3A_100 : memref<128xi32, #tpu.memory_space<vmem>>) semaphore(%arg17 : memref<!tpu.dma_semaphore, #tpu.memory_space<semaphore_mem>>)
    %dma_wait3A_104 = arith.constant 0 : i32
    %dma_wait3A_105 = arith.constant 0 : i32
    %dma_wait3A_106 = tpu.memref_slice %arg2[%dma_wait3A_104, %dma_wait3A_105] : memref<10240x128xf32, #tpu.memory_space<hbm>> -> memref<128x128xf32, #tpu.memory_space<hbm>>
    %dma_wait3A_107 = arith.constant 0 : i32
    %dma_wait3A_108 = arith.constant 0 : i32
    %dma_wait3A_109 = tpu.memref_slice %arg2[%dma_wait3A_107, %dma_wait3A_108] : memref<10240x128xf32, #tpu.memory_space<hbm>> -> memref<128x128xf32, #tpu.memory_space<hbm>>
    tpu.wait_dma2 semaphore(%arg18 : memref<!tpu.dma_semaphore, #tpu.memory_space<semaphore_mem>>) src(%dma_wait3A_109 : memref<128x128xf32, #tpu.memory_space<hbm>>) dst(%arg11 : memref<128x128xf32, #tpu.memory_space<vmem>>)
    %run_scoped3A_110 = arith.constant 1 : i32
    "tpu.region"() ({
      %run_scoped3A_146 = tpu.sem_alloc : memref<!tpu.dma_semaphore, #tpu.memory_space<semaphore_mem>>
      %dma_start3A_147 = arith.constant 0 : i32
      %dma_start3A_148 = tpu.memref_slice %arg7[%run_scoped3A_110, %dma_start3A_147] : memref<2x128xi32, #tpu.memory_space<vmem>> -> memref<1x128xi32, #tpu.memory_space<vmem>>
      %dma_start3A_149 = tpu.memref_squeeze %dma_start3A_148 : memref<1x128xi32, #tpu.memory_space<vmem>> -> memref<128xi32, #tpu.memory_space<vmem>>
      %dma_start3A_150 = arith.constant 0 : i32
      %dma_start3A_151 = arith.constant 0 : i32
      %dma_start3A_152 = tpu.memref_slice %arg12[%dma_start3A_150, %dma_start3A_151] : memref<10240x128xf32, #tpu.memory_space<vmem_shared>> -> memref<10240x128xf32, #tpu.memory_space<vmem_shared>>
      tpu.enqueue_indirect_dma source(%arg11 : memref<128x128xf32, #tpu.memory_space<vmem>>) target(%dma_start3A_152 : memref<10240x128xf32, #tpu.memory_space<vmem_shared>>) offsets(%dma_start3A_149 : memref<128xi32, #tpu.memory_space<vmem>>) semaphore(%run_scoped3A_146 : memref<!tpu.dma_semaphore, #tpu.memory_space<semaphore_mem>>) {add = true}
      %dma_wait3A_153 = arith.constant 0 : i32
      %dma_wait3A_154 = tpu.memref_slice %arg7[%run_scoped3A_110, %dma_wait3A_153] : memref<2x128xi32, #tpu.memory_space<vmem>> -> memref<1x128xi32, #tpu.memory_space<vmem>>
      %dma_wait3A_155 = tpu.memref_squeeze %dma_wait3A_154 : memref<1x128xi32, #tpu.memory_space<vmem>> -> memref<128xi32, #tpu.memory_space<vmem>>
      %dma_wait3A_156 = arith.constant 0 : i32
      %dma_wait3A_157 = arith.constant 0 : i32
      %dma_wait3A_158 = tpu.memref_slice %arg12[%dma_wait3A_156, %dma_wait3A_157] : memref<10240x128xf32, #tpu.memory_space<vmem_shared>> -> memref<10240x128xf32, #tpu.memory_space<vmem_shared>>
      tpu.wait_indirect_dma semaphore(%run_scoped3A_146 : memref<!tpu.dma_semaphore, #tpu.memory_space<semaphore_mem>>) src(%arg11 : memref<128x128xf32, #tpu.memory_space<vmem>>) dst(%dma_wait3A_158 : memref<10240x128xf32, #tpu.memory_space<vmem_shared>>)
      tpu.yield
    }) : () -> ()
    %dma_wait3A_111 = arith.constant 0 : i32
    %dma_wait3A_112 = arith.constant 0 : i32
    %dma_wait3A_113 = arith.constant 0 : i32
    %dma_wait3A_114 = tpu.memref_slice %arg3[%dma_wait3A_111, %dma_wait3A_112, %dma_wait3A_113] : memref<2560x2x128xi32, #tpu.memory_space<hbm>> -> memref<1x2x128xi32, #tpu.memory_space<hbm>>
    %dma_wait3A_115 = tpu.memref_squeeze %dma_wait3A_114 : memref<1x2x128xi32, #tpu.memory_space<hbm>> -> memref<2x128xi32, #tpu.memory_space<hbm>>
    %dma_wait3A_116 = arith.constant 0 : i32
    %dma_wait3A_117 = arith.constant 0 : i32
    %dma_wait3A_118 = tpu.memref_slice %arg3[%dma_wait3A_111, %dma_wait3A_116, %dma_wait3A_117] : memref<2560x2x128xi32, #tpu.memory_space<hbm>> -> memref<1x2x128xi32, #tpu.memory_space<hbm>>
    %dma_wait3A_119 = tpu.memref_squeeze %dma_wait3A_118 : memref<1x2x128xi32, #tpu.memory_space<hbm>> -> memref<2x128xi32, #tpu.memory_space<hbm>>
    tpu.wait_dma2 semaphore(%arg16 : memref<!tpu.dma_semaphore, #tpu.memory_space<semaphore_mem>>) src(%dma_wait3A_119 : memref<2x128xi32, #tpu.memory_space<hbm>>) dst(%arg9 : memref<2x128xi32, #tpu.memory_space<vmem>>)
    %dma_start3A_120 = arith.constant 0 : i32
    %dma_start3A_121 = arith.constant 0 : i32
    %dma_start3A_122 = tpu.memref_slice %arg9[%dma_start3A_120, %dma_start3A_121] : memref<2x128xi32, #tpu.memory_space<vmem>> -> memref<1x128xi32, #tpu.memory_space<vmem>>
    %dma_start3A_123 = tpu.memref_squeeze %dma_start3A_122 : memref<1x128xi32, #tpu.memory_space<vmem>> -> memref<128xi32, #tpu.memory_space<vmem>>
    %dma_start3A_124 = arith.constant 0 : i32
    %dma_start3A_125 = arith.constant 0 : i32
    %dma_start3A_126 = tpu.memref_slice %arg2[%dma_start3A_124, %dma_start3A_125] : memref<10240x128xf32, #tpu.memory_space<hbm>> -> memref<10240x128xf32, #tpu.memory_space<hbm>>
    tpu.enqueue_indirect_dma source(%dma_start3A_126 : memref<10240x128xf32, #tpu.memory_space<hbm>>) target(%arg11 : memref<128x128xf32, #tpu.memory_space<vmem>>) offsets(%dma_start3A_123 : memref<128xi32, #tpu.memory_space<vmem>>) semaphore(%arg18 : memref<!tpu.dma_semaphore, #tpu.memory_space<semaphore_mem>>)
    %dma_wait3A_127 = arith.constant 0 : i32
    %dma_wait3A_128 = arith.constant 0 : i32
    %dma_wait3A_129 = tpu.memref_slice %arg2[%dma_wait3A_127, %dma_wait3A_128] : memref<10240x128xf32, #tpu.memory_space<hbm>> -> memref<128x128xf32, #tpu.memory_space<hbm>>
    %dma_wait3A_130 = arith.constant 0 : i32
    %dma_wait3A_131 = arith.constant 0 : i32
    %dma_wait3A_132 = tpu.memref_slice %arg2[%dma_wait3A_130, %dma_wait3A_131] : memref<10240x128xf32, #tpu.memory_space<hbm>> -> memref<128x128xf32, #tpu.memory_space<hbm>>
    tpu.wait_dma2 semaphore(%arg17 : memref<!tpu.dma_semaphore, #tpu.memory_space<semaphore_mem>>) src(%dma_wait3A_132 : memref<128x128xf32, #tpu.memory_space<hbm>>) dst(%arg10 : memref<128x128xf32, #tpu.memory_space<vmem>>)
    %run_scoped3A_133 = arith.constant 1 : i32
    "tpu.region"() ({
      %run_scoped3A_146 = tpu.sem_alloc : memref<!tpu.dma_semaphore, #tpu.memory_space<semaphore_mem>>
      %dma_start3A_147 = arith.constant 0 : i32
      %dma_start3A_148 = tpu.memref_slice %arg8[%run_scoped3A_133, %dma_start3A_147] : memref<2x128xi32, #tpu.memory_space<vmem>> -> memref<1x128xi32, #tpu.memory_space<vmem>>
      %dma_start3A_149 = tpu.memref_squeeze %dma_start3A_148 : memref<1x128xi32, #tpu.memory_space<vmem>> -> memref<128xi32, #tpu.memory_space<vmem>>
      %dma_start3A_150 = arith.constant 0 : i32
      %dma_start3A_151 = arith.constant 0 : i32
      %dma_start3A_152 = tpu.memref_slice %arg12[%dma_start3A_150, %dma_start3A_151] : memref<10240x128xf32, #tpu.memory_space<vmem_shared>> -> memref<10240x128xf32, #tpu.memory_space<vmem_shared>>
      tpu.enqueue_indirect_dma source(%arg10 : memref<128x128xf32, #tpu.memory_space<vmem>>) target(%dma_start3A_152 : memref<10240x128xf32, #tpu.memory_space<vmem_shared>>) offsets(%dma_start3A_149 : memref<128xi32, #tpu.memory_space<vmem>>) semaphore(%run_scoped3A_146 : memref<!tpu.dma_semaphore, #tpu.memory_space<semaphore_mem>>) {add = true}
      %dma_wait3A_153 = arith.constant 0 : i32
      %dma_wait3A_154 = tpu.memref_slice %arg8[%run_scoped3A_133, %dma_wait3A_153] : memref<2x128xi32, #tpu.memory_space<vmem>> -> memref<1x128xi32, #tpu.memory_space<vmem>>
      %dma_wait3A_155 = tpu.memref_squeeze %dma_wait3A_154 : memref<1x128xi32, #tpu.memory_space<vmem>> -> memref<128xi32, #tpu.memory_space<vmem>>
      %dma_wait3A_156 = arith.constant 0 : i32
      %dma_wait3A_157 = arith.constant 0 : i32
      %dma_wait3A_158 = tpu.memref_slice %arg12[%dma_wait3A_156, %dma_wait3A_157] : memref<10240x128xf32, #tpu.memory_space<vmem_shared>> -> memref<10240x128xf32, #tpu.memory_space<vmem_shared>>
      tpu.wait_indirect_dma semaphore(%run_scoped3A_146 : memref<!tpu.dma_semaphore, #tpu.memory_space<semaphore_mem>>) src(%arg10 : memref<128x128xf32, #tpu.memory_space<vmem>>) dst(%dma_wait3A_158 : memref<10240x128xf32, #tpu.memory_space<vmem_shared>>)
      tpu.yield
    }) : () -> ()
    %dma_wait3A_134 = arith.constant 0 : i32
    %dma_wait3A_135 = arith.constant 0 : i32
    %dma_wait3A_136 = tpu.memref_slice %arg2[%dma_wait3A_134, %dma_wait3A_135] : memref<10240x128xf32, #tpu.memory_space<hbm>> -> memref<128x128xf32, #tpu.memory_space<hbm>>
    %dma_wait3A_137 = arith.constant 0 : i32
    %dma_wait3A_138 = arith.constant 0 : i32
    %dma_wait3A_139 = tpu.memref_slice %arg2[%dma_wait3A_137, %dma_wait3A_138] : memref<10240x128xf32, #tpu.memory_space<hbm>> -> memref<128x128xf32, #tpu.memory_space<hbm>>
    tpu.wait_dma2 semaphore(%arg18 : memref<!tpu.dma_semaphore, #tpu.memory_space<semaphore_mem>>) src(%dma_wait3A_139 : memref<128x128xf32, #tpu.memory_space<hbm>>) dst(%arg11 : memref<128x128xf32, #tpu.memory_space<vmem>>)
    %run_scoped3A_140 = arith.constant 1 : i32
    "tpu.region"() ({
      %run_scoped3A_146 = tpu.sem_alloc : memref<!tpu.dma_semaphore, #tpu.memory_space<semaphore_mem>>
      %dma_start3A_147 = arith.constant 0 : i32
      %dma_start3A_148 = tpu.memref_slice %arg9[%run_scoped3A_140, %dma_start3A_147] : memref<2x128xi32, #tpu.memory_space<vmem>> -> memref<1x128xi32, #tpu.memory_space<vmem>>
      %dma_start3A_149 = tpu.memref_squeeze %dma_start3A_148 : memref<1x128xi32, #tpu.memory_space<vmem>> -> memref<128xi32, #tpu.memory_space<vmem>>
      %dma_start3A_150 = arith.constant 0 : i32
      %dma_start3A_151 = arith.constant 0 : i32
      %dma_start3A_152 = tpu.memref_slice %arg12[%dma_start3A_150, %dma_start3A_151] : memref<10240x128xf32, #tpu.memory_space<vmem_shared>> -> memref<10240x128xf32, #tpu.memory_space<vmem_shared>>
      tpu.enqueue_indirect_dma source(%arg11 : memref<128x128xf32, #tpu.memory_space<vmem>>) target(%dma_start3A_152 : memref<10240x128xf32, #tpu.memory_space<vmem_shared>>) offsets(%dma_start3A_149 : memref<128xi32, #tpu.memory_space<vmem>>) semaphore(%run_scoped3A_146 : memref<!tpu.dma_semaphore, #tpu.memory_space<semaphore_mem>>) {add = true}
      %dma_wait3A_153 = arith.constant 0 : i32
      %dma_wait3A_154 = tpu.memref_slice %arg9[%run_scoped3A_140, %dma_wait3A_153] : memref<2x128xi32, #tpu.memory_space<vmem>> -> memref<1x128xi32, #tpu.memory_space<vmem>>
      %dma_wait3A_155 = tpu.memref_squeeze %dma_wait3A_154 : memref<1x128xi32, #tpu.memory_space<vmem>> -> memref<128xi32, #tpu.memory_space<vmem>>
      %dma_wait3A_156 = arith.constant 0 : i32
      %dma_wait3A_157 = arith.constant 0 : i32
      %dma_wait3A_158 = tpu.memref_slice %arg12[%dma_wait3A_156, %dma_wait3A_157] : memref<10240x128xf32, #tpu.memory_space<vmem_shared>> -> memref<10240x128xf32, #tpu.memory_space<vmem_shared>>
      tpu.wait_indirect_dma semaphore(%run_scoped3A_146 : memref<!tpu.dma_semaphore, #tpu.memory_space<semaphore_mem>>) src(%arg11 : memref<128x128xf32, #tpu.memory_space<vmem>>) dst(%dma_wait3A_158 : memref<10240x128xf32, #tpu.memory_space<vmem_shared>>)
      tpu.yield
    }) : () -> ()
    %barrier3A_141 = arith.constant 0 : index
    tpu.barrier barrier_id(%barrier3A_141)
    %mul3A_142 = arith.constant 640 : i32
    %mul3A_143 = arith.muli %arg1, %mul3A_142 : i32
    %mul3A_144 = arith.constant 640 : i32
    %mul3A_145 = arith.muli %arg1, %mul3A_144 : i32
    "tpu.region"() ({
      %run_scoped3A_146 = tpu.sem_alloc : memref<!tpu.dma_semaphore, #tpu.memory_space<semaphore_mem>>
      %dma_start3A_147 = arith.constant 0 : i32
      %dma_start3A_148 = arith.constant 0 : i32
      %dma_start3A_149 = tpu.memref_slice %arg5[%arg0, %dma_start3A_147, %dma_start3A_148] : memref<2x10240x128xf32, #tpu.memory_space<hbm>> -> memref<1x10240x128xf32, #tpu.memory_space<hbm>>
      %dma_start3A_150 = tpu.memref_squeeze %dma_start3A_149 : memref<1x10240x128xf32, #tpu.memory_space<hbm>> -> memref<10240x128xf32, #tpu.memory_space<hbm>>
      %dma_start3A_151 = arith.constant 0 : i32
      %dma_start3A_152 = tpu.memref_slice %dma_start3A_150[%mul3A_145, %dma_start3A_151] : memref<10240x128xf32, #tpu.memory_space<hbm>> -> memref<640x128xf32, #tpu.memory_space<hbm>>
      %dma_start3A_153 = arith.constant 0 : i32
      %dma_start3A_154 = tpu.memref_slice %arg12[%mul3A_143, %dma_start3A_153] : memref<10240x128xf32, #tpu.memory_space<vmem_shared>> -> memref<640x128xf32, #tpu.memory_space<vmem_shared>>
      tpu.enqueue_dma source(%dma_start3A_154 : memref<640x128xf32, #tpu.memory_space<vmem_shared>>) target(%dma_start3A_152 : memref<640x128xf32, #tpu.memory_space<hbm>>) target_semaphore(%run_scoped3A_146 : memref<!tpu.dma_semaphore, #tpu.memory_space<semaphore_mem>>)
      %dma_wait3A_155 = arith.constant 0 : i32
      %dma_wait3A_156 = arith.constant 0 : i32
      %dma_wait3A_157 = tpu.memref_slice %arg5[%arg0, %dma_wait3A_155, %dma_wait3A_156] : memref<2x10240x128xf32, #tpu.memory_space<hbm>> -> memref<1x10240x128xf32, #tpu.memory_space<hbm>>
      %dma_wait3A_158 = tpu.memref_squeeze %dma_wait3A_157 : memref<1x10240x128xf32, #tpu.memory_space<hbm>> -> memref<10240x128xf32, #tpu.memory_space<hbm>>
      %dma_wait3A_159 = arith.constant 0 : i32
      %dma_wait3A_160 = tpu.memref_slice %dma_wait3A_158[%mul3A_145, %dma_wait3A_159] : memref<10240x128xf32, #tpu.memory_space<hbm>> -> memref<640x128xf32, #tpu.memory_space<hbm>>
      %dma_wait3A_161 = arith.constant 0 : i32
      %dma_wait3A_162 = tpu.memref_slice %arg12[%mul3A_143, %dma_wait3A_161] : memref<10240x128xf32, #tpu.memory_space<vmem_shared>> -> memref<640x128xf32, #tpu.memory_space<vmem_shared>>
      tpu.wait_dma2 semaphore(%run_scoped3A_146 : memref<!tpu.dma_semaphore, #tpu.memory_space<semaphore_mem>>) src(%dma_wait3A_162 : memref<640x128xf32, #tpu.memory_space<vmem_shared>>) dst(%dma_wait3A_160 : memref<640x128xf32, #tpu.memory_space<hbm>>)
      tpu.yield
    }) : () -> ()
    return
  }
}

module attributes {stable_mosaic.version = 14 : i64} {
  func.func @_prescale_body(%arg0: memref<10240x128xf32, #tpu.memory_space<vmem>>, %arg1: memref<10240x1xf32, #tpu.memory_space<vmem>>, %arg2: memref<10240x1xf32, #tpu.memory_space<vmem>>, %arg3: memref<10240x128xf32, #tpu.memory_space<vmem>>) attributes {dimension_semantics = [], scalar_prefetch = 0 : i64, scratch_operands = 0 : i64, tpu.core_type = #tpu.core_type<tc>} {
    %get3A = arith.constant 0 : index
    %get3A_0 = arith.constant 0 : index
    %get3A_1 = vector.load %arg0[%get3A, %get3A_0] : memref<10240x128xf32, #tpu.memory_space<vmem>>, vector<10240x128xf32>
    %get3A_2 = arith.constant 0 : index
    %get3A_3 = arith.constant 0 : index
    %get3A_4 = vector.load %arg1[%get3A_2, %get3A_3] : memref<10240x1xf32, #tpu.memory_space<vmem>>, vector<10240x1xf32>
    %get3A_5 = arith.constant 0 : index
    %get3A_6 = arith.constant 0 : index
    %get3A_7 = vector.load %arg2[%get3A_5, %get3A_6] : memref<10240x1xf32, #tpu.memory_space<vmem>>, vector<10240x1xf32>
    %add3A = arith.addf %get3A_4, %get3A_7 : vector<10240x1xf32>
    %gt3A = arith.constant 0.000000e+00 : f32
    %gt3A_8 = vector.broadcast %gt3A : f32 to vector<10240x1xf32>
    %gt3A_9 = arith.cmpf ogt, %add3A, %gt3A_8 : vector<10240x1xf32>
    %max3A = arith.constant 9.99999996E-13 : f32
    %max3A_10 = vector.broadcast %max3A : f32 to vector<10240x1xf32>
    %max3A_11 = arith.maximumf %add3A, %max3A_10 : vector<10240x1xf32>
    %rsqrt3A = math.rsqrt %max3A_11 : vector<10240x1xf32>
    %jit3A = arith.constant 0.000000e+00 : f32
    %broadcast_in_dim3A = vector.broadcast %jit3A : f32 to vector<10240x1xf32>
    %select_n3A = arith.select %gt3A_9, %rsqrt3A, %broadcast_in_dim3A : vector<10240x1xi1>, vector<10240x1xf32>
    %mul3A = vector.broadcast %select_n3A : vector<10240x1xf32> to vector<10240x128xf32>
    %mul3A_12 = arith.mulf %get3A_1, %mul3A : vector<10240x128xf32>
    %swap3A = arith.constant 0 : index
    %swap3A_13 = arith.constant 0 : index
    %swap3A_14 = vector.load %arg3[%swap3A, %swap3A_13] : memref<10240x128xf32, #tpu.memory_space<vmem>>, vector<10240x128xf32>
    tpu.vector_store %arg3[%swap3A, %swap3A_13], %mul3A_12 {strides = array<i32>} : memref<10240x128xf32, #tpu.memory_space<vmem>>, vector<10240x128xf32>,
    return
  }
}

module attributes {stable_mosaic.version = 14 : i64} {
  func.func @_mid_body(%arg0: memref<10240x128xf32, #tpu.memory_space<vmem>>, %arg1: memref<10240x128xf32, #tpu.memory_space<vmem>>, %arg2: memref<10240x1xf32, #tpu.memory_space<vmem>>, %arg3: memref<10240x1xf32, #tpu.memory_space<vmem>>, %arg4: memref<10240x128xf32, #tpu.memory_space<vmem>>) attributes {dimension_semantics = [], scalar_prefetch = 0 : i64, scratch_operands = 0 : i64, tpu.core_type = #tpu.core_type<tc>} {
    %get3A = arith.constant 0 : index
    %get3A_0 = arith.constant 0 : index
    %get3A_1 = vector.load %arg2[%get3A, %get3A_0] : memref<10240x1xf32, #tpu.memory_space<vmem>>, vector<10240x1xf32>
    %get3A_2 = arith.constant 0 : index
    %get3A_3 = arith.constant 0 : index
    %get3A_4 = vector.load %arg3[%get3A_2, %get3A_3] : memref<10240x1xf32, #tpu.memory_space<vmem>>, vector<10240x1xf32>
    %add3A = arith.addf %get3A_1, %get3A_4 : vector<10240x1xf32>
    %gt3A = arith.constant 0.000000e+00 : f32
    %gt3A_5 = vector.broadcast %gt3A : f32 to vector<10240x1xf32>
    %gt3A_6 = arith.cmpf ogt, %add3A, %gt3A_5 : vector<10240x1xf32>
    %max3A = arith.constant 9.99999996E-13 : f32
    %max3A_7 = vector.broadcast %max3A : f32 to vector<10240x1xf32>
    %max3A_8 = arith.maximumf %add3A, %max3A_7 : vector<10240x1xf32>
    %rsqrt3A = math.rsqrt %max3A_8 : vector<10240x1xf32>
    %jit3A = arith.constant 0.000000e+00 : f32
    %broadcast_in_dim3A = vector.broadcast %jit3A : f32 to vector<10240x1xf32>
    %select_n3A = arith.select %gt3A_6, %rsqrt3A, %broadcast_in_dim3A : vector<10240x1xi1>, vector<10240x1xf32>
    %get3A_9 = arith.constant 0 : index
    %get3A_10 = arith.constant 0 : index
    %get3A_11 = vector.load %arg0[%get3A_9, %get3A_10] : memref<10240x128xf32, #tpu.memory_space<vmem>>, vector<10240x128xf32>
    %get3A_12 = arith.constant 0 : index
    %get3A_13 = arith.constant 0 : index
    %get3A_14 = vector.load %arg1[%get3A_12, %get3A_13] : memref<10240x128xf32, #tpu.memory_space<vmem>>, vector<10240x128xf32>
    %add3A_15 = arith.addf %get3A_11, %get3A_14 : vector<10240x128xf32>
    %mul3A = arith.mulf %select_n3A, %select_n3A : vector<10240x1xf32>
    %mul3A_16 = vector.broadcast %mul3A : vector<10240x1xf32> to vector<10240x128xf32>
    %mul3A_17 = arith.mulf %add3A_15, %mul3A_16 : vector<10240x128xf32>
    %swap3A = arith.constant 0 : index
    %swap3A_18 = arith.constant 0 : index
    %swap3A_19 = vector.load %arg4[%swap3A, %swap3A_18] : memref<10240x128xf32, #tpu.memory_space<vmem>>, vector<10240x128xf32>
    tpu.vector_store %arg4[%swap3A, %swap3A_18], %mul3A_17 {strides = array<i32>} : memref<10240x128xf32, #tpu.memory_space<vmem>>, vector<10240x128xf32>,
    return
  }
}

module attributes {stable_mosaic.version = 14 : i64} {
  func.func @_final_body(%arg0: memref<10240x128xf32, #tpu.memory_space<vmem>>, %arg1: memref<10240x128xf32, #tpu.memory_space<vmem>>, %arg2: memref<10240x1xf32, #tpu.memory_space<vmem>>, %arg3: memref<10240x1xf32, #tpu.memory_space<vmem>>, %arg4: memref<128x128xf32, #tpu.memory_space<vmem>>, %arg5: memref<1x128xf32, #tpu.memory_space<vmem>>, %arg6: memref<10240x128xf32, #tpu.memory_space<vmem>>) attributes {dimension_semantics = [], scalar_prefetch = 0 : i64, scratch_operands = 0 : i64, tpu.core_type = #tpu.core_type<tc>} {
    %get3A = arith.constant 0 : index
    %get3A_0 = arith.constant 0 : index
    %get3A_1 = vector.load %arg0[%get3A, %get3A_0] : memref<10240x128xf32, #tpu.memory_space<vmem>>, vector<10240x128xf32>
    %get3A_2 = arith.constant 0 : index
    %get3A_3 = arith.constant 0 : index
    %get3A_4 = vector.load %arg1[%get3A_2, %get3A_3] : memref<10240x128xf32, #tpu.memory_space<vmem>>, vector<10240x128xf32>
    %add3A = arith.addf %get3A_1, %get3A_4 : vector<10240x128xf32>
    %get3A_5 = arith.constant 0 : index
    %get3A_6 = arith.constant 0 : index
    %get3A_7 = vector.load %arg2[%get3A_5, %get3A_6] : memref<10240x1xf32, #tpu.memory_space<vmem>>, vector<10240x1xf32>
    %get3A_8 = arith.constant 0 : index
    %get3A_9 = arith.constant 0 : index
    %get3A_10 = vector.load %arg3[%get3A_8, %get3A_9] : memref<10240x1xf32, #tpu.memory_space<vmem>>, vector<10240x1xf32>
    %add3A_11 = arith.addf %get3A_7, %get3A_10 : vector<10240x1xf32>
    %gt3A = arith.constant 0.000000e+00 : f32
    %gt3A_12 = vector.broadcast %gt3A : f32 to vector<10240x1xf32>
    %gt3A_13 = arith.cmpf ogt, %add3A_11, %gt3A_12 : vector<10240x1xf32>
    %max3A = arith.constant 9.99999996E-13 : f32
    %max3A_14 = vector.broadcast %max3A : f32 to vector<10240x1xf32>
    %max3A_15 = arith.maximumf %add3A_11, %max3A_14 : vector<10240x1xf32>
    %rsqrt3A = math.rsqrt %max3A_15 : vector<10240x1xf32>
    %jit3A = arith.constant 0.000000e+00 : f32
    %broadcast_in_dim3A = vector.broadcast %jit3A : f32 to vector<10240x1xf32>
    %select_n3A = arith.select %gt3A_13, %rsqrt3A, %broadcast_in_dim3A : vector<10240x1xi1>, vector<10240x1xf32>
    %mul3A = vector.broadcast %select_n3A : vector<10240x1xf32> to vector<10240x128xf32>
    %mul3A_16 = arith.mulf %add3A, %mul3A : vector<10240x128xf32>
    %get3A_17 = arith.constant 0 : index
    %get3A_18 = arith.constant 0 : index
    %get3A_19 = vector.load %arg4[%get3A_17, %get3A_18] : memref<128x128xf32, #tpu.memory_space<vmem>>, vector<128x128xf32>
    %dot_general3A = arith.constant dense<0.000000e+00> : vector<10240x128xf32>
    %dot_general3A_20 = tpu.matmul %mul3A_16, %get3A_19, %dot_general3A {dimension_numbers = #tpu.dot_dimension_numbers<[1], [0], [0], [1], [0, 0, 1, 1], [], []>, transpose_lhs_hint = false} : vector<10240x128xf32>, vector<128x128xf32>, vector<10240x128xf32> -> vector<10240x128xf32>
    %get3A_21 = arith.constant 0 : index
    %get3A_22 = arith.constant 0 : index
    %get3A_23 = vector.load %arg5[%get3A_21, %get3A_22] : memref<1x128xf32, #tpu.memory_space<vmem>>, vector<1x128xf32>
    %add3A_24 = vector.broadcast %get3A_23 : vector<1x128xf32> to vector<10240x128xf32>
    %add3A_25 = arith.addf %dot_general3A_20, %add3A_24 : vector<10240x128xf32>
    %swap3A = arith.constant 0 : index
    %swap3A_26 = arith.constant 0 : index
    %swap3A_27 = vector.load %arg6[%swap3A, %swap3A_26] : memref<10240x128xf32, #tpu.memory_space<vmem>>, vector<10240x128xf32>
    tpu.vector_store %arg6[%swap3A, %swap3A_26], %add3A_25 {strides = array<i32>} : memref<10240x128xf32, #tpu.memory_space<vmem>>, vector<10240x128xf32>,
    return
  }
}

</mosaic_0001>

<sc_bundles>
// kernel: kernel.11.cloned.1.call-start
scs
__scs_entry_jumppad:
0x0: {  	(pc) =	sbr.rel $0x88, $3  }
0x1: {  	(tag) =	ssettag $0x0;
	lr =	simm.s32 $0x1  }
0x2: {  	[smem:$0x3F9D] =	sst lr;
	_ =	strace $0xD0000000  }
0x3: {  	_ = 	snop  }
0x4: {  	_ = 	snop  }
0x5: {  	_ = 	snop  }
0x6: {  	_ = 	snop  }
0x7: {  	_ = 	snop  }
__scs_overlays_trampoline_lowered:
0x8: {  	[smem:$0x3FAC] =	sst s0  }
0x9: {  	[smem:$0x3FAD] =	sst s1  }
0xa: {  	[smem:$0x3FAE] =	sst s2  }
0xb: {  	[smem:$0x3FAF] =	sst s3  }
0xc: {  	[smem:$0x3FB0] =	sst s4  }
0xd: {  	[smem:$0x3FB1] =	sst s5  }
0xe: {  	[smem:$0x3FB2] =	sst s6  }
0xf: {  	[smem:$0x3FB3] =	sst s7  }
0x10: {  	[smem:$0x3FB4] =	sst s8  }
0x11: {  	[smem:$0x3FB5] =	sst s9;
	s0 =	simm.s32 @!p0 $0x0  }
0x12: {  	s1 =	sld [smem:$0x3F9B];
	s0 =	simm.s32 @p0 $0x1  }
0x13: {  	[smem:$0x3FB6] =	sst s0;
	s0 =	simm.s32 @!p1 $0x0  }
0x14: {  	s2 =	sld [smem:$0x3F9A];
	s0 =	simm.s32 @p1 $0x1  }
0x15: {  	[smem:$0x3FB7] =	sst s0;
	s0 =	simm.s32 @!p2 $0x0  }
0x16: {  	s3 =	sld [smem:$0x3FDB];
	s0 =	simm.s32 @p2 $0x1  }
0x17: {  	s4 =	simm.s32 $0x1BF5;
	[smem:$0x3FB9] =	sst s0  }
0x18: {  	s0 =	sld [smem:$0x3F9C];
	_ =	swait.ge [sflag:s4], $0x0  }
0x19: {  	s7 =	sld [smem:$0x3F9D]  }
0x1a: {  	s8 =	sadd.s32 $0xFFFFE003, lr  }
0x1b: {  	s9 =	sadd.s32 $0xFFFFFEF7, lr;
	s5 =	simm.s32 $0xFFFFFFFF;
	p2 =	slt.u32 s8, $0xFFFFF086  }
0x1c: {  	p1 =	slt.u32 s9, $0xF7A;
	s5 =	simm.s32 @!p2 $0x0  }
0x1d: {  	s5 =	simm.s32 @p1 $0x1;
	p0 =	seq.s32 s7, s2  }
0x1e: {  	s7 =	smul.u32 @!p0 $0xF7A, s2;
	p2 =	seq.s32 @!p0 s5, $0x0  }
0x1f: {  	s9 =	smul.u32 $0xF7A, s1;
	s8 =	simm.s32 @!p0 $0x1BF5;
	p2 =	por !p2, p0  }
0x20: {  	[sflag:s8] =	ssyncset.s32 @!p0 $0xFFFFF086;
	s6 =	sadd.s32 @!p0 s3, s7;
	s7 =	simm.s32 @!p0 $0x108  }
0x21: {  	s3 =	sadd.s32 s3, s9;
	s6 =	sadd.s32 @!p0 $0x88, s6;
	s7 =	simm.s32 @p2 $0x1082  }
0x22: {  	[simem:s7], [sflag:s8] =	dma.local @!p0 [hbm:s6], $0xF7A  }
0x23: {  	s9 =	sor.u32 $0xD0000000, s2;
	s6 =	simm.s32 $0x108;
	_ =	swait.ge @!p0 [sflag:s8], $0x0  }
0x24: {  	s3 =	sadd.s32 $0x88, s3;
	s6 =	simm.s32 @!p1 $0x1082;
	[sflag:s4] =	ssyncset.s32 $0xFFFFF086  }
0x25: {  	[simem:s6], [sflag:s4] =	dma.local [hbm:s3], $0xF7A  }
0x26: {  	[smem:$0x3F9D] =	sst s1;
	(tag) =	ssettag s2;
	_ =	strace s9  }
0x27: {  	s1 =	sld [smem:$0x3FAD]  }
0x28: {  	s2 =	sld [smem:$0x3FAE]  }
0x29: {  	s4 =	sld [smem:$0x3FB0]  }
0x2a: {  	p0 =	seq.s32 s5, $0x0;
	s5 =	sld [smem:$0x3FB1]  }
0x2b: {  	s6 =	sld [smem:$0x3FB2]  }
0x2c: {  	s7 =	sld [smem:$0x3FB3]  }
0x2d: {  	s3 =	simm.s32 $0x108;
	s8 =	sld [smem:$0x3FB4]  }
0x2e: {  	s3 =	simm.s32 @!p0 $0x1082;
	s9 =	sld [smem:$0x3FB5]  }
0x2f: {  	lr =	sadd.s32 s0, s3;
	s0 =	sld [smem:$0x3FAC]  }
0x30: {  	s3 =	sld [smem:$0x3FAF]  }
0x31: {  	[smem:$0x3FB8] =	sst s10  }
0x32: {  	s10 =	sld [smem:$0x3FB6];
	_ =	sdelay $0x3  }
0x33: {  	p0 =	seq.s32 s10, $0x1;
	s10 =	sld [smem:$0x3FB8];
	_ =	sdelay $0x3  }
0x34: {  	[smem:$0x3FB8] =	sst s10  }
0x35: {  	s10 =	sld [smem:$0x3FB7];
	_ =	sdelay $0x3  }
0x36: {  	p1 =	seq.s32 s10, $0x1;
	s10 =	sld [smem:$0x3FB8];
	_ =	sdelay $0x3  }
0x37: {  	[smem:$0x3FB8] =	sst s10  }
0x38: {  	s10 =	sld [smem:$0x3FB9]  }
0x39: {  	_ = 	snop;
	(pc) =	sbr.ind lr, $3  }
0x3a: {  	_ = 	snop  }
0x3b: {  	_ = 	snop  }
0x3c: {  	p2 =	seq.s32 s10, $0x1;
	s10 =	sld [smem:$0x3FB8]  }
0x3d: {  	_ =	shalt  }
0x3e: {  	_ =	shalt  }
0x3f: {  	_ =	shalt  }
0x40: {  	_ =	shalt  }
0x41: {  	_ =	shalt  }
0x42: {  	_ =	shalt  }
0x43: {  	_ =	shalt  }
0x44: {  	_ =	shalt  }
0x45: {  	_ =	shalt  }
0x46: {  	_ =	shalt  }
0x47: {  	_ =	shalt  }
0x48: {  	_ =	shalt  }
0x49: {  	_ =	shalt  }
0x4a: {  	_ =	shalt  }
0x4b: {  	_ =	shalt  }
0x4c: {  	_ =	shalt  }
0x4d: {  	_ =	shalt  }
0x4e: {  	_ =	shalt  }
0x4f: {  	_ =	shalt  }
0x50: {  	_ =	shalt  }
0x51: {  	_ =	shalt  }
0x52: {  	_ =	shalt  }
0x53: {  	_ =	shalt  }
0x54: {  	_ =	shalt  }
0x55: {  	_ =	shalt  }
0x56: {  	_ =	shalt  }
0x57: {  	_ =	shalt  }
0x58: {  	_ =	shalt  }
0x59: {  	_ =	shalt  }
0x5a: {  	_ =	shalt  }
0x5b: {  	_ =	shalt  }
0x5c: {  	_ =	shalt  }
0x5d: {  	_ =	shalt  }
0x5e: {  	_ =	shalt  }
0x5f: {  	_ =	shalt  }
0x60: {  	_ =	shalt  }
0x61: {  	_ =	shalt  }
0x62: {  	_ =	shalt  }
0x63: {  	_ =	shalt  }
0x64: {  	_ =	shalt  }
0x65: {  	_ =	shalt  }
0x66: {  	_ =	shalt  }
0x67: {  	_ =	shalt  }
0x68: {  	_ =	shalt  }
0x69: {  	_ =	shalt  }
0x6a: {  	_ =	shalt  }
0x6b: {  	_ =	shalt  }
0x6c: {  	_ =	shalt  }
0x6d: {  	_ =	shalt  }
0x6e: {  	_ =	shalt  }
0x6f: {  	_ =	shalt  }
0x70: {  	_ =	shalt  }
0x71: {  	_ =	shalt  }
0x72: {  	_ =	shalt  }
0x73: {  	_ =	shalt  }
0x74: {  	_ =	shalt  }
0x75: {  	_ =	shalt  }
0x76: {  	_ =	shalt  }
0x77: {  	_ =	shalt  }
0x78: {  	_ =	shalt  }
0x79: {  	_ =	shalt  }
0x7a: {  	_ =	shalt  }
0x7b: {  	_ =	shalt  }
0x7c: {  	_ =	shalt  }
0x7d: {  	_ =	shalt  }
0x7e: {  	_ =	shalt  }
0x7f: {  	_ =	shalt  }
0x80: {  	_ =	shalt  }
0x81: {  	_ =	shalt  }
0x82: {  	_ =	shalt  }
0x83: {  	_ =	shalt  }
0x84: {  	_ =	shalt  }
0x85: {  	_ =	shalt  }
0x86: {  	_ =	shalt  }
0x87: {  	_ =	shalt  }
.Lfunc_end0:
.L_simem_size_0:
called_computation.1_lowered:
.L_overlay_start_0:
0x88: {  	s2 =	sld [smem:$0x3FD9]  }
0x89: {  	s3 =	sld [smem:$0x3FFE];
	_ =	sdelay $0x1  }
0x8a: {  	s1 =	srdreg.scid  }
0x8b: {  	s0 =	sand.u32 $0x1, s1  }
0x8c: {  	s17 =	sshll.u32 s0, $0xA;
	s2 =	sadd.s32 s3, s2  }
0x8d: {  	s2 =	sadd.s32 s2, s17  }
0x8e: {  	[smem:$0x3FC4] =	sst s2  }
0x8f: {  	_ = 	snop  }
0x90: {  	s2 =	sld [smem:$0x3FD0];
	(tm) =	ssettm $0x1  }
0x91: {  	s18 =	sld [smem:$0x3FFB];
	_ =	sdelay $0x3  }
0x92: {  	_ =	strace s18  }
0x93: {  	s3 =	sld [smem:$0x3FFC];
	_ =	sdelay $0x3  }
0x94: {  	_ =	strace s3  }
0x95: {  	s3 =	sld [smem:$0x3FFD];
	_ =	sdelay $0x3  }
0x96: {  	_ =	strace s3  }
0x97: {  	_ =	strace $0x8FFFFFFF  }
0x98: {  	s19 =	sld [smem:$0x3FDB];
	_ =	sdelay $0x1  }
0x99: {  	s4 =	simm.s32 $_scs_section_size  }
0x9a: {  	s5 =	simm.s32 $_size__tile_overlayer_lowered;
	s6 =	simm.s32 $_tile_overlayer_lowered  }
0x9b: {  	s22 =	simm.s32 $0x1BFF;
	s21 =	sshll.u32 s6, $0x1;
	s3 =	sadd.s32 s4, s19  }
0x9c: {  	s7 =	simm.s32 $0x0;
	s20 =	sshll.u32 s5, $0x1;
	s5 =	sadd.s32 s21, s3  }
0x9d: {  	[timem:s7], [sflag:s22] =	dma.local [hbm:s5], s20  }
0x9e: {  	_ =	swait.ge [sflag:s22], s20  }
0x9f: {  	s4 =	ssub.s32 $0x0, s20;
	[sflag:s22] =	ssyncset.done $0x0  }
0xa0: {  	[sflag:s22] =	ssyncadd.s32 s4;
	_ =	sdelay $0x1  }
0xa1: {  	s23 =	simm.s32 $0x1B8B  }
0xa2: {  	_ =	swait.ge [sflag:s23], $0x1  }
0xa3: {  	[sflag:s23] =	ssyncset.done $0x0  }
0xa4: {  	s25 =	simm.s32 $0x1B8E;
	s24 =	sld [smem:$0x3FFE];
	[sflag:s23] =	ssyncadd.s32 $0xFFFFFFFF  }
0xa5: {  	s26 =	simm.s32 $execute0_lowered;
	[smem:$0x3FD2] =	sst s25  }
0xa6: {  	s5 =	sshll.u32 s26, $0x1;
	_ =	strace $0x80000049;
	[dreg:$0x1] =	wrdreg $0xFFFFFFFF  }
0xa7: {  	s28 =	simm.s32 $_size_execute0_lowered;
	s3 =	sadd.s32 s3, s5;
	[dreg:$0x0] =	wrdreg $0x0  }
0xa8: {  	s5 =	sshll.u32 s28, $0x1;
	[dreg:$0x2] =	wrdreg s3  }
0xa9: {  	[dreg:$0x3] =	wrdreg s5  }
0xaa: {  	[dreg:$0x4] =	wrdreg $0xC0  }
0xab: {  	_ =	task [dreg:s7], $0x5FFFF  }
0xac: {  	[dreg:$0x1] =	wrdreg $0xFFFFFFFF  }
0xad: {  	[dreg:$0x0] =	wrdreg $0x60  }
0xae: {  	[dreg:$0x2] =	wrdreg s24  }
0xaf: {  	[dreg:$0x3] =	wrdreg s2  }
0xb0: {  	[dreg:$0x4] =	wrdreg $0x84000  }
0xb1: {  	[dreg:$0x5] =	wrdreg $0x9  }
0xb2: {  	_ =	task.clear_ibuf [dreg:s7], $0x6FFFF;
	_ =	strace $0x90000049  }
0xb3: {  	s29 =	simm.s32 $0x9;
	_ =	strace $0x8000004B  }
0xb4: {  	_ =	swait.ge [sflag:s29], $0x1  }
0xb5: {  	[sflag:s29] =	ssyncadd.s32 $0xFFFFFFFF  }
0xb6: {  	_ =	strace $0x9000004B  }
0xb7: {  	_ =	sfence  }
0xb8: {  	s30 =	sld [smem:$0x0];
	_ =	sdelay $0x2  }
0xb9: {  	s31 =	sshll.u32 s1, $0xD;
	s1 =	sshrl.u32 s1, $0x2  }
0xba: {  	s3 =	sand.u32 $0x4000, s31;
	s1 =	sadd.s32 s1, s30  }
0xbb: {  	s0 =	sor.u32 s3, s0;
	s1 =	sshll.u32 s1, $0x11  }
0xbc: {  	s0 =	sor.u32 s1, s0  }
0xbd: {  	s0 =	sadd.s32 $0x8F2B, s0  }
0xbe: {  	[sflag:s0] =	ssyncadd.remote.s32 $0x1  }
0xbf: {  	_ =	sfence.sel $0xFFFF  }
0xc0: {  	[dreg:$0x0] =	wrdreg $0xFFFFFFFF;
	(pc) =	sbr.abs _section_cstart, $3  }
0xc1: {  	[dreg:$0x1] =	wrdreg $0xFFFFFFFF  }
0xc2: {  	_ =	task.clear_ibuf [dreg:s7], $0x2FFFF;
	_ =	strace $0x9FFFFFFF  }
0xc3: {  	(tm) =	ssettm $0x7FFFFFFF  }
tec
execute0_lowered:
.L_overlay_start_1:
0x0: {  	(tag) =	ssettag $0x1  }
0x1: {  	s0 =	rddreg [dreg:$0x0]  }
0x2: {  	s1 =	rddreg [dreg:$0x1]  }
0x3: {  	s2 =	rddreg [dreg:$0x2]  }
0x4: {  	s19 =	stileid.u32;
	s3 =	srdreg.scid;
	s14 =	simm.s32 $0x100  }
0x5: {  	s15 =	simm.s32 $0x200;
	s16 =	simm.s32 $0x300;
	s17 =	simm.s32 $0x1  }
0x6: {  	s18 =	simm.s32 $0x80;
	s28 =	simm.s32 $0x3;
	s29 =	simm.s32 $0x6  }
0x7: {  	s30 =	simm.s32 $0x180;
	s31 =	simm.s32 $0x4;
	s6 =	smul.u32 $0x2800, s19  }
0x8: {  	s7 =	sand.u32 $0x1, s3;
	s4 =	sshll.u32 s19, $0x1;
	s9 =	smul.u32 $0x50000, s19  }
0x9: {  	s3 =	simm.s32 $0x0;
	s12 =	smul.u32 $0xA0, s19;
	s26 =	sshll.u32 s19, $0x6  }
0xa: {  	s19 =	simm.s32 $0x400;
	s8 =	smul.u32 $0x28000, s7;
	s4 =	sor.u32 s7, s4  }
0xb: {  	[smem:$0x7FF] =	sst s3;
	s11 =	ssub.s32 $0x2, s7;
	s7 =	smul.u32 $0x50, s7  }
0xc: {  	s5 =	smul.u32 $0xA00, s4;
	_ =	strace $0x8000004A;
	s4 =	sadd.s32 $0x29E00, s0  }
0xd: {  	s10 =	sadd.s32 s6, s0;
	s13 =	sshrl.u32 s11, $0x1;
	s9 =	sshrl.u32 s9, $0x2  }
0xe: {  	s0 =	sadd.s32 s8, s0;
	s20 =	ssub.s32 s11, s13;
	s7 =	sadd.s32 s7, s12  }
0xf: {  	s24 =	sadd.s32 $0x51E00, s10;
	s5 =	sadd.s32 s1, s5;
	s7 =	sshll.u32 s7, $0x5  }
0x10: {  	[dreg:$0x7] =	wrdreg s24;
	s0 =	sadd.s32 $0x79E00, s0;
	s25 =	smax.u32 s20, $0x1  }
0x11: {  	s20 =	sor.u32 $0x1C07, s26;
	s26 =	simm.s32 $0x5;
	s21 =	sadd.s32 $0x20, s5  }
0x12: {  	s22 =	sadd.s32 $0x40, s5;
	s23 =	sadd.s32 $0x60, s5;
	[dreg:$0x8] =	wrdreg s25  }
0x13: {  	s10 =	sadd.s32 s7, s1;
	s24 =	sadd.s32 s6, s0;
	[dreg:$0x4] =	wrdreg s21  }
0x14: {  	s25 =	simm.s32 $0x4400;
	s0 =	simm.s32 $0x280;
	[dreg:$0x5] =	wrdreg s22  }
0x15: {  	s1 =	simm.s32 $0x380;
	s6 =	simm.s32 $0x0;
	[dreg:$0x6] =	wrdreg s23  }
0x16: {  	s21 =	sadd.s32 s9, s2;
	s12 =	sadd.s32 $0xC0, s10;
	s13 =	sadd.s32 $0x80, s10  }
0x17: {  	s22 =	simm.s32 $0x7;
	s23 =	simm.s32 $0x2;
	s21 =	sshrl.u32 s21, $0x3  }
.LBB2_1:
0x18: {  	[tilespmem:s3], [sflag:$0x1] =	stream.linear.gather [hbm4b:s5+s3], $0x100, $0x38;
	[tilespmem:$0x1C400] =	vst v63  }
0x19: {  	s7 =	rddreg [dreg:$0x4]  }
0x1a: {  	[tilespmem:s14], [sflag:$0x2] =	stream.linear.gather [hbm4b:s7+s3], $0x100, $0x38;
	[tilespmem:$0x1C400] =	vst v63  }
0x1b: {  	s8 =	rddreg [dreg:$0x5]  }
0x1c: {  	[tilespmem:s15], [sflag:$0x3] =	stream.linear.gather [hbm4b:s8+s3], $0x100, $0x38;
	[tilespmem:$0x1C400] =	vst v63  }
0x1d: {  	s9 =	rddreg [dreg:$0x6]  }
0x1e: {  	[tilespmem:s16], [sflag:$0x4] =	stream.linear.gather [hbm4b:s9+s3], $0x100, $0x38;
	[tilespmem:$0x1C400] =	vst v63  }
0x1f: {  	_ =	swait.ge [sflag:s17], $0x100  }
0x20: {  	[sflag:s17] =	ssyncset.done $0x0  }
0x21: {  	s11 =	rddreg [dreg:$0x7];
	[sflag:s17] =	ssyncadd.s32 $0xFFFFFF00  }
0x22: {  	[tilespmem:s19], [sflag:$0x5] =	stream.indirect.gather [hbm4b:s4+s18], $0x80, s3, s18, $0xb8;
	[tilespmem:$0x1C400] =	vst v63  }
0x23: {  	[spmem:s21], [sflag:s20] =	dma.local [hbm:s11], $0x2800  }
0x24: {  	_ =	swait.ge [sflag:s22], $0x2800  }
0x25: {  	[sflag:s22] =	ssyncset.done $0x0  }
0x26: {  	[sflag:s22] =	ssyncadd.s32 $0xFFFFD800  }
0x27: {  	[bflag:$0x0] =	sbarrier.arrive $0xFFFF  }
0x28: {  	_ =	swait.ge [sflag:s23], $0x100  }
0x29: {  	[sflag:s23] =	ssyncset.done $0x0  }
0x2a: {  	[sflag:s23] =	ssyncadd.s32 $0xFFFFFF00  }
0x2b: {  	[tilespmem:s25], [sflag:$0x6] =	stream.indirect.gather [hbm4b:s4+s18], $0x80, s14, s18, $0xb8;
	[tilespmem:$0x1C400] =	vst v63  }
0x2c: {  	_ =	swait.ge [sflag:s26], $0x4000  }
0x2d: {  	[sflag:s26] =	ssyncset.done $0x0  }
0x2e: {  	[sflag:s26] =	ssyncadd.s32 $0xFFFFC000  }
0x2f: {  	[spmem:s2] =	stream.indirect.scatter.add.f32 [tilespmem:s19], [sflag:$0x7], $0x80, s18, s18, $0xb8;
	[tilespmem:$0x1C400] =	vst v63  }
0x30: {  	_ =	swait.ge [sflag:s22], $0x4000  }
0x31: {  	[sflag:s22] =	ssyncset.done $0x0  }
0x32: {  	s8 =	sadd.s32 $0x0, s13;
	[sflag:s22] =	ssyncadd.s32 $0xFFFFC000  }
0x33: {  	[tilespmem:s3], [sflag:$0x1] =	stream.linear.gather [hbm4b:s8+s3], $0x100, $0x38;
	[tilespmem:$0x1C400] =	vst v63  }
0x34: {  	_ =	swait.ge [sflag:s28], $0x100  }
0x35: {  	[sflag:s28] =	ssyncset.done $0x0  }
0x36: {  	[sflag:s28] =	ssyncadd.s32 $0xFFFFFF00  }
0x37: {  	[tilespmem:s19], [sflag:$0x5] =	stream.indirect.gather [hbm4b:s4+s18], $0x80, s15, s18, $0xb8;
	[tilespmem:$0x1C400] =	vst v63  }
0x38: {  	_ =	swait.ge [sflag:s29], $0x4000  }
0x39: {  	[sflag:s29] =	ssyncset.done $0x0  }
0x3a: {  	[sflag:s29] =	ssyncadd.s32 $0xFFFFC000  }
0x3b: {  	[spmem:s2] =	stream.indirect.scatter.add.f32 [tilespmem:s25], [sflag:$0x7], $0x80, s30, s18, $0xb8;
	[tilespmem:$0x1C400] =	vst v63  }
0x3c: {  	_ =	swait.ge [sflag:s22], $0x4000  }
0x3d: {  	s8 =	sadd.s32 $0x0, s10;
	[sflag:s22] =	ssyncset.done $0x0  }
0x3e: {  	s9 =	sadd.s32 $0xA0, s8;
	[sflag:s22] =	ssyncadd.s32 $0xFFFFC000  }
0x3f: {  	[tilespmem:s14], [sflag:$0x2] =	stream.linear.gather [hbm4b:s9+s3], $0x100, $0x38;
	[tilespmem:$0x1C400] =	vst v63  }
0x40: {  	_ =	swait.ge [sflag:s31], $0x100  }
0x41: {  	[sflag:s31] =	ssyncset.done $0x0  }
0x42: {  	[sflag:s31] =	ssyncadd.s32 $0xFFFFFF00  }
0x43: {  	[tilespmem:s25], [sflag:$0x6] =	stream.indirect.gather [hbm4b:s4+s18], $0x80, s16, s18, $0xb8;
	[tilespmem:$0x1C400] =	vst v63  }
0x44: {  	_ =	swait.ge [sflag:s26], $0x4000  }
0x45: {  	[sflag:s26] =	ssyncset.done $0x0  }
0x46: {  	[sflag:s26] =	ssyncadd.s32 $0xFFFFC000  }
0x47: {  	[spmem:s2] =	stream.indirect.scatter.add.f32 [tilespmem:s19], [sflag:$0x7], $0x80, s0, s18, $0xb8;
	[tilespmem:$0x1C400] =	vst v63  }
0x48: {  	_ =	swait.ge [sflag:s22], $0x4000  }
0x49: {  	[sflag:s22] =	ssyncset.done $0x0  }
0x4a: {  	s11 =	sadd.s32 $0x0, s12;
	[sflag:s22] =	ssyncadd.s32 $0xFFFFC000  }
0x4b: {  	[tilespmem:s15], [sflag:$0x3] =	stream.linear.gather [hbm4b:s11+s3], $0x100, $0x38;
	[tilespmem:$0x1C400] =	vst v63  }
0x4c: {  	_ =	swait.ge [sflag:s17], $0x100  }
0x4d: {  	[sflag:s17] =	ssyncset.done $0x0  }
0x4e: {  	[sflag:s17] =	ssyncadd.s32 $0xFFFFFF00  }
0x4f: {  	[tilespmem:s19], [sflag:$0x5] =	stream.indirect.gather [hbm4b:s4+s18], $0x80, s3, s18, $0xb8;
	[tilespmem:$0x1C400] =	vst v63  }
0x50: {  	_ =	swait.ge [sflag:s29], $0x4000  }
0x51: {  	[sflag:s29] =	ssyncset.done $0x0  }
0x52: {  	[sflag:s29] =	ssyncadd.s32 $0xFFFFC000  }
0x53: {  	[spmem:s2] =	stream.indirect.scatter.add.f32 [tilespmem:s25], [sflag:$0x7], $0x80, s1, s18, $0xb8;
	[tilespmem:$0x1C400] =	vst v63  }
0x54: {  	_ =	swait.ge [sflag:s22], $0x4000  }
0x55: {  	[sflag:s22] =	ssyncset.done $0x0  }
0x56: {  	s7 =	simm.s32 $0x80;
	s8 =	sadd.s32 $0xE0, s8;
	[sflag:s22] =	ssyncadd.s32 $0xFFFFC000  }
.LBB2_2:
0x57: {  	[tilespmem:s16], [sflag:$0x4] =	stream.linear.gather [hbm4b:s8+s3], $0x100, $0x38;
	[tilespmem:$0x1C400] =	vst v63  }
0x58: {  	s8 =	smov.u32 s7  }
0x59: {  	p0 =	sne.s32 s7, $0x900;
	s7 =	sadd.s32 $0x80, s7;
	_ =	swait.ge [sflag:s23], $0x100  }
0x5a: {  	[sflag:s23] =	ssyncset.done $0x0  }
0x5b: {  	[sflag:s23] =	ssyncadd.s32 $0xFFFFFF00  }
0x5c: {  	[tilespmem:s25], [sflag:$0x6] =	stream.indirect.gather [hbm4b:s4+s18], $0x80, s14, s18, $0xb8;
	[tilespmem:$0x1C400] =	vst v63  }
0x5d: {  	_ =	swait.ge [sflag:s26], $0x4000  }
0x5e: {  	[sflag:s26] =	ssyncset.done $0x0  }
0x5f: {  	[sflag:s26] =	ssyncadd.s32 $0xFFFFC000  }
0x60: {  	[spmem:s2] =	stream.indirect.scatter.add.f32 [tilespmem:s19], [sflag:$0x7], $0x80, s18, s18, $0xb8;
	[tilespmem:$0x1C400] =	vst v63  }
0x61: {  	_ =	swait.ge [sflag:s22], $0x4000  }
0x62: {  	[sflag:s22] =	ssyncset.done $0x0  }
0x63: {  	s9 =	sadd.s32 s8, s13;
	[sflag:s22] =	ssyncadd.s32 $0xFFFFC000  }
0x64: {  	[tilespmem:s3], [sflag:$0x1] =	stream.linear.gather [hbm4b:s9+s3], $0x100, $0x38;
	[tilespmem:$0x1C400] =	vst v63  }
0x65: {  	_ =	swait.ge [sflag:s28], $0x100  }
0x66: {  	[sflag:s28] =	ssyncset.done $0x0  }
0x67: {  	[sflag:s28] =	ssyncadd.s32 $0xFFFFFF00  }
0x68: {  	[tilespmem:s19], [sflag:$0x5] =	stream.indirect.gather [hbm4b:s4+s18], $0x80, s15, s18, $0xb8;
	[tilespmem:$0x1C400] =	vst v63  }
0x69: {  	_ =	swait.ge [sflag:s29], $0x4000  }
0x6a: {  	[sflag:s29] =	ssyncset.done $0x0  }
0x6b: {  	[sflag:s29] =	ssyncadd.s32 $0xFFFFC000  }
0x6c: {  	[spmem:s2] =	stream.indirect.scatter.add.f32 [tilespmem:s25], [sflag:$0x7], $0x80, s30, s18, $0xb8;
	[tilespmem:$0x1C400] =	vst v63  }
0x6d: {  	_ =	swait.ge [sflag:s22], $0x4000  }
0x6e: {  	s9 =	sadd.s32 s8, s10;
	[sflag:s22] =	ssyncset.done $0x0  }
0x6f: {  	s11 =	sadd.s32 $0xA0, s9;
	[sflag:s22] =	ssyncadd.s32 $0xFFFFC000  }
0x70: {  	[tilespmem:s14], [sflag:$0x2] =	stream.linear.gather [hbm4b:s11+s3], $0x100, $0x38;
	[tilespmem:$0x1C400] =	vst v63  }
0x71: {  	_ =	swait.ge [sflag:s31], $0x100  }
0x72: {  	[sflag:s31] =	ssyncset.done $0x0  }
0x73: {  	[sflag:s31] =	ssyncadd.s32 $0xFFFFFF00  }
0x74: {  	[tilespmem:s25], [sflag:$0x6] =	stream.indirect.gather [hbm4b:s4+s18], $0x80, s16, s18, $0xb8;
	[tilespmem:$0x1C400] =	vst v63  }
0x75: {  	_ =	swait.ge [sflag:s26], $0x4000  }
0x76: {  	[sflag:s26] =	ssyncset.done $0x0  }
0x77: {  	[sflag:s26] =	ssyncadd.s32 $0xFFFFC000  }
0x78: {  	[spmem:s2] =	stream.indirect.scatter.add.f32 [tilespmem:s19], [sflag:$0x7], $0x80, s0, s18, $0xb8;
	[tilespmem:$0x1C400] =	vst v63  }
0x79: {  	_ =	swait.ge [sflag:s22], $0x4000  }
0x7a: {  	[sflag:s22] =	ssyncset.done $0x0  }
0x7b: {  	s8 =	sadd.s32 s8, s12;
	[sflag:s22] =	ssyncadd.s32 $0xFFFFC000  }
0x7c: {  	[tilespmem:s15], [sflag:$0x3] =	stream.linear.gather [hbm4b:s8+s3], $0x100, $0x38;
	[tilespmem:$0x1C400] =	vst v63  }
0x7d: {  	_ =	swait.ge [sflag:s17], $0x100  }
0x7e: {  	[sflag:s17] =	ssyncset.done $0x0  }
0x7f: {  	[sflag:s17] =	ssyncadd.s32 $0xFFFFFF00  }
0x80: {  	[tilespmem:s19], [sflag:$0x5] =	stream.indirect.gather [hbm4b:s4+s18], $0x80, s3, s18, $0xb8;
	[tilespmem:$0x1C400] =	vst v63  }
0x81: {  	_ =	swait.ge [sflag:s29], $0x4000  }
0x82: {  	[sflag:s29] =	ssyncset.done $0x0  }
.Ltmp0:
0x83: {  	[sflag:s29] =	ssyncadd.s32 $0xFFFFC000;
	(pc) =	sbr.rel @p0 .LBB2_2-.Ltmp0, $4  }
0x84: {  	[spmem:s2] =	stream.indirect.scatter.add.f32 [tilespmem:s25], [sflag:$0x7], $0x80, s1, s18, $0xb8;
	[tilespmem:$0x1C400] =	vst v63  }
0x85: {  	_ =	swait.ge [sflag:s22], $0x4000  }
0x86: {  	[sflag:s22] =	ssyncset.done $0x0  }
0x87: {  	s8 =	sadd.s32 $0xE0, s9;
	[sflag:s22] =	ssyncadd.s32 $0xFFFFC000  }
0x88: {  	[tilespmem:s16], [sflag:$0x4] =	stream.linear.gather [hbm4b:s8+s3], $0x100, $0x38;
	[tilespmem:$0x1C400] =	vst v63  }
0x89: {  	_ =	swait.ge [sflag:s23], $0x100  }
0x8a: {  	[sflag:s23] =	ssyncset.done $0x0  }
0x8b: {  	[sflag:s23] =	ssyncadd.s32 $0xFFFFFF00  }
0x8c: {  	[tilespmem:s25], [sflag:$0x6] =	stream.indirect.gather [hbm4b:s4+s18], $0x80, s14, s18, $0xb8;
	[tilespmem:$0x1C400] =	vst v63  }
0x8d: {  	_ =	swait.ge [sflag:s26], $0x4000  }
0x8e: {  	[sflag:s26] =	ssyncset.done $0x0  }
0x8f: {  	[sflag:s26] =	ssyncadd.s32 $0xFFFFC000  }
0x90: {  	[spmem:s2] =	stream.indirect.scatter.add.f32 [tilespmem:s19], [sflag:$0x7], $0x80, s18, s18, $0xb8;
	[tilespmem:$0x1C400] =	vst v63  }
0x91: {  	_ =	swait.ge [sflag:s22], $0x4000  }
0x92: {  	[sflag:s22] =	ssyncset.done $0x0  }
0x93: {  	[sflag:s22] =	ssyncadd.s32 $0xFFFFC000  }
0x94: {  	_ =	swait.ge [sflag:s28], $0x100  }
0x95: {  	[sflag:s28] =	ssyncset.done $0x0  }
0x96: {  	[sflag:s28] =	ssyncadd.s32 $0xFFFFFF00  }
0x97: {  	[tilespmem:s19], [sflag:$0x5] =	stream.indirect.gather [hbm4b:s4+s18], $0x80, s15, s18, $0xb8;
	[tilespmem:$0x1C400] =	vst v63  }
0x98: {  	_ =	swait.ge [sflag:s29], $0x4000  }
0x99: {  	[sflag:s29] =	ssyncset.done $0x0  }
0x9a: {  	[sflag:s29] =	ssyncadd.s32 $0xFFFFC000  }
0x9b: {  	[spmem:s2] =	stream.indirect.scatter.add.f32 [tilespmem:s25], [sflag:$0x7], $0x80, s30, s18, $0xb8;
	[tilespmem:$0x1C400] =	vst v63  }
0x9c: {  	_ =	swait.ge [sflag:s22], $0x4000  }
0x9d: {  	[sflag:s22] =	ssyncset.done $0x0  }
0x9e: {  	[sflag:s22] =	ssyncadd.s32 $0xFFFFC000  }
0x9f: {  	_ =	swait.ge [sflag:s31], $0x100  }
0xa0: {  	[sflag:s31] =	ssyncset.done $0x0  }
0xa1: {  	[sflag:s31] =	ssyncadd.s32 $0xFFFFFF00  }
0xa2: {  	[tilespmem:s25], [sflag:$0x6] =	stream.indirect.gather [hbm4b:s4+s18], $0x80, s16, s18, $0xb8;
	[tilespmem:$0x1C400] =	vst v63  }
0xa3: {  	_ =	swait.ge [sflag:s26], $0x4000  }
0xa4: {  	[sflag:s26] =	ssyncset.done $0x0  }
0xa5: {  	[sflag:s26] =	ssyncadd.s32 $0xFFFFC000  }
0xa6: {  	[spmem:s2] =	stream.indirect.scatter.add.f32 [tilespmem:s19], [sflag:$0x7], $0x80, s0, s18, $0xb8;
	[tilespmem:$0x1C400] =	vst v63  }
0xa7: {  	_ =	swait.ge [sflag:s22], $0x4000  }
0xa8: {  	[sflag:s22] =	ssyncset.done $0x0  }
0xa9: {  	[sflag:s22] =	ssyncadd.s32 $0xFFFFC000  }
0xaa: {  	_ =	swait.ge [sflag:s29], $0x4000  }
0xab: {  	[sflag:s29] =	ssyncset.done $0x0  }
0xac: {  	[sflag:s29] =	ssyncadd.s32 $0xFFFFC000  }
0xad: {  	[spmem:s2] =	stream.indirect.scatter.add.f32 [tilespmem:s25], [sflag:$0x7], $0x80, s1, s18, $0xb8;
	[tilespmem:$0x1C400] =	vst v63  }
0xae: {  	_ =	swait.ge [sflag:s22], $0x4000  }
0xaf: {  	[sflag:s22] =	ssyncset.done $0x0  }
0xb0: {  	[sflag:s22] =	ssyncadd.s32 $0xFFFFC000  }
0xb1: {  	[bflag:$0x0] =	sbarrier.arrive $0xFFFF  }
0xb2: {  	[hbm:s24], [sflag:s20] =	dma.local [spmem:s21], $0x2800  }
0xb3: {  	_ =	swait.ge [sflag:s22], $0x2800  }
0xb4: {  	s6 =	sadd.s32 $0x1, s6;
	s7 =	rddreg [dreg:$0x8]  }
0xb5: {  	p0 =	sne.s32 s6, s7  }
.Ltmp1:
0xb6: {  	_ = 	snop;
	(pc) =	sbr.rel @p0 .LBB2_1-.Ltmp1, $3  }
0xb7: {  	_ =	sdelay $0x1  }
0xb8: {  	[sflag:s22] =	ssyncset.done $0x0  }
0xb9: {  	[sflag:s22] =	ssyncadd.s32 $0xFFFFD800  }
0xba: {  	_ =	sfence.sel $0x180000  }
0xbb: {  	[bflag:$0x0] =	sbarrier.arrive $0xFFFF  }
0xbc: {  	_ =	strace $0x9000004A  }
0xbd: {  	s0 =	stileid.u32;
	[bflag:$0x2] =	sbarrier.arrive $0xFFFF  }
0xbe: {  	p0 =	sne.s32 s0, $0x0;
	s0 =	rddreg [dreg:$0x3]  }
0xbf: {  	s0 =	sadd.s32 @!p0 $0x100000, s0  }
0xc0: {  	[sflag:s0] =	ssyncadd.tile.s32 @!p0 $0x1;
	_ =	shalt  }
.Lfunc_end2:
_tile_overlayer_lowered:
.L_overlay_start_2:
0xc1: {  	(tag) =	ssettag $0x2  }
0xc2: {  	s0 =	rddreg [dreg:$0x0];
	s2 =	stileid.u32  }
0xc3: {  	s1 =	rddreg [dreg:$0x1];
	p0 =	sne.s32 s2, $0x0  }
0xc4: {  	s3 =	rddreg [dreg:$0x2];
	[bflag:$0x3] =	sbarrier.arrive $0xFFFF;
	s2 =	simm.s32 @!p0 $0x1C07  }
0xc5: {  	[timem:s3], [sflag:s2] =	dma.local @!p0 [hbm:s0], s1  }
0xc6: {  	s0 =	simm.s32 @!p0 $0x7  }
0xc7: {  	_ =	swait.ge @!p0 [sflag:s0], s1  }
0xc8: {  	s1 =	ssub.s32 @!p0 $0x0, s1;
	[sflag:s0] =	ssyncset.done @!p0 $0x0  }
0xc9: {  	[sflag:s0] =	ssyncadd.s32 @!p0 s1  }
0xca: {  	[bflag:$0x3] =	sbarrier.arrive $0xFFFF  }
0xcb: {  	_ =	shalt  }

// kernel: kernel.14.cloned.1.call-start
scs
__scs_entry_jumppad:
0x0: {  	(pc) =	sbr.rel $0x88, $3  }
0x1: {  	(tag) =	ssettag $0x0;
	lr =	simm.s32 $0x1  }
0x2: {  	[smem:$0x3F9D] =	sst lr;
	_ =	strace $0xD0000000  }
0x3: {  	_ = 	snop  }
0x4: {  	_ = 	snop  }
0x5: {  	_ = 	snop  }
0x6: {  	_ = 	snop  }
0x7: {  	_ = 	snop  }
__scs_overlays_trampoline_lowered:
0x8: {  	[smem:$0x3FAC] =	sst s0  }
0x9: {  	[smem:$0x3FAD] =	sst s1  }
0xa: {  	[smem:$0x3FAE] =	sst s2  }
0xb: {  	[smem:$0x3FAF] =	sst s3  }
0xc: {  	[smem:$0x3FB0] =	sst s4  }
0xd: {  	[smem:$0x3FB1] =	sst s5  }
0xe: {  	[smem:$0x3FB2] =	sst s6  }
0xf: {  	[smem:$0x3FB3] =	sst s7  }
0x10: {  	[smem:$0x3FB4] =	sst s8  }
0x11: {  	[smem:$0x3FB5] =	sst s9;
	s0 =	simm.s32 @!p0 $0x0  }
0x12: {  	s1 =	sld [smem:$0x3F9B];
	s0 =	simm.s32 @p0 $0x1  }
0x13: {  	[smem:$0x3FB6] =	sst s0;
	s0 =	simm.s32 @!p1 $0x0  }
0x14: {  	s2 =	sld [smem:$0x3F9A];
	s0 =	simm.s32 @p1 $0x1  }
0x15: {  	[smem:$0x3FB7] =	sst s0;
	s0 =	simm.s32 @!p2 $0x0  }
0x16: {  	s3 =	sld [smem:$0x3FDB];
	s0 =	simm.s32 @p2 $0x1  }
0x17: {  	s4 =	simm.s32 $0x1BF5;
	[smem:$0x3FB9] =	sst s0  }
0x18: {  	s0 =	sld [smem:$0x3F9C];
	_ =	swait.ge [sflag:s4], $0x0  }
0x19: {  	s7 =	sld [smem:$0x3F9D]  }
0x1a: {  	s8 =	sadd.s32 $0xFFFFE003, lr  }
0x1b: {  	s9 =	sadd.s32 $0xFFFFFEF7, lr;
	s5 =	simm.s32 $0xFFFFFFFF;
	p2 =	slt.u32 s8, $0xFFFFF086  }
0x1c: {  	p1 =	slt.u32 s9, $0xF7A;
	s5 =	simm.s32 @!p2 $0x0  }
0x1d: {  	s5 =	simm.s32 @p1 $0x1;
	p0 =	seq.s32 s7, s2  }
0x1e: {  	s7 =	smul.u32 @!p0 $0xF7A, s2;
	p2 =	seq.s32 @!p0 s5, $0x0  }
0x1f: {  	s9 =	smul.u32 $0xF7A, s1;
	s8 =	simm.s32 @!p0 $0x1BF5;
	p2 =	por !p2, p0  }
0x20: {  	[sflag:s8] =	ssyncset.s32 @!p0 $0xFFFFF086;
	s6 =	sadd.s32 @!p0 s3, s7;
	s7 =	simm.s32 @!p0 $0x108  }
0x21: {  	s3 =	sadd.s32 s3, s9;
	s6 =	sadd.s32 @!p0 $0x88, s6;
	s7 =	simm.s32 @p2 $0x1082  }
0x22: {  	[simem:s7], [sflag:s8] =	dma.local @!p0 [hbm:s6], $0xF7A  }
0x23: {  	s9 =	sor.u32 $0xD0000000, s2;
	s6 =	simm.s32 $0x108;
	_ =	swait.ge @!p0 [sflag:s8], $0x0  }
0x24: {  	s3 =	sadd.s32 $0x88, s3;
	s6 =	simm.s32 @!p1 $0x1082;
	[sflag:s4] =	ssyncset.s32 $0xFFFFF086  }
0x25: {  	[simem:s6], [sflag:s4] =	dma.local [hbm:s3], $0xF7A  }
0x26: {  	[smem:$0x3F9D] =	sst s1;
	(tag) =	ssettag s2;
	_ =	strace s9  }
0x27: {  	s1 =	sld [smem:$0x3FAD]  }
0x28: {  	s2 =	sld [smem:$0x3FAE]  }
0x29: {  	s4 =	sld [smem:$0x3FB0]  }
0x2a: {  	p0 =	seq.s32 s5, $0x0;
	s5 =	sld [smem:$0x3FB1]  }
0x2b: {  	s6 =	sld [smem:$0x3FB2]  }
0x2c: {  	s7 =	sld [smem:$0x3FB3]  }
0x2d: {  	s3 =	simm.s32 $0x108;
	s8 =	sld [smem:$0x3FB4]  }
0x2e: {  	s3 =	simm.s32 @!p0 $0x1082;
	s9 =	sld [smem:$0x3FB5]  }
0x2f: {  	lr =	sadd.s32 s0, s3;
	s0 =	sld [smem:$0x3FAC]  }
0x30: {  	s3 =	sld [smem:$0x3FAF]  }
0x31: {  	[smem:$0x3FB8] =	sst s10  }
0x32: {  	s10 =	sld [smem:$0x3FB6];
	_ =	sdelay $0x3  }
0x33: {  	p0 =	seq.s32 s10, $0x1;
	s10 =	sld [smem:$0x3FB8];
	_ =	sdelay $0x3  }
0x34: {  	[smem:$0x3FB8] =	sst s10  }
0x35: {  	s10 =	sld [smem:$0x3FB7];
	_ =	sdelay $0x3  }
0x36: {  	p1 =	seq.s32 s10, $0x1;
	s10 =	sld [smem:$0x3FB8];
	_ =	sdelay $0x3  }
0x37: {  	[smem:$0x3FB8] =	sst s10  }
0x38: {  	s10 =	sld [smem:$0x3FB9]  }
0x39: {  	_ = 	snop;
	(pc) =	sbr.ind lr, $3  }
0x3a: {  	_ = 	snop  }
0x3b: {  	_ = 	snop  }
0x3c: {  	p2 =	seq.s32 s10, $0x1;
	s10 =	sld [smem:$0x3FB8]  }
0x3d: {  	_ =	shalt  }
0x3e: {  	_ =	shalt  }
0x3f: {  	_ =	shalt  }
0x40: {  	_ =	shalt  }
0x41: {  	_ =	shalt  }
0x42: {  	_ =	shalt  }
0x43: {  	_ =	shalt  }
0x44: {  	_ =	shalt  }
0x45: {  	_ =	shalt  }
0x46: {  	_ =	shalt  }
0x47: {  	_ =	shalt  }
0x48: {  	_ =	shalt  }
0x49: {  	_ =	shalt  }
0x4a: {  	_ =	shalt  }
0x4b: {  	_ =	shalt  }
0x4c: {  	_ =	shalt  }
0x4d: {  	_ =	shalt  }
0x4e: {  	_ =	shalt  }
0x4f: {  	_ =	shalt  }
0x50: {  	_ =	shalt  }
0x51: {  	_ =	shalt  }
0x52: {  	_ =	shalt  }
0x53: {  	_ =	shalt  }
0x54: {  	_ =	shalt  }
0x55: {  	_ =	shalt  }
0x56: {  	_ =	shalt  }
0x57: {  	_ =	shalt  }
0x58: {  	_ =	shalt  }
0x59: {  	_ =	shalt  }
0x5a: {  	_ =	shalt  }
0x5b: {  	_ =	shalt  }
0x5c: {  	_ =	shalt  }
0x5d: {  	_ =	shalt  }
0x5e: {  	_ =	shalt  }
0x5f: {  	_ =	shalt  }
0x60: {  	_ =	shalt  }
0x61: {  	_ =	shalt  }
0x62: {  	_ =	shalt  }
0x63: {  	_ =	shalt  }
0x64: {  	_ =	shalt  }
0x65: {  	_ =	shalt  }
0x66: {  	_ =	shalt  }
0x67: {  	_ =	shalt  }
0x68: {  	_ =	shalt  }
0x69: {  	_ =	shalt  }
0x6a: {  	_ =	shalt  }
0x6b: {  	_ =	shalt  }
0x6c: {  	_ =	shalt  }
0x6d: {  	_ =	shalt  }
0x6e: {  	_ =	shalt  }
0x6f: {  	_ =	shalt  }
0x70: {  	_ =	shalt  }
0x71: {  	_ =	shalt  }
0x72: {  	_ =	shalt  }
0x73: {  	_ =	shalt  }
0x74: {  	_ =	shalt  }
0x75: {  	_ =	shalt  }
0x76: {  	_ =	shalt  }
0x77: {  	_ =	shalt  }
0x78: {  	_ =	shalt  }
0x79: {  	_ =	shalt  }
0x7a: {  	_ =	shalt  }
0x7b: {  	_ =	shalt  }
0x7c: {  	_ =	shalt  }
0x7d: {  	_ =	shalt  }
0x7e: {  	_ =	shalt  }
0x7f: {  	_ =	shalt  }
0x80: {  	_ =	shalt  }
0x81: {  	_ =	shalt  }
0x82: {  	_ =	shalt  }
0x83: {  	_ =	shalt  }
0x84: {  	_ =	shalt  }
0x85: {  	_ =	shalt  }
0x86: {  	_ =	shalt  }
0x87: {  	_ =	shalt  }
.Lfunc_end0:
.L_simem_size_0:
called_computation.2_lowered:
.L_overlay_start_0:
0x88: {  	s2 =	sld [smem:$0x3FD9]  }
0x89: {  	s3 =	sld [smem:$0x3FFE];
	_ =	sdelay $0x1  }
0x8a: {  	s1 =	srdreg.scid  }
0x8b: {  	s0 =	sand.u32 $0x1, s1  }
0x8c: {  	s17 =	sshll.u32 s0, $0xA;
	s2 =	sadd.s32 s3, s2  }
0x8d: {  	s2 =	sadd.s32 s2, s17  }
0x8e: {  	[smem:$0x3FC4] =	sst s2  }
0x8f: {  	_ = 	snop  }
0x90: {  	s2 =	sld [smem:$0x3FD0];
	(tm) =	ssettm $0x1  }
0x91: {  	s18 =	sld [smem:$0x3FFB];
	_ =	sdelay $0x3  }
0x92: {  	_ =	strace s18  }
0x93: {  	s3 =	sld [smem:$0x3FFC];
	_ =	sdelay $0x3  }
0x94: {  	_ =	strace s3  }
0x95: {  	s3 =	sld [smem:$0x3FFD];
	_ =	sdelay $0x3  }
0x96: {  	_ =	strace s3  }
0x97: {  	_ =	strace $0x8FFFFFFF  }
0x98: {  	s19 =	sld [smem:$0x3FDB];
	_ =	sdelay $0x1  }
0x99: {  	s4 =	simm.s32 $_scs_section_size  }
0x9a: {  	s5 =	simm.s32 $_size__tile_overlayer_lowered;
	s6 =	simm.s32 $_tile_overlayer_lowered  }
0x9b: {  	s22 =	simm.s32 $0x1BFF;
	s21 =	sshll.u32 s6, $0x1;
	s3 =	sadd.s32 s4, s19  }
0x9c: {  	s7 =	simm.s32 $0x0;
	s20 =	sshll.u32 s5, $0x1;
	s5 =	sadd.s32 s21, s3  }
0x9d: {  	[timem:s7], [sflag:s22] =	dma.local [hbm:s5], s20  }
0x9e: {  	_ =	swait.ge [sflag:s22], s20  }
0x9f: {  	s4 =	ssub.s32 $0x0, s20;
	[sflag:s22] =	ssyncset.done $0x0  }
0xa0: {  	[sflag:s22] =	ssyncadd.s32 s4;
	_ =	sdelay $0x1  }
0xa1: {  	s23 =	simm.s32 $0x1B8B  }
0xa2: {  	_ =	swait.ge [sflag:s23], $0x1  }
0xa3: {  	[sflag:s23] =	ssyncset.done $0x0  }
0xa4: {  	s25 =	simm.s32 $0x1B8E;
	s24 =	sld [smem:$0x3FFE];
	[sflag:s23] =	ssyncadd.s32 $0xFFFFFFFF  }
0xa5: {  	s26 =	simm.s32 $execute0_lowered;
	[smem:$0x3FD2] =	sst s25  }
0xa6: {  	s5 =	sshll.u32 s26, $0x1;
	_ =	strace $0x8000004C;
	[dreg:$0x1] =	wrdreg $0xFFFFFFFF  }
0xa7: {  	s28 =	simm.s32 $_size_execute0_lowered;
	s3 =	sadd.s32 s3, s5;
	[dreg:$0x0] =	wrdreg $0x0  }
0xa8: {  	s5 =	sshll.u32 s28, $0x1;
	[dreg:$0x2] =	wrdreg s3  }
0xa9: {  	[dreg:$0x3] =	wrdreg s5  }
0xaa: {  	[dreg:$0x4] =	wrdreg $0xC0  }
0xab: {  	_ =	task [dreg:s7], $0x5FFFF  }
0xac: {  	[dreg:$0x1] =	wrdreg $0xFFFFFFFF  }
0xad: {  	[dreg:$0x0] =	wrdreg $0x60  }
0xae: {  	[dreg:$0x2] =	wrdreg s24  }
0xaf: {  	[dreg:$0x3] =	wrdreg s2  }
0xb0: {  	[dreg:$0x4] =	wrdreg $0x84000  }
0xb1: {  	[dreg:$0x5] =	wrdreg $0x9  }
0xb2: {  	_ =	task.clear_ibuf [dreg:s7], $0x6FFFF;
	_ =	strace $0x9000004C  }
0xb3: {  	s29 =	simm.s32 $0x9;
	_ =	strace $0x8000004E  }
0xb4: {  	_ =	swait.ge [sflag:s29], $0x1  }
0xb5: {  	[sflag:s29] =	ssyncadd.s32 $0xFFFFFFFF  }
0xb6: {  	_ =	strace $0x9000004E  }
0xb7: {  	_ =	sfence  }
0xb8: {  	s30 =	sld [smem:$0x0];
	_ =	sdelay $0x2  }
0xb9: {  	s31 =	sshll.u32 s1, $0xD;
	s1 =	sshrl.u32 s1, $0x2  }
0xba: {  	s3 =	sand.u32 $0x4000, s31;
	s1 =	sadd.s32 s1, s30  }
0xbb: {  	s0 =	sor.u32 s3, s0;
	s1 =	sshll.u32 s1, $0x11  }
0xbc: {  	s0 =	sor.u32 s1, s0  }
0xbd: {  	s0 =	sadd.s32 $0x8F2B, s0  }
0xbe: {  	[sflag:s0] =	ssyncadd.remote.s32 $0x1  }
0xbf: {  	_ =	sfence.sel $0xFFFF  }
0xc0: {  	[dreg:$0x0] =	wrdreg $0xFFFFFFFF;
	(pc) =	sbr.abs _section_cstart, $3  }
0xc1: {  	[dreg:$0x1] =	wrdreg $0xFFFFFFFF  }
0xc2: {  	_ =	task.clear_ibuf [dreg:s7], $0x2FFFF;
	_ =	strace $0x9FFFFFFF  }
0xc3: {  	(tm) =	ssettm $0x7FFFFFFF  }
tec
execute0_lowered:
.L_overlay_start_1:
0x0: {  	(tag) =	ssettag $0x1  }
0x1: {  	s0 =	rddreg [dreg:$0x0]  }
0x2: {  	s1 =	rddreg [dreg:$0x1]  }
0x3: {  	s2 =	rddreg [dreg:$0x2]  }
0x4: {  	s19 =	stileid.u32;
	s3 =	srdreg.scid;
	s14 =	simm.s32 $0x100  }
0x5: {  	s15 =	simm.s32 $0x200;
	s16 =	simm.s32 $0x300;
	s17 =	simm.s32 $0x1  }
0x6: {  	s18 =	simm.s32 $0x80;
	s28 =	simm.s32 $0x3;
	s29 =	simm.s32 $0x6  }
0x7: {  	s30 =	simm.s32 $0x180;
	s31 =	simm.s32 $0x4;
	s6 =	smul.u32 $0x2800, s19  }
0x8: {  	s7 =	sand.u32 $0x1, s3;
	s4 =	sshll.u32 s19, $0x1;
	s9 =	smul.u32 $0x50000, s19  }
0x9: {  	s3 =	simm.s32 $0x0;
	s12 =	smul.u32 $0xA0, s19;
	s26 =	sshll.u32 s19, $0x6  }
0xa: {  	s19 =	simm.s32 $0x400;
	s8 =	smul.u32 $0x28000, s7;
	s4 =	sor.u32 s7, s4  }
0xb: {  	[smem:$0x7FF] =	sst s3;
	s11 =	ssub.s32 $0x2, s7;
	s7 =	smul.u32 $0x50, s7  }
0xc: {  	s5 =	smul.u32 $0xA00, s4;
	_ =	strace $0x8000004D;
	s4 =	sadd.s32 $0x29E00, s0  }
0xd: {  	s10 =	sadd.s32 s6, s0;
	s13 =	sshrl.u32 s11, $0x1;
	s9 =	sshrl.u32 s9, $0x2  }
0xe: {  	s0 =	sadd.s32 s8, s0;
	s20 =	ssub.s32 s11, s13;
	s7 =	sadd.s32 s7, s12  }
0xf: {  	s24 =	sadd.s32 $0x51E00, s10;
	s5 =	sadd.s32 s1, s5;
	s7 =	sshll.u32 s7, $0x5  }
0x10: {  	[dreg:$0x7] =	wrdreg s24;
	s0 =	sadd.s32 $0x79E00, s0;
	s25 =	smax.u32 s20, $0x1  }
0x11: {  	s20 =	sor.u32 $0x1C07, s26;
	s26 =	simm.s32 $0x5;
	s21 =	sadd.s32 $0x20, s5  }
0x12: {  	s22 =	sadd.s32 $0x40, s5;
	s23 =	sadd.s32 $0x60, s5;
	[dreg:$0x8] =	wrdreg s25  }
0x13: {  	s10 =	sadd.s32 s7, s1;
	s24 =	sadd.s32 s6, s0;
	[dreg:$0x4] =	wrdreg s21  }
0x14: {  	s25 =	simm.s32 $0x4400;
	s0 =	simm.s32 $0x280;
	[dreg:$0x5] =	wrdreg s22  }
0x15: {  	s1 =	simm.s32 $0x380;
	s6 =	simm.s32 $0x0;
	[dreg:$0x6] =	wrdreg s23  }
0x16: {  	s21 =	sadd.s32 s9, s2;
	s12 =	sadd.s32 $0xC0, s10;
	s13 =	sadd.s32 $0x80, s10  }
0x17: {  	s22 =	simm.s32 $0x7;
	s23 =	simm.s32 $0x2;
	s21 =	sshrl.u32 s21, $0x3  }
.LBB2_1:
0x18: {  	[tilespmem:s3], [sflag:$0x1] =	stream.linear.gather [hbm4b:s5+s3], $0x100, $0x38;
	[tilespmem:$0x1C400] =	vst v63  }
0x19: {  	s7 =	rddreg [dreg:$0x4]  }
0x1a: {  	[tilespmem:s14], [sflag:$0x2] =	stream.linear.gather [hbm4b:s7+s3], $0x100, $0x38;
	[tilespmem:$0x1C400] =	vst v63  }
0x1b: {  	s8 =	rddreg [dreg:$0x5]  }
0x1c: {  	[tilespmem:s15], [sflag:$0x3] =	stream.linear.gather [hbm4b:s8+s3], $0x100, $0x38;
	[tilespmem:$0x1C400] =	vst v63  }
0x1d: {  	s9 =	rddreg [dreg:$0x6]  }
0x1e: {  	[tilespmem:s16], [sflag:$0x4] =	stream.linear.gather [hbm4b:s9+s3], $0x100, $0x38;
	[tilespmem:$0x1C400] =	vst v63  }
0x1f: {  	_ =	swait.ge [sflag:s17], $0x100  }
0x20: {  	[sflag:s17] =	ssyncset.done $0x0  }
0x21: {  	s11 =	rddreg [dreg:$0x7];
	[sflag:s17] =	ssyncadd.s32 $0xFFFFFF00  }
0x22: {  	[tilespmem:s19], [sflag:$0x5] =	stream.indirect.gather [hbm4b:s4+s18], $0x80, s3, s18, $0xb8;
	[tilespmem:$0x1C400] =	vst v63  }
0x23: {  	[spmem:s21], [sflag:s20] =	dma.local [hbm:s11], $0x2800  }
0x24: {  	_ =	swait.ge [sflag:s22], $0x2800  }
0x25: {  	[sflag:s22] =	ssyncset.done $0x0  }
0x26: {  	[sflag:s22] =	ssyncadd.s32 $0xFFFFD800  }
0x27: {  	[bflag:$0x0] =	sbarrier.arrive $0xFFFF  }
0x28: {  	_ =	swait.ge [sflag:s23], $0x100  }
0x29: {  	[sflag:s23] =	ssyncset.done $0x0  }
0x2a: {  	[sflag:s23] =	ssyncadd.s32 $0xFFFFFF00  }
0x2b: {  	[tilespmem:s25], [sflag:$0x6] =	stream.indirect.gather [hbm4b:s4+s18], $0x80, s14, s18, $0xb8;
	[tilespmem:$0x1C400] =	vst v63  }
0x2c: {  	_ =	swait.ge [sflag:s26], $0x4000  }
0x2d: {  	[sflag:s26] =	ssyncset.done $0x0  }
0x2e: {  	[sflag:s26] =	ssyncadd.s32 $0xFFFFC000  }
0x2f: {  	[spmem:s2] =	stream.indirect.scatter.add.f32 [tilespmem:s19], [sflag:$0x7], $0x80, s18, s18, $0xb8;
	[tilespmem:$0x1C400] =	vst v63  }
0x30: {  	_ =	swait.ge [sflag:s22], $0x4000  }
0x31: {  	[sflag:s22] =	ssyncset.done $0x0  }
0x32: {  	s8 =	sadd.s32 $0x0, s13;
	[sflag:s22] =	ssyncadd.s32 $0xFFFFC000  }
0x33: {  	[tilespmem:s3], [sflag:$0x1] =	stream.linear.gather [hbm4b:s8+s3], $0x100, $0x38;
	[tilespmem:$0x1C400] =	vst v63  }
0x34: {  	_ =	swait.ge [sflag:s28], $0x100  }
0x35: {  	[sflag:s28] =	ssyncset.done $0x0  }
0x36: {  	[sflag:s28] =	ssyncadd.s32 $0xFFFFFF00  }
0x37: {  	[tilespmem:s19], [sflag:$0x5] =	stream.indirect.gather [hbm4b:s4+s18], $0x80, s15, s18, $0xb8;
	[tilespmem:$0x1C400] =	vst v63  }
0x38: {  	_ =	swait.ge [sflag:s29], $0x4000  }
0x39: {  	[sflag:s29] =	ssyncset.done $0x0  }
0x3a: {  	[sflag:s29] =	ssyncadd.s32 $0xFFFFC000  }
0x3b: {  	[spmem:s2] =	stream.indirect.scatter.add.f32 [tilespmem:s25], [sflag:$0x7], $0x80, s30, s18, $0xb8;
	[tilespmem:$0x1C400] =	vst v63  }
0x3c: {  	_ =	swait.ge [sflag:s22], $0x4000  }
0x3d: {  	s8 =	sadd.s32 $0x0, s10;
	[sflag:s22] =	ssyncset.done $0x0  }
0x3e: {  	s9 =	sadd.s32 $0xA0, s8;
	[sflag:s22] =	ssyncadd.s32 $0xFFFFC000  }
0x3f: {  	[tilespmem:s14], [sflag:$0x2] =	stream.linear.gather [hbm4b:s9+s3], $0x100, $0x38;
	[tilespmem:$0x1C400] =	vst v63  }
0x40: {  	_ =	swait.ge [sflag:s31], $0x100  }
0x41: {  	[sflag:s31] =	ssyncset.done $0x0  }
0x42: {  	[sflag:s31] =	ssyncadd.s32 $0xFFFFFF00  }
0x43: {  	[tilespmem:s25], [sflag:$0x6] =	stream.indirect.gather [hbm4b:s4+s18], $0x80, s16, s18, $0xb8;
	[tilespmem:$0x1C400] =	vst v63  }
0x44: {  	_ =	swait.ge [sflag:s26], $0x4000  }
0x45: {  	[sflag:s26] =	ssyncset.done $0x0  }
0x46: {  	[sflag:s26] =	ssyncadd.s32 $0xFFFFC000  }
0x47: {  	[spmem:s2] =	stream.indirect.scatter.add.f32 [tilespmem:s19], [sflag:$0x7], $0x80, s0, s18, $0xb8;
	[tilespmem:$0x1C400] =	vst v63  }
0x48: {  	_ =	swait.ge [sflag:s22], $0x4000  }
0x49: {  	[sflag:s22] =	ssyncset.done $0x0  }
0x4a: {  	s11 =	sadd.s32 $0x0, s12;
	[sflag:s22] =	ssyncadd.s32 $0xFFFFC000  }
0x4b: {  	[tilespmem:s15], [sflag:$0x3] =	stream.linear.gather [hbm4b:s11+s3], $0x100, $0x38;
	[tilespmem:$0x1C400] =	vst v63  }
0x4c: {  	_ =	swait.ge [sflag:s17], $0x100  }
0x4d: {  	[sflag:s17] =	ssyncset.done $0x0  }
0x4e: {  	[sflag:s17] =	ssyncadd.s32 $0xFFFFFF00  }
0x4f: {  	[tilespmem:s19], [sflag:$0x5] =	stream.indirect.gather [hbm4b:s4+s18], $0x80, s3, s18, $0xb8;
	[tilespmem:$0x1C400] =	vst v63  }
0x50: {  	_ =	swait.ge [sflag:s29], $0x4000  }
0x51: {  	[sflag:s29] =	ssyncset.done $0x0  }
0x52: {  	[sflag:s29] =	ssyncadd.s32 $0xFFFFC000  }
0x53: {  	[spmem:s2] =	stream.indirect.scatter.add.f32 [tilespmem:s25], [sflag:$0x7], $0x80, s1, s18, $0xb8;
	[tilespmem:$0x1C400] =	vst v63  }
0x54: {  	_ =	swait.ge [sflag:s22], $0x4000  }
0x55: {  	[sflag:s22] =	ssyncset.done $0x0  }
0x56: {  	s7 =	simm.s32 $0x80;
	s8 =	sadd.s32 $0xE0, s8;
	[sflag:s22] =	ssyncadd.s32 $0xFFFFC000  }
.LBB2_2:
0x57: {  	[tilespmem:s16], [sflag:$0x4] =	stream.linear.gather [hbm4b:s8+s3], $0x100, $0x38;
	[tilespmem:$0x1C400] =	vst v63  }
0x58: {  	s8 =	smov.u32 s7  }
0x59: {  	p0 =	sne.s32 s7, $0x900;
	s7 =	sadd.s32 $0x80, s7;
	_ =	swait.ge [sflag:s23], $0x100  }
0x5a: {  	[sflag:s23] =	ssyncset.done $0x0  }
0x5b: {  	[sflag:s23] =	ssyncadd.s32 $0xFFFFFF00  }
0x5c: {  	[tilespmem:s25], [sflag:$0x6] =	stream.indirect.gather [hbm4b:s4+s18], $0x80, s14, s18, $0xb8;
	[tilespmem:$0x1C400] =	vst v63  }
0x5d: {  	_ =	swait.ge [sflag:s26], $0x4000  }
0x5e: {  	[sflag:s26] =	ssyncset.done $0x0  }
0x5f: {  	[sflag:s26] =	ssyncadd.s32 $0xFFFFC000  }
0x60: {  	[spmem:s2] =	stream.indirect.scatter.add.f32 [tilespmem:s19], [sflag:$0x7], $0x80, s18, s18, $0xb8;
	[tilespmem:$0x1C400] =	vst v63  }
0x61: {  	_ =	swait.ge [sflag:s22], $0x4000  }
0x62: {  	[sflag:s22] =	ssyncset.done $0x0  }
0x63: {  	s9 =	sadd.s32 s8, s13;
	[sflag:s22] =	ssyncadd.s32 $0xFFFFC000  }
0x64: {  	[tilespmem:s3], [sflag:$0x1] =	stream.linear.gather [hbm4b:s9+s3], $0x100, $0x38;
	[tilespmem:$0x1C400] =	vst v63  }
0x65: {  	_ =	swait.ge [sflag:s28], $0x100  }
0x66: {  	[sflag:s28] =	ssyncset.done $0x0  }
0x67: {  	[sflag:s28] =	ssyncadd.s32 $0xFFFFFF00  }
0x68: {  	[tilespmem:s19], [sflag:$0x5] =	stream.indirect.gather [hbm4b:s4+s18], $0x80, s15, s18, $0xb8;
	[tilespmem:$0x1C400] =	vst v63  }
0x69: {  	_ =	swait.ge [sflag:s29], $0x4000  }
0x6a: {  	[sflag:s29] =	ssyncset.done $0x0  }
0x6b: {  	[sflag:s29] =	ssyncadd.s32 $0xFFFFC000  }
0x6c: {  	[spmem:s2] =	stream.indirect.scatter.add.f32 [tilespmem:s25], [sflag:$0x7], $0x80, s30, s18, $0xb8;
	[tilespmem:$0x1C400] =	vst v63  }
0x6d: {  	_ =	swait.ge [sflag:s22], $0x4000  }
0x6e: {  	s9 =	sadd.s32 s8, s10;
	[sflag:s22] =	ssyncset.done $0x0  }
0x6f: {  	s11 =	sadd.s32 $0xA0, s9;
	[sflag:s22] =	ssyncadd.s32 $0xFFFFC000  }
0x70: {  	[tilespmem:s14], [sflag:$0x2] =	stream.linear.gather [hbm4b:s11+s3], $0x100, $0x38;
	[tilespmem:$0x1C400] =	vst v63  }
0x71: {  	_ =	swait.ge [sflag:s31], $0x100  }
0x72: {  	[sflag:s31] =	ssyncset.done $0x0  }
0x73: {  	[sflag:s31] =	ssyncadd.s32 $0xFFFFFF00  }
0x74: {  	[tilespmem:s25], [sflag:$0x6] =	stream.indirect.gather [hbm4b:s4+s18], $0x80, s16, s18, $0xb8;
	[tilespmem:$0x1C400] =	vst v63  }
0x75: {  	_ =	swait.ge [sflag:s26], $0x4000  }
0x76: {  	[sflag:s26] =	ssyncset.done $0x0  }
0x77: {  	[sflag:s26] =	ssyncadd.s32 $0xFFFFC000  }
0x78: {  	[spmem:s2] =	stream.indirect.scatter.add.f32 [tilespmem:s19], [sflag:$0x7], $0x80, s0, s18, $0xb8;
	[tilespmem:$0x1C400] =	vst v63  }
0x79: {  	_ =	swait.ge [sflag:s22], $0x4000  }
0x7a: {  	[sflag:s22] =	ssyncset.done $0x0  }
0x7b: {  	s8 =	sadd.s32 s8, s12;
	[sflag:s22] =	ssyncadd.s32 $0xFFFFC000  }
0x7c: {  	[tilespmem:s15], [sflag:$0x3] =	stream.linear.gather [hbm4b:s8+s3], $0x100, $0x38;
	[tilespmem:$0x1C400] =	vst v63  }
0x7d: {  	_ =	swait.ge [sflag:s17], $0x100  }
0x7e: {  	[sflag:s17] =	ssyncset.done $0x0  }
0x7f: {  	[sflag:s17] =	ssyncadd.s32 $0xFFFFFF00  }
0x80: {  	[tilespmem:s19], [sflag:$0x5] =	stream.indirect.gather [hbm4b:s4+s18], $0x80, s3, s18, $0xb8;
	[tilespmem:$0x1C400] =	vst v63  }
0x81: {  	_ =	swait.ge [sflag:s29], $0x4000  }
0x82: {  	[sflag:s29] =	ssyncset.done $0x0  }
.Ltmp0:
0x83: {  	[sflag:s29] =	ssyncadd.s32 $0xFFFFC000;
	(pc) =	sbr.rel @p0 .LBB2_2-.Ltmp0, $4  }
0x84: {  	[spmem:s2] =	stream.indirect.scatter.add.f32 [tilespmem:s25], [sflag:$0x7], $0x80, s1, s18, $0xb8;
	[tilespmem:$0x1C400] =	vst v63  }
0x85: {  	_ =	swait.ge [sflag:s22], $0x4000  }
0x86: {  	[sflag:s22] =	ssyncset.done $0x0  }
0x87: {  	s8 =	sadd.s32 $0xE0, s9;
	[sflag:s22] =	ssyncadd.s32 $0xFFFFC000  }
0x88: {  	[tilespmem:s16], [sflag:$0x4] =	stream.linear.gather [hbm4b:s8+s3], $0x100, $0x38;
	[tilespmem:$0x1C400] =	vst v63  }
0x89: {  	_ =	swait.ge [sflag:s23], $0x100  }
0x8a: {  	[sflag:s23] =	ssyncset.done $0x0  }
0x8b: {  	[sflag:s23] =	ssyncadd.s32 $0xFFFFFF00  }
0x8c: {  	[tilespmem:s25], [sflag:$0x6] =	stream.indirect.gather [hbm4b:s4+s18], $0x80, s14, s18, $0xb8;
	[tilespmem:$0x1C400] =	vst v63  }
0x8d: {  	_ =	swait.ge [sflag:s26], $0x4000  }
0x8e: {  	[sflag:s26] =	ssyncset.done $0x0  }
0x8f: {  	[sflag:s26] =	ssyncadd.s32 $0xFFFFC000  }
0x90: {  	[spmem:s2] =	stream.indirect.scatter.add.f32 [tilespmem:s19], [sflag:$0x7], $0x80, s18, s18, $0xb8;
	[tilespmem:$0x1C400] =	vst v63  }
0x91: {  	_ =	swait.ge [sflag:s22], $0x4000  }
0x92: {  	[sflag:s22] =	ssyncset.done $0x0  }
0x93: {  	[sflag:s22] =	ssyncadd.s32 $0xFFFFC000  }
0x94: {  	_ =	swait.ge [sflag:s28], $0x100  }
0x95: {  	[sflag:s28] =	ssyncset.done $0x0  }
0x96: {  	[sflag:s28] =	ssyncadd.s32 $0xFFFFFF00  }
0x97: {  	[tilespmem:s19], [sflag:$0x5] =	stream.indirect.gather [hbm4b:s4+s18], $0x80, s15, s18, $0xb8;
	[tilespmem:$0x1C400] =	vst v63  }
0x98: {  	_ =	swait.ge [sflag:s29], $0x4000  }
0x99: {  	[sflag:s29] =	ssyncset.done $0x0  }
0x9a: {  	[sflag:s29] =	ssyncadd.s32 $0xFFFFC000  }
0x9b: {  	[spmem:s2] =	stream.indirect.scatter.add.f32 [tilespmem:s25], [sflag:$0x7], $0x80, s30, s18, $0xb8;
	[tilespmem:$0x1C400] =	vst v63  }
0x9c: {  	_ =	swait.ge [sflag:s22], $0x4000  }
0x9d: {  	[sflag:s22] =	ssyncset.done $0x0  }
0x9e: {  	[sflag:s22] =	ssyncadd.s32 $0xFFFFC000  }
0x9f: {  	_ =	swait.ge [sflag:s31], $0x100  }
0xa0: {  	[sflag:s31] =	ssyncset.done $0x0  }
0xa1: {  	[sflag:s31] =	ssyncadd.s32 $0xFFFFFF00  }
0xa2: {  	[tilespmem:s25], [sflag:$0x6] =	stream.indirect.gather [hbm4b:s4+s18], $0x80, s16, s18, $0xb8;
	[tilespmem:$0x1C400] =	vst v63  }
0xa3: {  	_ =	swait.ge [sflag:s26], $0x4000  }
0xa4: {  	[sflag:s26] =	ssyncset.done $0x0  }
0xa5: {  	[sflag:s26] =	ssyncadd.s32 $0xFFFFC000  }
0xa6: {  	[spmem:s2] =	stream.indirect.scatter.add.f32 [tilespmem:s19], [sflag:$0x7], $0x80, s0, s18, $0xb8;
	[tilespmem:$0x1C400] =	vst v63  }
0xa7: {  	_ =	swait.ge [sflag:s22], $0x4000  }
0xa8: {  	[sflag:s22] =	ssyncset.done $0x0  }
0xa9: {  	[sflag:s22] =	ssyncadd.s32 $0xFFFFC000  }
0xaa: {  	_ =	swait.ge [sflag:s29], $0x4000  }
0xab: {  	[sflag:s29] =	ssyncset.done $0x0  }
0xac: {  	[sflag:s29] =	ssyncadd.s32 $0xFFFFC000  }
0xad: {  	[spmem:s2] =	stream.indirect.scatter.add.f32 [tilespmem:s25], [sflag:$0x7], $0x80, s1, s18, $0xb8;
	[tilespmem:$0x1C400] =	vst v63  }
0xae: {  	_ =	swait.ge [sflag:s22], $0x4000  }
0xaf: {  	[sflag:s22] =	ssyncset.done $0x0  }
0xb0: {  	[sflag:s22] =	ssyncadd.s32 $0xFFFFC000  }
0xb1: {  	[bflag:$0x0] =	sbarrier.arrive $0xFFFF  }
0xb2: {  	[hbm:s24], [sflag:s20] =	dma.local [spmem:s21], $0x2800  }
0xb3: {  	_ =	swait.ge [sflag:s22], $0x2800  }
0xb4: {  	s6 =	sadd.s32 $0x1, s6;
	s7 =	rddreg [dreg:$0x8]  }
0xb5: {  	p0 =	sne.s32 s6, s7  }
.Ltmp1:
0xb6: {  	_ = 	snop;
	(pc) =	sbr.rel @p0 .LBB2_1-.Ltmp1, $3  }
0xb7: {  	_ =	sdelay $0x1  }
0xb8: {  	[sflag:s22] =	ssyncset.done $0x0  }
0xb9: {  	[sflag:s22] =	ssyncadd.s32 $0xFFFFD800  }
0xba: {  	_ =	sfence.sel $0x180000  }
0xbb: {  	[bflag:$0x0] =	sbarrier.arrive $0xFFFF  }
0xbc: {  	_ =	strace $0x9000004D  }
0xbd: {  	s0 =	stileid.u32;
	[bflag:$0x2] =	sbarrier.arrive $0xFFFF  }
0xbe: {  	p0 =	sne.s32 s0, $0x0;
	s0 =	rddreg [dreg:$0x3]  }
0xbf: {  	s0 =	sadd.s32 @!p0 $0x100000, s0  }
0xc0: {  	[sflag:s0] =	ssyncadd.tile.s32 @!p0 $0x1;
	_ =	shalt  }
.Lfunc_end2:
_tile_overlayer_lowered:
.L_overlay_start_2:
0xc1: {  	(tag) =	ssettag $0x2  }
0xc2: {  	s0 =	rddreg [dreg:$0x0];
	s2 =	stileid.u32  }
0xc3: {  	s1 =	rddreg [dreg:$0x1];
	p0 =	sne.s32 s2, $0x0  }
0xc4: {  	s3 =	rddreg [dreg:$0x2];
	[bflag:$0x3] =	sbarrier.arrive $0xFFFF;
	s2 =	simm.s32 @!p0 $0x1C07  }
0xc5: {  	[timem:s3], [sflag:s2] =	dma.local @!p0 [hbm:s0], s1  }
0xc6: {  	s0 =	simm.s32 @!p0 $0x7  }
0xc7: {  	_ =	swait.ge @!p0 [sflag:s0], s1  }
0xc8: {  	s1 =	ssub.s32 @!p0 $0x0, s1;
	[sflag:s0] =	ssyncset.done @!p0 $0x0  }
0xc9: {  	[sflag:s0] =	ssyncadd.s32 @!p0 s1  }
0xca: {  	[bflag:$0x3] =	sbarrier.arrive $0xFFFF  }
0xcb: {  	_ =	shalt  }

// kernel: kernel.8.cloned.1.call-start
scs
__scs_entry_jumppad:
0x0: {  	(pc) =	sbr.rel $0x88, $3  }
0x1: {  	(tag) =	ssettag $0x0;
	lr =	simm.s32 $0x1  }
0x2: {  	[smem:$0x3F9D] =	sst lr;
	_ =	strace $0xD0000000  }
0x3: {  	_ = 	snop  }
0x4: {  	_ = 	snop  }
0x5: {  	_ = 	snop  }
0x6: {  	_ = 	snop  }
0x7: {  	_ = 	snop  }
__scs_overlays_trampoline_lowered:
0x8: {  	[smem:$0x3FAC] =	sst s0  }
0x9: {  	[smem:$0x3FAD] =	sst s1  }
0xa: {  	[smem:$0x3FAE] =	sst s2  }
0xb: {  	[smem:$0x3FAF] =	sst s3  }
0xc: {  	[smem:$0x3FB0] =	sst s4  }
0xd: {  	[smem:$0x3FB1] =	sst s5  }
0xe: {  	[smem:$0x3FB2] =	sst s6  }
0xf: {  	[smem:$0x3FB3] =	sst s7  }
0x10: {  	[smem:$0x3FB4] =	sst s8  }
0x11: {  	[smem:$0x3FB5] =	sst s9;
	s0 =	simm.s32 @!p0 $0x0  }
0x12: {  	s1 =	sld [smem:$0x3F9B];
	s0 =	simm.s32 @p0 $0x1  }
0x13: {  	[smem:$0x3FB6] =	sst s0;
	s0 =	simm.s32 @!p1 $0x0  }
0x14: {  	s2 =	sld [smem:$0x3F9A];
	s0 =	simm.s32 @p1 $0x1  }
0x15: {  	[smem:$0x3FB7] =	sst s0;
	s0 =	simm.s32 @!p2 $0x0  }
0x16: {  	s3 =	sld [smem:$0x3FDB];
	s0 =	simm.s32 @p2 $0x1  }
0x17: {  	s4 =	simm.s32 $0x1BF5;
	[smem:$0x3FB9] =	sst s0  }
0x18: {  	s0 =	sld [smem:$0x3F9C];
	_ =	swait.ge [sflag:s4], $0x0  }
0x19: {  	s7 =	sld [smem:$0x3F9D]  }
0x1a: {  	s8 =	sadd.s32 $0xFFFFE003, lr  }
0x1b: {  	s9 =	sadd.s32 $0xFFFFFEF7, lr;
	s5 =	simm.s32 $0xFFFFFFFF;
	p2 =	slt.u32 s8, $0xFFFFF086  }
0x1c: {  	p1 =	slt.u32 s9, $0xF7A;
	s5 =	simm.s32 @!p2 $0x0  }
0x1d: {  	s5 =	simm.s32 @p1 $0x1;
	p0 =	seq.s32 s7, s2  }
0x1e: {  	s7 =	smul.u32 @!p0 $0xF7A, s2;
	p2 =	seq.s32 @!p0 s5, $0x0  }
0x1f: {  	s9 =	smul.u32 $0xF7A, s1;
	s8 =	simm.s32 @!p0 $0x1BF5;
	p2 =	por !p2, p0  }
0x20: {  	[sflag:s8] =	ssyncset.s32 @!p0 $0xFFFFF086;
	s6 =	sadd.s32 @!p0 s3, s7;
	s7 =	simm.s32 @!p0 $0x108  }
0x21: {  	s3 =	sadd.s32 s3, s9;
	s6 =	sadd.s32 @!p0 $0x88, s6;
	s7 =	simm.s32 @p2 $0x1082  }
0x22: {  	[simem:s7], [sflag:s8] =	dma.local @!p0 [hbm:s6], $0xF7A  }
0x23: {  	s9 =	sor.u32 $0xD0000000, s2;
	s6 =	simm.s32 $0x108;
	_ =	swait.ge @!p0 [sflag:s8], $0x0  }
0x24: {  	s3 =	sadd.s32 $0x88, s3;
	s6 =	simm.s32 @!p1 $0x1082;
	[sflag:s4] =	ssyncset.s32 $0xFFFFF086  }
0x25: {  	[simem:s6], [sflag:s4] =	dma.local [hbm:s3], $0xF7A  }
0x26: {  	[smem:$0x3F9D] =	sst s1;
	(tag) =	ssettag s2;
	_ =	strace s9  }
0x27: {  	s1 =	sld [smem:$0x3FAD]  }
0x28: {  	s2 =	sld [smem:$0x3FAE]  }
0x29: {  	s4 =	sld [smem:$0x3FB0]  }
0x2a: {  	p0 =	seq.s32 s5, $0x0;
	s5 =	sld [smem:$0x3FB1]  }
0x2b: {  	s6 =	sld [smem:$0x3FB2]  }
0x2c: {  	s7 =	sld [smem:$0x3FB3]  }
0x2d: {  	s3 =	simm.s32 $0x108;
	s8 =	sld [smem:$0x3FB4]  }
0x2e: {  	s3 =	simm.s32 @!p0 $0x1082;
	s9 =	sld [smem:$0x3FB5]  }
0x2f: {  	lr =	sadd.s32 s0, s3;
	s0 =	sld [smem:$0x3FAC]  }
0x30: {  	s3 =	sld [smem:$0x3FAF]  }
0x31: {  	[smem:$0x3FB8] =	sst s10  }
0x32: {  	s10 =	sld [smem:$0x3FB6];
	_ =	sdelay $0x3  }
0x33: {  	p0 =	seq.s32 s10, $0x1;
	s10 =	sld [smem:$0x3FB8];
	_ =	sdelay $0x3  }
0x34: {  	[smem:$0x3FB8] =	sst s10  }
0x35: {  	s10 =	sld [smem:$0x3FB7];
	_ =	sdelay $0x3  }
0x36: {  	p1 =	seq.s32 s10, $0x1;
	s10 =	sld [smem:$0x3FB8];
	_ =	sdelay $0x3  }
0x37: {  	[smem:$0x3FB8] =	sst s10  }
0x38: {  	s10 =	sld [smem:$0x3FB9]  }
0x39: {  	_ = 	snop;
	(pc) =	sbr.ind lr, $3  }
0x3a: {  	_ = 	snop  }
0x3b: {  	_ = 	snop  }
0x3c: {  	p2 =	seq.s32 s10, $0x1;
	s10 =	sld [smem:$0x3FB8]  }
0x3d: {  	_ =	shalt  }
0x3e: {  	_ =	shalt  }
0x3f: {  	_ =	shalt  }
0x40: {  	_ =	shalt  }
0x41: {  	_ =	shalt  }
0x42: {  	_ =	shalt  }
0x43: {  	_ =	shalt  }
0x44: {  	_ =	shalt  }
0x45: {  	_ =	shalt  }
0x46: {  	_ =	shalt  }
0x47: {  	_ =	shalt  }
0x48: {  	_ =	shalt  }
0x49: {  	_ =	shalt  }
0x4a: {  	_ =	shalt  }
0x4b: {  	_ =	shalt  }
0x4c: {  	_ =	shalt  }
0x4d: {  	_ =	shalt  }
0x4e: {  	_ =	shalt  }
0x4f: {  	_ =	shalt  }
0x50: {  	_ =	shalt  }
0x51: {  	_ =	shalt  }
0x52: {  	_ =	shalt  }
0x53: {  	_ =	shalt  }
0x54: {  	_ =	shalt  }
0x55: {  	_ =	shalt  }
0x56: {  	_ =	shalt  }
0x57: {  	_ =	shalt  }
0x58: {  	_ =	shalt  }
0x59: {  	_ =	shalt  }
0x5a: {  	_ =	shalt  }
0x5b: {  	_ =	shalt  }
0x5c: {  	_ =	shalt  }
0x5d: {  	_ =	shalt  }
0x5e: {  	_ =	shalt  }
0x5f: {  	_ =	shalt  }
0x60: {  	_ =	shalt  }
0x61: {  	_ =	shalt  }
0x62: {  	_ =	shalt  }
0x63: {  	_ =	shalt  }
0x64: {  	_ =	shalt  }
0x65: {  	_ =	shalt  }
0x66: {  	_ =	shalt  }
0x67: {  	_ =	shalt  }
0x68: {  	_ =	shalt  }
0x69: {  	_ =	shalt  }
0x6a: {  	_ =	shalt  }
0x6b: {  	_ =	shalt  }
0x6c: {  	_ =	shalt  }
0x6d: {  	_ =	shalt  }
0x6e: {  	_ =	shalt  }
0x6f: {  	_ =	shalt  }
0x70: {  	_ =	shalt  }
0x71: {  	_ =	shalt  }
0x72: {  	_ =	shalt  }
0x73: {  	_ =	shalt  }
0x74: {  	_ =	shalt  }
0x75: {  	_ =	shalt  }
0x76: {  	_ =	shalt  }
0x77: {  	_ =	shalt  }
0x78: {  	_ =	shalt  }
0x79: {  	_ =	shalt  }
0x7a: {  	_ =	shalt  }
0x7b: {  	_ =	shalt  }
0x7c: {  	_ =	shalt  }
0x7d: {  	_ =	shalt  }
0x7e: {  	_ =	shalt  }
0x7f: {  	_ =	shalt  }
0x80: {  	_ =	shalt  }
0x81: {  	_ =	shalt  }
0x82: {  	_ =	shalt  }
0x83: {  	_ =	shalt  }
0x84: {  	_ =	shalt  }
0x85: {  	_ =	shalt  }
0x86: {  	_ =	shalt  }
0x87: {  	_ =	shalt  }
.Lfunc_end0:
.L_simem_size_0:
called_computation_lowered:
.L_overlay_start_0:
0x88: {  	s2 =	sld [smem:$0x3FD9]  }
0x89: {  	s3 =	sld [smem:$0x3FFE];
	_ =	sdelay $0x1  }
0x8a: {  	s1 =	srdreg.scid  }
0x8b: {  	s0 =	sand.u32 $0x1, s1  }
0x8c: {  	s17 =	sshll.u32 s0, $0xA;
	s2 =	sadd.s32 s3, s2  }
0x8d: {  	s2 =	sadd.s32 s2, s17  }
0x8e: {  	[smem:$0x3FC4] =	sst s2  }
0x8f: {  	_ = 	snop  }
0x90: {  	s2 =	sld [smem:$0x3FD0];
	(tm) =	ssettm $0x1  }
0x91: {  	s18 =	sld [smem:$0x3FFB];
	_ =	sdelay $0x3  }
0x92: {  	_ =	strace s18  }
0x93: {  	s3 =	sld [smem:$0x3FFC];
	_ =	sdelay $0x3  }
0x94: {  	_ =	strace s3  }
0x95: {  	s3 =	sld [smem:$0x3FFD];
	_ =	sdelay $0x3  }
0x96: {  	_ =	strace s3  }
0x97: {  	_ =	strace $0x8FFFFFFF  }
0x98: {  	s19 =	sld [smem:$0x3FDB];
	_ =	sdelay $0x1  }
0x99: {  	s4 =	simm.s32 $_scs_section_size  }
0x9a: {  	s5 =	simm.s32 $_size__tile_overlayer_lowered;
	s6 =	simm.s32 $_tile_overlayer_lowered  }
0x9b: {  	s22 =	simm.s32 $0x1BFF;
	s21 =	sshll.u32 s6, $0x1;
	s3 =	sadd.s32 s4, s19  }
0x9c: {  	s7 =	simm.s32 $0x0;
	s20 =	sshll.u32 s5, $0x1;
	s5 =	sadd.s32 s21, s3  }
0x9d: {  	[timem:s7], [sflag:s22] =	dma.local [hbm:s5], s20  }
0x9e: {  	_ =	swait.ge [sflag:s22], s20  }
0x9f: {  	s4 =	ssub.s32 $0x0, s20;
	[sflag:s22] =	ssyncset.done $0x0  }
0xa0: {  	[sflag:s22] =	ssyncadd.s32 s4;
	_ =	sdelay $0x1  }
0xa1: {  	s23 =	simm.s32 $0x1B8B  }
0xa2: {  	_ =	swait.ge [sflag:s23], $0x1  }
0xa3: {  	[sflag:s23] =	ssyncset.done $0x0  }
0xa4: {  	s25 =	simm.s32 $0x1B8E;
	s24 =	sld [smem:$0x3FFE];
	[sflag:s23] =	ssyncadd.s32 $0xFFFFFFFF  }
0xa5: {  	s26 =	simm.s32 $execute0_lowered;
	[smem:$0x3FD2] =	sst s25  }
0xa6: {  	s5 =	sshll.u32 s26, $0x1;
	_ =	strace $0x80000046;
	[dreg:$0x1] =	wrdreg $0xFFFFFFFF  }
0xa7: {  	s28 =	simm.s32 $_size_execute0_lowered;
	s3 =	sadd.s32 s3, s5;
	[dreg:$0x0] =	wrdreg $0x0  }
0xa8: {  	s5 =	sshll.u32 s28, $0x1;
	[dreg:$0x2] =	wrdreg s3  }
0xa9: {  	[dreg:$0x3] =	wrdreg s5  }
0xaa: {  	[dreg:$0x4] =	wrdreg $0xC0  }
0xab: {  	_ =	task [dreg:s7], $0x5FFFF  }
0xac: {  	[dreg:$0x1] =	wrdreg $0xFFFFFFFF  }
0xad: {  	[dreg:$0x0] =	wrdreg $0x60  }
0xae: {  	[dreg:$0x2] =	wrdreg s2  }
0xaf: {  	[dreg:$0x3] =	wrdreg s24  }
0xb0: {  	[dreg:$0x4] =	wrdreg $0x5000  }
0xb1: {  	[dreg:$0x5] =	wrdreg $0x9  }
0xb2: {  	_ =	task.clear_ibuf [dreg:s7], $0x6FFFF;
	_ =	strace $0x90000046  }
0xb3: {  	s29 =	simm.s32 $0x9;
	_ =	strace $0x80000048  }
0xb4: {  	_ =	swait.ge [sflag:s29], $0x1  }
0xb5: {  	[sflag:s29] =	ssyncadd.s32 $0xFFFFFFFF  }
0xb6: {  	_ =	strace $0x90000048  }
0xb7: {  	_ =	sfence  }
0xb8: {  	s30 =	sld [smem:$0x0];
	_ =	sdelay $0x2  }
0xb9: {  	s31 =	sshll.u32 s1, $0xD;
	s1 =	sshrl.u32 s1, $0x2  }
0xba: {  	s3 =	sand.u32 $0x4000, s31;
	s1 =	sadd.s32 s1, s30  }
0xbb: {  	s0 =	sor.u32 s3, s0;
	s1 =	sshll.u32 s1, $0x11  }
0xbc: {  	s0 =	sor.u32 s1, s0  }
0xbd: {  	s0 =	sadd.s32 $0x8F2B, s0  }
0xbe: {  	[sflag:s0] =	ssyncadd.remote.s32 $0x1  }
0xbf: {  	_ =	sfence.sel $0xFFFF  }
0xc0: {  	[dreg:$0x0] =	wrdreg $0xFFFFFFFF;
	(pc) =	sbr.abs _section_cstart, $3  }
0xc1: {  	[dreg:$0x1] =	wrdreg $0xFFFFFFFF  }
0xc2: {  	_ =	task.clear_ibuf [dreg:s7], $0x2FFFF;
	_ =	strace $0x9FFFFFFF  }
0xc3: {  	(tm) =	ssettm $0x7FFFFFFF  }
tec
execute0_lowered:
.L_overlay_start_1:
0x0: {  	(tag) =	ssettag $0x1  }
0x1: {  	s7 =	rddreg [dreg:$0x0]  }
0x2: {  	s4 =	rddreg [dreg:$0x1];
	s1 =	srdreg.scid  }
0x3: {  	s0 =	stileid.u32;
	s2 =	rddreg [dreg:$0x2]  }
0x4: {  	s3 =	simm.s32 $0x0;
	s12 =	simm.s32 $0x3;
	s13 =	simm.s32 $0x1  }
0x5: {  	s14 =	simm.s32 $0x80;
	s15 =	simm.s32 $0x200;
	s16 =	simm.s32 $0x2  }
0x6: {  	s17 =	simm.s32 $0x180;
	s21 =	simm.s32 $0x20;
	s22 =	simm.s32 $0x10  }
0x7: {  	s23 =	simm.s32 $0x0;
	s5 =	sand.u32 $0x1, s1;
	s1 =	rddreg [dreg:$0x3]  }
0x8: {  	s6 =	sshll.u32 s0, $0x1;
	[smem:$0x7FF] =	sst s3;
	s18 =	smul.u32 $0xA0, s0  }
0x9: {  	s10 =	smul.u32 $0xA00, s0;
	s20 =	sshll.u32 s0, $0x6;
	s6 =	sor.u32 s5, s6  }
0xa: {  	s8 =	sshll.u32 s5, $0x4;
	s9 =	ssub.s32 $0x2, s5;
	s5 =	smul.u32 $0x50, s5  }
0xb: {  	_ =	strace $0x80000047;
	s6 =	smul.u32 $0xA00, s6;
	s29 =	sshrl.u32 s9, $0x1  }
0xc: {  	s8 =	sadd.s32 s8, s4;
	s10 =	sshrl.u32 s10, $0x2;
	s9 =	ssub.s32 s9, s29  }
0xd: {  	s30 =	sadd.s32 s5, s18;
	s19 =	sadd.s32 $0x1E00, s8;
	s4 =	sadd.s32 s7, s6  }
0xe: {  	s11 =	sshll.u32 s30, $0x5;
	s6 =	sadd.s32 s10, s2;
	s10 =	simm.s32 $0x100  }
0xf: {  	s18 =	sadd.s32 s18, s19;
	s19 =	sor.u32 $0x1C03, s20;
	s5 =	sadd.s32 $0x20, s4  }
0x10: {  	s31 =	sadd.s32 s11, s7;
	s7 =	smax.u32 s9, $0x1;
	s11 =	simm.s32 $0x280  }
0x11: {  	v0 =	vimm.f32 $1.000000000e+00;
	v1 =	vimm.f32 $0.0e+00;
	s20 =	sshrl.u32 s6, $0x3;
	s8 =	sadd.s32 $0x60, s31;
	s9 =	sadd.s32 $0x40, s31  }
.LBB2_1:
0x12: {  	[tilespmem:s3], [sflag:$0x1] =	stream.linear.gather [hbm4b:s4+s3], $0x100, $0x38;
	[tilespmem:$0x780] =	vst v63  }
0x13: {  	_ = 	snop  }
0x14: {  	[tilespmem:s10], [sflag:$0x2] =	stream.linear.gather [hbm4b:s5+s3], $0x100, $0x38;
	[tilespmem:$0x780] =	vst v63  }
0x15: {  	[tilespmem:$0x200] =	vst v0  }
0x16: {  	[tilespmem:$0x210] =	vst v0  }
0x17: {  	[tilespmem:$0x220] =	vst v0  }
0x18: {  	[tilespmem:$0x230] =	vst v0  }
0x19: {  	[tilespmem:$0x240] =	vst v0  }
0x1a: {  	[tilespmem:$0x250] =	vst v0  }
0x1b: {  	[tilespmem:$0x260] =	vst v0  }
0x1c: {  	[tilespmem:$0x270] =	vst v0  }
0x1d: {  	[tilespmem:$0x280] =	vst v1  }
0x1e: {  	[tilespmem:$0x290] =	vst v1  }
0x1f: {  	[tilespmem:$0x2A0] =	vst v1  }
0x20: {  	[tilespmem:$0x2B0] =	vst v1  }
0x21: {  	[tilespmem:$0x2C0] =	vst v1  }
0x22: {  	[tilespmem:$0x2D0] =	vst v1  }
0x23: {  	[tilespmem:$0x2E0] =	vst v1  }
0x24: {  	[tilespmem:$0x2F0] =	vst v1  }
0x25: {  	[tilespmem:$0x300] =	vst v1  }
0x26: {  	[tilespmem:$0x310] =	vst v1  }
0x27: {  	[tilespmem:$0x320] =	vst v1  }
0x28: {  	[tilespmem:$0x330] =	vst v1  }
0x29: {  	[tilespmem:$0x340] =	vst v1  }
0x2a: {  	[tilespmem:$0x350] =	vst v1  }
0x2b: {  	[tilespmem:$0x360] =	vst v1  }
0x2c: {  	[tilespmem:$0x370] =	vst v1  }
0x2d: {  	[tilespmem:$0x380] =	vst v1  }
0x2e: {  	[tilespmem:$0x390] =	vst v1  }
0x2f: {  	[tilespmem:$0x3A0] =	vst v1  }
0x30: {  	[tilespmem:$0x3B0] =	vst v1  }
0x31: {  	[tilespmem:$0x3C0] =	vst v1  }
0x32: {  	[tilespmem:$0x3D0] =	vst v1  }
0x33: {  	[tilespmem:$0x3E0] =	vst v1  }
0x34: {  	[tilespmem:$0x3F0] =	vst v1  }
0x35: {  	[tilespmem:$0x400] =	vst v1  }
0x36: {  	[tilespmem:$0x410] =	vst v1  }
0x37: {  	[tilespmem:$0x420] =	vst v1  }
0x38: {  	[tilespmem:$0x430] =	vst v1  }
0x39: {  	[tilespmem:$0x440] =	vst v1  }
0x3a: {  	[tilespmem:$0x450] =	vst v1  }
0x3b: {  	[tilespmem:$0x460] =	vst v1  }
0x3c: {  	[tilespmem:$0x470] =	vst v1  }
0x3d: {  	[tilespmem:$0x480] =	vst v1  }
0x3e: {  	[tilespmem:$0x490] =	vst v1  }
0x3f: {  	[tilespmem:$0x4A0] =	vst v1  }
0x40: {  	[tilespmem:$0x4B0] =	vst v1  }
0x41: {  	[tilespmem:$0x4C0] =	vst v1  }
0x42: {  	[tilespmem:$0x4D0] =	vst v1  }
0x43: {  	[tilespmem:$0x4E0] =	vst v1  }
0x44: {  	[tilespmem:$0x4F0] =	vst v1  }
0x45: {  	[spmem:s6] =	stream.linear.scatter [tilespmem:s11], [sflag:$0x3], $0x280, $0x38;
	[tilespmem:$0x780] =	vst v63  }
0x46: {  	_ =	swait.ge [sflag:s12], $0x280  }
0x47: {  	[sflag:s12] =	ssyncset.done $0x0  }
0x48: {  	[sflag:s12] =	ssyncadd.s32 $0xFFFFFD80  }
0x49: {  	[bflag:$0x0] =	sbarrier.arrive $0xFFFF  }
0x4a: {  	_ =	swait.ge [sflag:s13], $0x100  }
0x4b: {  	[sflag:s13] =	ssyncset.done $0x0  }
0x4c: {  	[sflag:s13] =	ssyncadd.s32 $0xFFFFFF00  }
0x4d: {  	[spmem:s2] =	stream.indirect.scatter.add.f32 [tilespmem:s15], [sflag:$0x3], $0x1, s14, s14, $0xb8;
	[tilespmem:$0x780] =	vst v63  }
0x4e: {  	_ =	swait.ge [sflag:s12], $0x80  }
0x4f: {  	[sflag:s12] =	ssyncset.done $0x0  }
0x50: {  	s24 =	sadd.s32 $0x0, s9;
	[sflag:s12] =	ssyncadd.s32 $0xFFFFFF80  }
0x51: {  	[tilespmem:s3], [sflag:$0x1] =	stream.linear.gather [hbm4b:s24+s3], $0x100, $0x38;
	[tilespmem:$0x780] =	vst v63  }
0x52: {  	_ =	swait.ge [sflag:s16], $0x100  }
0x53: {  	[sflag:s16] =	ssyncset.done $0x0  }
0x54: {  	[sflag:s16] =	ssyncadd.s32 $0xFFFFFF00  }
0x55: {  	[spmem:s2] =	stream.indirect.scatter.add.f32 [tilespmem:s15], [sflag:$0x3], $0x1, s17, s14, $0xb8;
	[tilespmem:$0x780] =	vst v63  }
0x56: {  	_ =	swait.ge [sflag:s12], $0x80  }
0x57: {  	[sflag:s12] =	ssyncset.done $0x0  }
0x58: {  	s25 =	sadd.s32 $0x0, s8;
	s24 =	simm.s32 $0x40;
	[sflag:s12] =	ssyncadd.s32 $0xFFFFFF80  }
.LBB2_2:
0x59: {  	[tilespmem:s10], [sflag:$0x2] =	stream.linear.gather [hbm4b:s25+s3], $0x100, $0x38;
	[tilespmem:$0x780] =	vst v63  }
0x5a: {  	s25 =	smov.u32 s24  }
0x5b: {  	p0 =	sne.s32 s24, $0x980;
	s24 =	sadd.s32 $0x40, s24;
	_ =	swait.ge [sflag:s13], $0x100  }
0x5c: {  	[sflag:s13] =	ssyncset.done $0x0  }
0x5d: {  	[sflag:s13] =	ssyncadd.s32 $0xFFFFFF00  }
0x5e: {  	[spmem:s2] =	stream.indirect.scatter.add.f32 [tilespmem:s15], [sflag:$0x3], $0x1, s14, s14, $0xb8;
	[tilespmem:$0x780] =	vst v63  }
0x5f: {  	_ =	swait.ge [sflag:s12], $0x80  }
0x60: {  	[sflag:s12] =	ssyncset.done $0x0  }
0x61: {  	s26 =	sadd.s32 s25, s9;
	[sflag:s12] =	ssyncadd.s32 $0xFFFFFF80  }
0x62: {  	[tilespmem:s3], [sflag:$0x1] =	stream.linear.gather [hbm4b:s26+s3], $0x100, $0x38;
	[tilespmem:$0x780] =	vst v63  }
0x63: {  	_ =	swait.ge [sflag:s16], $0x100  }
0x64: {  	[sflag:s16] =	ssyncset.done $0x0  }
.Ltmp0:
0x65: {  	[sflag:s16] =	ssyncadd.s32 $0xFFFFFF00;
	(pc) =	sbr.rel @p0 .LBB2_2-.Ltmp0, $4  }
0x66: {  	[spmem:s2] =	stream.indirect.scatter.add.f32 [tilespmem:s15], [sflag:$0x3], $0x1, s17, s14, $0xb8;
	[tilespmem:$0x780] =	vst v63  }
0x67: {  	_ =	swait.ge [sflag:s12], $0x80  }
0x68: {  	[sflag:s12] =	ssyncset.done $0x0  }
0x69: {  	s25 =	sadd.s32 s25, s8;
	[sflag:s12] =	ssyncadd.s32 $0xFFFFFF80  }
0x6a: {  	[tilespmem:s10], [sflag:$0x2] =	stream.linear.gather [hbm4b:s25+s3], $0x100, $0x38;
	[tilespmem:$0x780] =	vst v63  }
0x6b: {  	_ =	swait.ge [sflag:s13], $0x100  }
0x6c: {  	[sflag:s13] =	ssyncset.done $0x0  }
0x6d: {  	[sflag:s13] =	ssyncadd.s32 $0xFFFFFF00  }
0x6e: {  	[spmem:s2] =	stream.indirect.scatter.add.f32 [tilespmem:s15], [sflag:$0x3], $0x1, s14, s14, $0xb8;
	[tilespmem:$0x780] =	vst v63  }
0x6f: {  	_ =	swait.ge [sflag:s12], $0x80  }
0x70: {  	[sflag:s12] =	ssyncset.done $0x0  }
0x71: {  	[sflag:s12] =	ssyncadd.s32 $0xFFFFFF80  }
0x72: {  	_ =	swait.ge [sflag:s16], $0x100  }
0x73: {  	[sflag:s16] =	ssyncset.done $0x0  }
0x74: {  	[sflag:s16] =	ssyncadd.s32 $0xFFFFFF00  }
0x75: {  	[spmem:s2] =	stream.indirect.scatter.add.f32 [tilespmem:s15], [sflag:$0x3], $0x1, s17, s14, $0xb8;
	[tilespmem:$0x780] =	vst v63  }
0x76: {  	_ =	swait.ge [sflag:s12], $0x80  }
0x77: {  	s23 =	sadd.s32 $0x1, s23;
	[sflag:s12] =	ssyncset.done $0x0  }
0x78: {  	p0 =	sne.s32 s23, s7;
	[sflag:s12] =	ssyncadd.s32 $0xFFFFFF80  }
.Ltmp1:
0x79: {  	[bflag:$0x0] =	sbarrier.arrive $0xFFFF;
	(pc) =	sbr.rel @p0 .LBB2_1-.Ltmp1, $4  }
0x7a: {  	[hbm:s18@s21], [sflag:s19] =	dma.strided [spmem:s20@s22], $0x50, s13, $0x10   }
0x7b: {  	_ =	swait.ge [sflag:s12], $0x50  }
0x7c: {  	[sflag:s12] =	ssyncset.done $0x0  }
0x7d: {  	[sflag:s12] =	ssyncadd.s32 $0xFFFFFFB0  }
0x7e: {  	_ =	sfence.sel $0x180000  }
0x7f: {  	[bflag:$0x0] =	sbarrier.arrive $0xFFFF  }
0x80: {  	p0 =	sne.s32 s0, $0x0;
	_ =	strace $0x90000047  }
0x81: {  	s0 =	sadd.s32 @!p0 $0x100000, s1;
	[bflag:$0x2] =	sbarrier.arrive $0xFFFF  }
0x82: {  	[sflag:s0] =	ssyncadd.tile.s32 @!p0 $0x1;
	_ =	shalt  }
.Lfunc_end2:
_tile_overlayer_lowered:
.L_overlay_start_2:
0x83: {  	(tag) =	ssettag $0x2  }
0x84: {  	s0 =	rddreg [dreg:$0x0];
	s2 =	stileid.u32  }
0x85: {  	s1 =	rddreg [dreg:$0x1];
	p0 =	sne.s32 s2, $0x0  }
0x86: {  	s3 =	rddreg [dreg:$0x2];
	[bflag:$0x3] =	sbarrier.arrive $0xFFFF;
	s2 =	simm.s32 @!p0 $0x1C03  }
0x87: {  	[timem:s3], [sflag:s2] =	dma.local @!p0 [hbm:s0], s1  }
0x88: {  	s0 =	simm.s32 @!p0 $0x3  }
0x89: {  	_ =	swait.ge @!p0 [sflag:s0], s1  }
0x8a: {  	s1 =	ssub.s32 @!p0 $0x0, s1;
	[sflag:s0] =	ssyncset.done @!p0 $0x0  }
0x8b: {  	[sflag:s0] =	ssyncadd.s32 @!p0 s1  }
0x8c: {  	[bflag:$0x3] =	sbarrier.arrive $0xFFFF  }
0x8d: {  	_ =	shalt  }

</sc_bundles>
